<compile_context>
chip_gen: v7x
topology: tpu7x:2x2x1
jax: 0.10.2.dev20260603
libtpu: 0.0.44.dev20260713+nightly
codegen_flags: <defaults>
</compile_context>

<pallas_src>
import functools

import jax
import jax.numpy as jnp
from jax import lax
from jax.experimental import pallas as pl
from jax.experimental.pallas import tpu as pltpu
from jax.experimental.pallas import tpu_sc as plsc

CS = 32
PADDED = 128


@functools.lru_cache(maxsize=None)
def _make(batch, fields, D):
    info = plsc.get_sparse_core_info()
    NC, NS = info.num_cores, info.num_subcores
    NW = NC * NS
    assert batch % (NW * CS) == 0
    s_per_w = batch // NW
    n_groups = s_per_w // CS
    mesh = plsc.VectorSubcoreMesh(core_axis_name="c", subcore_axis_name="s")

    @functools.partial(
        pl.kernel,
        mesh=mesh,
        out_type=jax.ShapeDtypeStruct((batch, fields, D), jnp.float32),
        scratch_types=[
            pltpu.VMEM((s_per_w, fields), jnp.int32),
            pltpu.VMEM((2, CS, fields, D), jnp.float32),
            pltpu.SemaphoreType.DMA,
            pltpu.SemaphoreType.DMA,
        ],
        compiler_params=pltpu.CompilerParams(use_tc_tiling_on_sc=False),
    )
    def k(idx_hbm, table_hbm, out_hbm, idx_v, bufs, gsem, wsem):
        wid = lax.axis_index("s") * NC + lax.axis_index("c")
        base = wid * s_per_w
        pltpu.sync_copy(idx_hbm.at[pl.ds(base, s_per_w)], idx_v)

        def issue_gathers(g, p):
            for b in range(CS):
                pltpu.async_copy(
                    table_hbm.at[idx_v.at[g * CS + b]], bufs.at[p, b], gsem)

        def wait_gathers(p):
            for b in range(CS):
                pltpu.make_async_copy(
                    table_hbm.at[idx_v.at[0]], bufs.at[p, b], gsem).wait()

        def issue_write(g, p):
            pltpu.async_copy(
                bufs.at[p], out_hbm.at[pl.ds(base + g * CS, CS)], wsem)

        def wait_write(p):
            pltpu.make_async_copy(
                bufs.at[p], out_hbm.at[pl.ds(base, CS)], wsem).wait()

        issue_gathers(0, 0)

        def body(g, carry):
            p = lax.rem(g, 2)
            wait_gathers(p)

            @pl.when(g > 0)
            def _():
                wait_write(1 - p)

            @pl.when(g + 1 < n_groups)
            def _():
                issue_gathers(g + 1, 1 - p)

            issue_write(g, p)
            return carry

        lax.fori_loop(0, n_groups, body, 0)
        wait_write((n_groups - 1) % 2)

    return k


def kernel(index, table):
    batch, fields = index.shape
    V, D = table.shape
    tab2 = jnp.pad(table, ((0, 0), (0, PADDED - D)))
    tab2 = tab2.reshape(V * (PADDED // D), D)
    idx = index.astype(jnp.int32) * (PADDED // D)
    return _make(batch, fields, D)(idx, tab2)

# --- scband reference (transcript-rebuilt; emitter-appended) ---
"""Pipeline reference for scband-embedding-prunalbe-71451075936911 (READ-ONLY COPY).

The authoritative reference and input builder live on the scoring server;
editing this copy changes nothing except your own understanding.
"""

import jax, jax.numpy as jnp
import numpy as np

VOCAB = 1000000
EMBED_DIM = 64
BATCH = 16384
FIELDS = 26

def setup_inputs(seed: int = 0) -> dict:
    key = jax.random.key(seed)
    k1, k2 = jax.random.split(key)
    index = jax.random.randint(k1, (BATCH, FIELDS), 0, VOCAB, dtype=jnp.int64 if jax.config.jax_enable_x64 else jnp.int32)
    table = jax.random.normal(k2, (VOCAB, EMBED_DIM), dtype=jnp.float32) * 0.05
    return {"index": index, "table": table}

def reference(index, table):
    # Embedding lookup; dropout is identity at inference (keras Dropout default training=False)
    out = jnp.take(table, index, axis=0)
    return out

if __name__ == "__main__":
    import jax
    _d = setup_inputs()
    print(jax.jit(kernel)(*tuple(_d.values())))

</pallas_src>

<mosaic_0001>
#map = affine_map<(d0, d1) -> (0, 0)>
#map1 = affine_map<(d0, d1) -> (0, 0, 0)>
module attributes {stable_mosaic.version = 14 : i64} {
  func.func @k(%arg0: i32, %arg1: i32, %arg2: memref<16384x26xi32, #tpu.memory_space<hbm>>, %arg3: memref<2000000x64xf32, #tpu.memory_space<hbm>>, %arg4: memref<16384x26x64xf32, #tpu.memory_space<hbm>>, %arg5: memref<512x26xi32, #tpu.memory_space<vmem>>, %arg6: memref<2x32x26x64xf32, #tpu.memory_space<vmem>>, %arg7: memref<!tpu.dma_semaphore, #tpu.memory_space<semaphore_mem>>, %arg8: memref<!tpu.dma_semaphore, #tpu.memory_space<semaphore_mem>>) attributes {dimension_semantics = [#tpu.dimension_semantics<core_parallel>, #tpu.dimension_semantics<subcore_parallel>], iteration_bounds = array<i64: 2, 16>, scalar_prefetch = 0 : i64, scratch_operands = 4 : i64, tpu.core_type = #tpu.core_type<sc_vector_subcore>, window_params = [{transform_indices = #map}, {transform_indices = #map}, {transform_indices = #map1}]} {
    %mul3A = arith.constant 2 : i32
    %mul3A_0 = arith.muli %arg1, %mul3A : i32
    %add3A = arith.addi %mul3A_0, %arg0 : i32
    %mul3A_1 = arith.constant 512 : i32
    %mul3A_2 = arith.muli %add3A, %mul3A_1 : i32
    "tpu.region"() ({
      %run_scoped3A = tpu.sem_alloc : memref<!tpu.dma_semaphore, #tpu.memory_space<semaphore_mem>>
      %dma_start3A_439 = arith.constant 0 : i32
      %dma_start3A_440 = tpu.memref_slice %arg2[%mul3A_2, %dma_start3A_439] : memref<16384x26xi32, #tpu.memory_space<hbm>> -> memref<512x26xi32, #tpu.memory_space<hbm>>
      %dma_start3A_441 = arith.constant 0 : i32
      %dma_start3A_442 = tpu.memref_slice %arg2[%mul3A_2, %dma_start3A_441] : memref<16384x26xi32, #tpu.memory_space<hbm>> -> memref<512x26xi32, #tpu.memory_space<hbm>>
      tpu.enqueue_dma source(%dma_start3A_442 : memref<512x26xi32, #tpu.memory_space<hbm>>) target(%arg5 : memref<512x26xi32, #tpu.memory_space<vmem>>) target_semaphore(%run_scoped3A : memref<!tpu.dma_semaphore, #tpu.memory_space<semaphore_mem>>)
      %dma_wait3A_443 = arith.constant 0 : i32
      %dma_wait3A_444 = tpu.memref_slice %arg2[%mul3A_2, %dma_wait3A_443] : memref<16384x26xi32, #tpu.memory_space<hbm>> -> memref<512x26xi32, #tpu.memory_space<hbm>>
      %dma_wait3A_445 = arith.constant 0 : i32
      %dma_wait3A_446 = tpu.memref_slice %arg2[%mul3A_2, %dma_wait3A_445] : memref<16384x26xi32, #tpu.memory_space<hbm>> -> memref<512x26xi32, #tpu.memory_space<hbm>>
      tpu.wait_dma2 semaphore(%run_scoped3A : memref<!tpu.dma_semaphore, #tpu.memory_space<semaphore_mem>>) src(%dma_wait3A_446 : memref<512x26xi32, #tpu.memory_space<hbm>>) dst(%arg5 : memref<512x26xi32, #tpu.memory_space<vmem>>)
      tpu.yield
    }) : () -> ()
    %dma_start3A = arith.constant 0 : i32
    %dma_start3A_3 = arith.constant 0 : i32
    %dma_start3A_4 = arith.constant 0 : i32
    %dma_start3A_5 = arith.constant 0 : i32
    %dma_start3A_6 = arith.constant 0 : i32
    %dma_start3A_7 = tpu.memref_slice %arg6[%dma_start3A_3, %dma_start3A_4, %dma_start3A_5, %dma_start3A_6] : memref<2x32x26x64xf32, #tpu.memory_space<vmem>> -> memref<1x1x26x64xf32, #tpu.memory_space<vmem>>
    %dma_start3A_8 = tpu.memref_squeeze %dma_start3A_7 : memref<1x1x26x64xf32, #tpu.memory_space<vmem>> -> memref<26x64xf32, #tpu.memory_space<vmem>>
    %dma_start3A_9 = arith.constant 0 : i32
    %dma_start3A_10 = tpu.memref_slice %arg5[%dma_start3A, %dma_start3A_9] : memref<512x26xi32, #tpu.memory_space<vmem>> -> memref<1x26xi32, #tpu.memory_space<vmem>>
    %dma_start3A_11 = tpu.memref_squeeze %dma_start3A_10 : memref<1x26xi32, #tpu.memory_space<vmem>> -> memref<26xi32, #tpu.memory_space<vmem>>
    %dma_start3A_12 = arith.constant 0 : i32
    %dma_start3A_13 = arith.constant 0 : i32
    %dma_start3A_14 = tpu.memref_slice %arg3[%dma_start3A_12, %dma_start3A_13] : memref<2000000x64xf32, #tpu.memory_space<hbm>> -> memref<2000000x64xf32, #tpu.memory_space<hbm>>
    tpu.enqueue_indirect_dma source(%dma_start3A_14 : memref<2000000x64xf32, #tpu.memory_space<hbm>>) target(%dma_start3A_8 : memref<26x64xf32, #tpu.memory_space<vmem>>) offsets(%dma_start3A_11 : memref<26xi32, #tpu.memory_space<vmem>>) semaphore(%arg7 : memref<!tpu.dma_semaphore, #tpu.memory_space<semaphore_mem>>)
    %dma_start3A_15 = arith.constant 1 : i32
    %dma_start3A_16 = arith.constant 0 : i32
    %dma_start3A_17 = arith.constant 1 : i32
    %dma_start3A_18 = arith.constant 0 : i32
    %dma_start3A_19 = arith.constant 0 : i32
    %dma_start3A_20 = tpu.memref_slice %arg6[%dma_start3A_16, %dma_start3A_17, %dma_start3A_18, %dma_start3A_19] : memref<2x32x26x64xf32, #tpu.memory_space<vmem>> -> memref<1x1x26x64xf32, #tpu.memory_space<vmem>>
    %dma_start3A_21 = tpu.memref_squeeze %dma_start3A_20 : memref<1x1x26x64xf32, #tpu.memory_space<vmem>> -> memref<26x64xf32, #tpu.memory_space<vmem>>
    %dma_start3A_22 = arith.constant 0 : i32
    %dma_start3A_23 = tpu.memref_slice %arg5[%dma_start3A_15, %dma_start3A_22] : memref<512x26xi32, #tpu.memory_space<vmem>> -> memref<1x26xi32, #tpu.memory_space<vmem>>
    %dma_start3A_24 = tpu.memref_squeeze %dma_start3A_23 : memref<1x26xi32, #tpu.memory_space<vmem>> -> memref<26xi32, #tpu.memory_space<vmem>>
    %dma_start3A_25 = arith.constant 0 : i32
    %dma_start3A_26 = arith.constant 0 : i32
    %dma_start3A_27 = tpu.memref_slice %arg3[%dma_start3A_25, %dma_start3A_26] : memref<2000000x64xf32, #tpu.memory_space<hbm>> -> memref<2000000x64xf32, #tpu.memory_space<hbm>>
    tpu.enqueue_indirect_dma source(%dma_start3A_27 : memref<2000000x64xf32, #tpu.memory_space<hbm>>) target(%dma_start3A_21 : memref<26x64xf32, #tpu.memory_space<vmem>>) offsets(%dma_start3A_24 : memref<26xi32, #tpu.memory_space<vmem>>) semaphore(%arg7 : memref<!tpu.dma_semaphore, #tpu.memory_space<semaphore_mem>>)
    %dma_start3A_28 = arith.constant 2 : i32
    %dma_start3A_29 = arith.constant 0 : i32
    %dma_start3A_30 = arith.constant 2 : i32
    %dma_start3A_31 = arith.constant 0 : i32
    %dma_start3A_32 = arith.constant 0 : i32
    %dma_start3A_33 = tpu.memref_slice %arg6[%dma_start3A_29, %dma_start3A_30, %dma_start3A_31, %dma_start3A_32] : memref<2x32x26x64xf32, #tpu.memory_space<vmem>> -> memref<1x1x26x64xf32, #tpu.memory_space<vmem>>
    %dma_start3A_34 = tpu.memref_squeeze %dma_start3A_33 : memref<1x1x26x64xf32, #tpu.memory_space<vmem>> -> memref<26x64xf32, #tpu.memory_space<vmem>>
    %dma_start3A_35 = arith.constant 0 : i32
    %dma_start3A_36 = tpu.memref_slice %arg5[%dma_start3A_28, %dma_start3A_35] : memref<512x26xi32, #tpu.memory_space<vmem>> -> memref<1x26xi32, #tpu.memory_space<vmem>>
    %dma_start3A_37 = tpu.memref_squeeze %dma_start3A_36 : memref<1x26xi32, #tpu.memory_space<vmem>> -> memref<26xi32, #tpu.memory_space<vmem>>
    %dma_start3A_38 = arith.constant 0 : i32
    %dma_start3A_39 = arith.constant 0 : i32
    %dma_start3A_40 = tpu.memref_slice %arg3[%dma_start3A_38, %dma_start3A_39] : memref<2000000x64xf32, #tpu.memory_space<hbm>> -> memref<2000000x64xf32, #tpu.memory_space<hbm>>
    tpu.enqueue_indirect_dma source(%dma_start3A_40 : memref<2000000x64xf32, #tpu.memory_space<hbm>>) target(%dma_start3A_34 : memref<26x64xf32, #tpu.memory_space<vmem>>) offsets(%dma_start3A_37 : memref<26xi32, #tpu.memory_space<vmem>>) semaphore(%arg7 : memref<!tpu.dma_semaphore, #tpu.memory_space<semaphore_mem>>)
    %dma_start3A_41 = arith.constant 3 : i32
    %dma_start3A_42 = arith.constant 0 : i32
    %dma_start3A_43 = arith.constant 3 : i32
    %dma_start3A_44 = arith.constant 0 : i32
    %dma_start3A_45 = arith.constant 0 : i32
    %dma_start3A_46 = tpu.memref_slice %arg6[%dma_start3A_42, %dma_start3A_43, %dma_start3A_44, %dma_start3A_45] : memref<2x32x26x64xf32, #tpu.memory_space<vmem>> -> memref<1x1x26x64xf32, #tpu.memory_space<vmem>>
    %dma_start3A_47 = tpu.memref_squeeze %dma_start3A_46 : memref<1x1x26x64xf32, #tpu.memory_space<vmem>> -> memref<26x64xf32, #tpu.memory_space<vmem>>
    %dma_start3A_48 = arith.constant 0 : i32
    %dma_start3A_49 = tpu.memref_slice %arg5[%dma_start3A_41, %dma_start3A_48] : memref<512x26xi32, #tpu.memory_space<vmem>> -> memref<1x26xi32, #tpu.memory_space<vmem>>
    %dma_start3A_50 = tpu.memref_squeeze %dma_start3A_49 : memref<1x26xi32, #tpu.memory_space<vmem>> -> memref<26xi32, #tpu.memory_space<vmem>>
    %dma_start3A_51 = arith.constant 0 : i32
    %dma_start3A_52 = arith.constant 0 : i32
    %dma_start3A_53 = tpu.memref_slice %arg3[%dma_start3A_51, %dma_start3A_52] : memref<2000000x64xf32, #tpu.memory_space<hbm>> -> memref<2000000x64xf32, #tpu.memory_space<hbm>>
    tpu.enqueue_indirect_dma source(%dma_start3A_53 : memref<2000000x64xf32, #tpu.memory_space<hbm>>) target(%dma_start3A_47 : memref<26x64xf32, #tpu.memory_space<vmem>>) offsets(%dma_start3A_50 : memref<26xi32, #tpu.memory_space<vmem>>) semaphore(%arg7 : memref<!tpu.dma_semaphore, #tpu.memory_space<semaphore_mem>>)
    %dma_start3A_54 = arith.constant 4 : i32
    %dma_start3A_55 = arith.constant 0 : i32
    %dma_start3A_56 = arith.constant 4 : i32
    %dma_start3A_57 = arith.constant 0 : i32
    %dma_start3A_58 = arith.constant 0 : i32
    %dma_start3A_59 = tpu.memref_slice %arg6[%dma_start3A_55, %dma_start3A_56, %dma_start3A_57, %dma_start3A_58] : memref<2x32x26x64xf32, #tpu.memory_space<vmem>> -> memref<1x1x26x64xf32, #tpu.memory_space<vmem>>
    %dma_start3A_60 = tpu.memref_squeeze %dma_start3A_59 : memref<1x1x26x64xf32, #tpu.memory_space<vmem>> -> memref<26x64xf32, #tpu.memory_space<vmem>>
    %dma_start3A_61 = arith.constant 0 : i32
    %dma_start3A_62 = tpu.memref_slice %arg5[%dma_start3A_54, %dma_start3A_61] : memref<512x26xi32, #tpu.memory_space<vmem>> -> memref<1x26xi32, #tpu.memory_space<vmem>>
    %dma_start3A_63 = tpu.memref_squeeze %dma_start3A_62 : memref<1x26xi32, #tpu.memory_space<vmem>> -> memref<26xi32, #tpu.memory_space<vmem>>
    %dma_start3A_64 = arith.constant 0 : i32
    %dma_start3A_65 = arith.constant 0 : i32
    %dma_start3A_66 = tpu.memref_slice %arg3[%dma_start3A_64, %dma_start3A_65] : memref<2000000x64xf32, #tpu.memory_space<hbm>> -> memref<2000000x64xf32, #tpu.memory_space<hbm>>
    tpu.enqueue_indirect_dma source(%dma_start3A_66 : memref<2000000x64xf32, #tpu.memory_space<hbm>>) target(%dma_start3A_60 : memref<26x64xf32, #tpu.memory_space<vmem>>) offsets(%dma_start3A_63 : memref<26xi32, #tpu.memory_space<vmem>>) semaphore(%arg7 : memref<!tpu.dma_semaphore, #tpu.memory_space<semaphore_mem>>)
    %dma_start3A_67 = arith.constant 5 : i32
    %dma_start3A_68 = arith.constant 0 : i32
    %dma_start3A_69 = arith.constant 5 : i32
    %dma_start3A_70 = arith.constant 0 : i32
    %dma_start3A_71 = arith.constant 0 : i32
    %dma_start3A_72 = tpu.memref_slice %arg6[%dma_start3A_68, %dma_start3A_69, %dma_start3A_70, %dma_start3A_71] : memref<2x32x26x64xf32, #tpu.memory_space<vmem>> -> memref<1x1x26x64xf32, #tpu.memory_space<vmem>>
    %dma_start3A_73 = tpu.memref_squeeze %dma_start3A_72 : memref<1x1x26x64xf32, #tpu.memory_space<vmem>> -> memref<26x64xf32, #tpu.memory_space<vmem>>
    %dma_start3A_74 = arith.constant 0 : i32
    %dma_start3A_75 = tpu.memref_slice %arg5[%dma_start3A_67, %dma_start3A_74] : memref<512x26xi32, #tpu.memory_space<vmem>> -> memref<1x26xi32, #tpu.memory_space<vmem>>
    %dma_start3A_76 = tpu.memref_squeeze %dma_start3A_75 : memref<1x26xi32, #tpu.memory_space<vmem>> -> memref<26xi32, #tpu.memory_space<vmem>>
    %dma_start3A_77 = arith.constant 0 : i32
    %dma_start3A_78 = arith.constant 0 : i32
    %dma_start3A_79 = tpu.memref_slice %arg3[%dma_start3A_77, %dma_start3A_78] : memref<2000000x64xf32, #tpu.memory_space<hbm>> -> memref<2000000x64xf32, #tpu.memory_space<hbm>>
    tpu.enqueue_indirect_dma source(%dma_start3A_79 : memref<2000000x64xf32, #tpu.memory_space<hbm>>) target(%dma_start3A_73 : memref<26x64xf32, #tpu.memory_space<vmem>>) offsets(%dma_start3A_76 : memref<26xi32, #tpu.memory_space<vmem>>) semaphore(%arg7 : memref<!tpu.dma_semaphore, #tpu.memory_space<semaphore_mem>>)
    %dma_start3A_80 = arith.constant 6 : i32
    %dma_start3A_81 = arith.constant 0 : i32
    %dma_start3A_82 = arith.constant 6 : i32
    %dma_start3A_83 = arith.constant 0 : i32
    %dma_start3A_84 = arith.constant 0 : i32
    %dma_start3A_85 = tpu.memref_slice %arg6[%dma_start3A_81, %dma_start3A_82, %dma_start3A_83, %dma_start3A_84] : memref<2x32x26x64xf32, #tpu.memory_space<vmem>> -> memref<1x1x26x64xf32, #tpu.memory_space<vmem>>
    %dma_start3A_86 = tpu.memref_squeeze %dma_start3A_85 : memref<1x1x26x64xf32, #tpu.memory_space<vmem>> -> memref<26x64xf32, #tpu.memory_space<vmem>>
    %dma_start3A_87 = arith.constant 0 : i32
    %dma_start3A_88 = tpu.memref_slice %arg5[%dma_start3A_80, %dma_start3A_87] : memref<512x26xi32, #tpu.memory_space<vmem>> -> memref<1x26xi32, #tpu.memory_space<vmem>>
    %dma_start3A_89 = tpu.memref_squeeze %dma_start3A_88 : memref<1x26xi32, #tpu.memory_space<vmem>> -> memref<26xi32, #tpu.memory_space<vmem>>
    %dma_start3A_90 = arith.constant 0 : i32
    %dma_start3A_91 = arith.constant 0 : i32
    %dma_start3A_92 = tpu.memref_slice %arg3[%dma_start3A_90, %dma_start3A_91] : memref<2000000x64xf32, #tpu.memory_space<hbm>> -> memref<2000000x64xf32, #tpu.memory_space<hbm>>
    tpu.enqueue_indirect_dma source(%dma_start3A_92 : memref<2000000x64xf32, #tpu.memory_space<hbm>>) target(%dma_start3A_86 : memref<26x64xf32, #tpu.memory_space<vmem>>) offsets(%dma_start3A_89 : memref<26xi32, #tpu.memory_space<vmem>>) semaphore(%arg7 : memref<!tpu.dma_semaphore, #tpu.memory_space<semaphore_mem>>)
    %dma_start3A_93 = arith.constant 7 : i32
    %dma_start3A_94 = arith.constant 0 : i32
    %dma_start3A_95 = arith.constant 7 : i32
    %dma_start3A_96 = arith.constant 0 : i32
    %dma_start3A_97 = arith.constant 0 : i32
    %dma_start3A_98 = tpu.memref_slice %arg6[%dma_start3A_94, %dma_start3A_95, %dma_start3A_96, %dma_start3A_97] : memref<2x32x26x64xf32, #tpu.memory_space<vmem>> -> memref<1x1x26x64xf32, #tpu.memory_space<vmem>>
    %dma_start3A_99 = tpu.memref_squeeze %dma_start3A_98 : memref<1x1x26x64xf32, #tpu.memory_space<vmem>> -> memref<26x64xf32, #tpu.memory_space<vmem>>
    %dma_start3A_100 = arith.constant 0 : i32
    %dma_start3A_101 = tpu.memref_slice %arg5[%dma_start3A_93, %dma_start3A_100] : memref<512x26xi32, #tpu.memory_space<vmem>> -> memref<1x26xi32, #tpu.memory_space<vmem>>
    %dma_start3A_102 = tpu.memref_squeeze %dma_start3A_101 : memref<1x26xi32, #tpu.memory_space<vmem>> -> memref<26xi32, #tpu.memory_space<vmem>>
    %dma_start3A_103 = arith.constant 0 : i32
    %dma_start3A_104 = arith.constant 0 : i32
    %dma_start3A_105 = tpu.memref_slice %arg3[%dma_start3A_103, %dma_start3A_104] : memref<2000000x64xf32, #tpu.memory_space<hbm>> -> memref<2000000x64xf32, #tpu.memory_space<hbm>>
    tpu.enqueue_indirect_dma source(%dma_start3A_105 : memref<2000000x64xf32, #tpu.memory_space<hbm>>) target(%dma_start3A_99 : memref<26x64xf32, #tpu.memory_space<vmem>>) offsets(%dma_start3A_102 : memref<26xi32, #tpu.memory_space<vmem>>) semaphore(%arg7 : memref<!tpu.dma_semaphore, #tpu.memory_space<semaphore_mem>>)
    %dma_start3A_106 = arith.constant 8 : i32
    %dma_start3A_107 = arith.constant 0 : i32
    %dma_start3A_108 = arith.constant 8 : i32
    %dma_start3A_109 = arith.constant 0 : i32
    %dma_start3A_110 = arith.constant 0 : i32
    %dma_start3A_111 = tpu.memref_slice %arg6[%dma_start3A_107, %dma_start3A_108, %dma_start3A_109, %dma_start3A_110] : memref<2x32x26x64xf32, #tpu.memory_space<vmem>> -> memref<1x1x26x64xf32, #tpu.memory_space<vmem>>
    %dma_start3A_112 = tpu.memref_squeeze %dma_start3A_111 : memref<1x1x26x64xf32, #tpu.memory_space<vmem>> -> memref<26x64xf32, #tpu.memory_space<vmem>>
    %dma_start3A_113 = arith.constant 0 : i32
    %dma_start3A_114 = tpu.memref_slice %arg5[%dma_start3A_106, %dma_start3A_113] : memref<512x26xi32, #tpu.memory_space<vmem>> -> memref<1x26xi32, #tpu.memory_space<vmem>>
    %dma_start3A_115 = tpu.memref_squeeze %dma_start3A_114 : memref<1x26xi32, #tpu.memory_space<vmem>> -> memref<26xi32, #tpu.memory_space<vmem>>
    %dma_start3A_116 = arith.constant 0 : i32
    %dma_start3A_117 = arith.constant 0 : i32
    %dma_start3A_118 = tpu.memref_slice %arg3[%dma_start3A_116, %dma_start3A_117] : memref<2000000x64xf32, #tpu.memory_space<hbm>> -> memref<2000000x64xf32, #tpu.memory_space<hbm>>
    tpu.enqueue_indirect_dma source(%dma_start3A_118 : memref<2000000x64xf32, #tpu.memory_space<hbm>>) target(%dma_start3A_112 : memref<26x64xf32, #tpu.memory_space<vmem>>) offsets(%dma_start3A_115 : memref<26xi32, #tpu.memory_space<vmem>>) semaphore(%arg7 : memref<!tpu.dma_semaphore, #tpu.memory_space<semaphore_mem>>)
    %dma_start3A_119 = arith.constant 9 : i32
    %dma_start3A_120 = arith.constant 0 : i32
    %dma_start3A_121 = arith.constant 9 : i32
    %dma_start3A_122 = arith.constant 0 : i32
    %dma_start3A_123 = arith.constant 0 : i32
    %dma_start3A_124 = tpu.memref_slice %arg6[%dma_start3A_120, %dma_start3A_121, %dma_start3A_122, %dma_start3A_123] : memref<2x32x26x64xf32, #tpu.memory_space<vmem>> -> memref<1x1x26x64xf32, #tpu.memory_space<vmem>>
    %dma_start3A_125 = tpu.memref_squeeze %dma_start3A_124 : memref<1x1x26x64xf32, #tpu.memory_space<vmem>> -> memref<26x64xf32, #tpu.memory_space<vmem>>
    %dma_start3A_126 = arith.constant 0 : i32
    %dma_start3A_127 = tpu.memref_slice %arg5[%dma_start3A_119, %dma_start3A_126] : memref<512x26xi32, #tpu.memory_space<vmem>> -> memref<1x26xi32, #tpu.memory_space<vmem>>
    %dma_start3A_128 = tpu.memref_squeeze %dma_start3A_127 : memref<1x26xi32, #tpu.memory_space<vmem>> -> memref<26xi32, #tpu.memory_space<vmem>>
    %dma_start3A_129 = arith.constant 0 : i32
    %dma_start3A_130 = arith.constant 0 : i32
    %dma_start3A_131 = tpu.memref_slice %arg3[%dma_start3A_129, %dma_start3A_130] : memref<2000000x64xf32, #tpu.memory_space<hbm>> -> memref<2000000x64xf32, #tpu.memory_space<hbm>>
    tpu.enqueue_indirect_dma source(%dma_start3A_131 : memref<2000000x64xf32, #tpu.memory_space<hbm>>) target(%dma_start3A_125 : memref<26x64xf32, #tpu.memory_space<vmem>>) offsets(%dma_start3A_128 : memref<26xi32, #tpu.memory_space<vmem>>) semaphore(%arg7 : memref<!tpu.dma_semaphore, #tpu.memory_space<semaphore_mem>>)
    %dma_start3A_132 = arith.constant 10 : i32
    %dma_start3A_133 = arith.constant 0 : i32
    %dma_start3A_134 = arith.constant 10 : i32
    %dma_start3A_135 = arith.constant 0 : i32
    %dma_start3A_136 = arith.constant 0 : i32
    %dma_start3A_137 = tpu.memref_slice %arg6[%dma_start3A_133, %dma_start3A_134, %dma_start3A_135, %dma_start3A_136] : memref<2x32x26x64xf32, #tpu.memory_space<vmem>> -> memref<1x1x26x64xf32, #tpu.memory_space<vmem>>
    %dma_start3A_138 = tpu.memref_squeeze %dma_start3A_137 : memref<1x1x26x64xf32, #tpu.memory_space<vmem>> -> memref<26x64xf32, #tpu.memory_space<vmem>>
    %dma_start3A_139 = arith.constant 0 : i32
    %dma_start3A_140 = tpu.memref_slice %arg5[%dma_start3A_132, %dma_start3A_139] : memref<512x26xi32, #tpu.memory_space<vmem>> -> memref<1x26xi32, #tpu.memory_space<vmem>>
    %dma_start3A_141 = tpu.memref_squeeze %dma_start3A_140 : memref<1x26xi32, #tpu.memory_space<vmem>> -> memref<26xi32, #tpu.memory_space<vmem>>
    %dma_start3A_142 = arith.constant 0 : i32
    %dma_start3A_143 = arith.constant 0 : i32
    %dma_start3A_144 = tpu.memref_slice %arg3[%dma_start3A_142, %dma_start3A_143] : memref<2000000x64xf32, #tpu.memory_space<hbm>> -> memref<2000000x64xf32, #tpu.memory_space<hbm>>
    tpu.enqueue_indirect_dma source(%dma_start3A_144 : memref<2000000x64xf32, #tpu.memory_space<hbm>>) target(%dma_start3A_138 : memref<26x64xf32, #tpu.memory_space<vmem>>) offsets(%dma_start3A_141 : memref<26xi32, #tpu.memory_space<vmem>>) semaphore(%arg7 : memref<!tpu.dma_semaphore, #tpu.memory_space<semaphore_mem>>)
    %dma_start3A_145 = arith.constant 11 : i32
    %dma_start3A_146 = arith.constant 0 : i32
    %dma_start3A_147 = arith.constant 11 : i32
    %dma_start3A_148 = arith.constant 0 : i32
    %dma_start3A_149 = arith.constant 0 : i32
    %dma_start3A_150 = tpu.memref_slice %arg6[%dma_start3A_146, %dma_start3A_147, %dma_start3A_148, %dma_start3A_149] : memref<2x32x26x64xf32, #tpu.memory_space<vmem>> -> memref<1x1x26x64xf32, #tpu.memory_space<vmem>>
    %dma_start3A_151 = tpu.memref_squeeze %dma_start3A_150 : memref<1x1x26x64xf32, #tpu.memory_space<vmem>> -> memref<26x64xf32, #tpu.memory_space<vmem>>
    %dma_start3A_152 = arith.constant 0 : i32
    %dma_start3A_153 = tpu.memref_slice %arg5[%dma_start3A_145, %dma_start3A_152] : memref<512x26xi32, #tpu.memory_space<vmem>> -> memref<1x26xi32, #tpu.memory_space<vmem>>
    %dma_start3A_154 = tpu.memref_squeeze %dma_start3A_153 : memref<1x26xi32, #tpu.memory_space<vmem>> -> memref<26xi32, #tpu.memory_space<vmem>>
    %dma_start3A_155 = arith.constant 0 : i32
    %dma_start3A_156 = arith.constant 0 : i32
    %dma_start3A_157 = tpu.memref_slice %arg3[%dma_start3A_155, %dma_start3A_156] : memref<2000000x64xf32, #tpu.memory_space<hbm>> -> memref<2000000x64xf32, #tpu.memory_space<hbm>>
    tpu.enqueue_indirect_dma source(%dma_start3A_157 : memref<2000000x64xf32, #tpu.memory_space<hbm>>) target(%dma_start3A_151 : memref<26x64xf32, #tpu.memory_space<vmem>>) offsets(%dma_start3A_154 : memref<26xi32, #tpu.memory_space<vmem>>) semaphore(%arg7 : memref<!tpu.dma_semaphore, #tpu.memory_space<semaphore_mem>>)
    %dma_start3A_158 = arith.constant 12 : i32
    %dma_start3A_159 = arith.constant 0 : i32
    %dma_start3A_160 = arith.constant 12 : i32
    %dma_start3A_161 = arith.constant 0 : i32
    %dma_start3A_162 = arith.constant 0 : i32
    %dma_start3A_163 = tpu.memref_slice %arg6[%dma_start3A_159, %dma_start3A_160, %dma_start3A_161, %dma_start3A_162] : memref<2x32x26x64xf32, #tpu.memory_space<vmem>> -> memref<1x1x26x64xf32, #tpu.memory_space<vmem>>
    %dma_start3A_164 = tpu.memref_squeeze %dma_start3A_163 : memref<1x1x26x64xf32, #tpu.memory_space<vmem>> -> memref<26x64xf32, #tpu.memory_space<vmem>>
    %dma_start3A_165 = arith.constant 0 : i32
    %dma_start3A_166 = tpu.memref_slice %arg5[%dma_start3A_158, %dma_start3A_165] : memref<512x26xi32, #tpu.memory_space<vmem>> -> memref<1x26xi32, #tpu.memory_space<vmem>>
    %dma_start3A_167 = tpu.memref_squeeze %dma_start3A_166 : memref<1x26xi32, #tpu.memory_space<vmem>> -> memref<26xi32, #tpu.memory_space<vmem>>
    %dma_start3A_168 = arith.constant 0 : i32
    %dma_start3A_169 = arith.constant 0 : i32
    %dma_start3A_170 = tpu.memref_slice %arg3[%dma_start3A_168, %dma_start3A_169] : memref<2000000x64xf32, #tpu.memory_space<hbm>> -> memref<2000000x64xf32, #tpu.memory_space<hbm>>
    tpu.enqueue_indirect_dma source(%dma_start3A_170 : memref<2000000x64xf32, #tpu.memory_space<hbm>>) target(%dma_start3A_164 : memref<26x64xf32, #tpu.memory_space<vmem>>) offsets(%dma_start3A_167 : memref<26xi32, #tpu.memory_space<vmem>>) semaphore(%arg7 : memref<!tpu.dma_semaphore, #tpu.memory_space<semaphore_mem>>)
    %dma_start3A_171 = arith.constant 13 : i32
    %dma_start3A_172 = arith.constant 0 : i32
    %dma_start3A_173 = arith.constant 13 : i32
    %dma_start3A_174 = arith.constant 0 : i32
    %dma_start3A_175 = arith.constant 0 : i32
    %dma_start3A_176 = tpu.memref_slice %arg6[%dma_start3A_172, %dma_start3A_173, %dma_start3A_174, %dma_start3A_175] : memref<2x32x26x64xf32, #tpu.memory_space<vmem>> -> memref<1x1x26x64xf32, #tpu.memory_space<vmem>>
    %dma_start3A_177 = tpu.memref_squeeze %dma_start3A_176 : memref<1x1x26x64xf32, #tpu.memory_space<vmem>> -> memref<26x64xf32, #tpu.memory_space<vmem>>
    %dma_start3A_178 = arith.constant 0 : i32
    %dma_start3A_179 = tpu.memref_slice %arg5[%dma_start3A_171, %dma_start3A_178] : memref<512x26xi32, #tpu.memory_space<vmem>> -> memref<1x26xi32, #tpu.memory_space<vmem>>
    %dma_start3A_180 = tpu.memref_squeeze %dma_start3A_179 : memref<1x26xi32, #tpu.memory_space<vmem>> -> memref<26xi32, #tpu.memory_space<vmem>>
    %dma_start3A_181 = arith.constant 0 : i32
    %dma_start3A_182 = arith.constant 0 : i32
    %dma_start3A_183 = tpu.memref_slice %arg3[%dma_start3A_181, %dma_start3A_182] : memref<2000000x64xf32, #tpu.memory_space<hbm>> -> memref<2000000x64xf32, #tpu.memory_space<hbm>>
    tpu.enqueue_indirect_dma source(%dma_start3A_183 : memref<2000000x64xf32, #tpu.memory_space<hbm>>) target(%dma_start3A_177 : memref<26x64xf32, #tpu.memory_space<vmem>>) offsets(%dma_start3A_180 : memref<26xi32, #tpu.memory_space<vmem>>) semaphore(%arg7 : memref<!tpu.dma_semaphore, #tpu.memory_space<semaphore_mem>>)
    %dma_start3A_184 = arith.constant 14 : i32
    %dma_start3A_185 = arith.constant 0 : i32
    %dma_start3A_186 = arith.constant 14 : i32
    %dma_start3A_187 = arith.constant 0 : i32
    %dma_start3A_188 = arith.constant 0 : i32
    %dma_start3A_189 = tpu.memref_slice %arg6[%dma_start3A_185, %dma_start3A_186, %dma_start3A_187, %dma_start3A_188] : memref<2x32x26x64xf32, #tpu.memory_space<vmem>> -> memref<1x1x26x64xf32, #tpu.memory_space<vmem>>
    %dma_start3A_190 = tpu.memref_squeeze %dma_start3A_189 : memref<1x1x26x64xf32, #tpu.memory_space<vmem>> -> memref<26x64xf32, #tpu.memory_space<vmem>>
    %dma_start3A_191 = arith.constant 0 : i32
    %dma_start3A_192 = tpu.memref_slice %arg5[%dma_start3A_184, %dma_start3A_191] : memref<512x26xi32, #tpu.memory_space<vmem>> -> memref<1x26xi32, #tpu.memory_space<vmem>>
    %dma_start3A_193 = tpu.memref_squeeze %dma_start3A_192 : memref<1x26xi32, #tpu.memory_space<vmem>> -> memref<26xi32, #tpu.memory_space<vmem>>
    %dma_start3A_194 = arith.constant 0 : i32
    %dma_start3A_195 = arith.constant 0 : i32
    %dma_start3A_196 = tpu.memref_slice %arg3[%dma_start3A_194, %dma_start3A_195] : memref<2000000x64xf32, #tpu.memory_space<hbm>> -> memref<2000000x64xf32, #tpu.memory_space<hbm>>
    tpu.enqueue_indirect_dma source(%dma_start3A_196 : memref<2000000x64xf32, #tpu.memory_space<hbm>>) target(%dma_start3A_190 : memref<26x64xf32, #tpu.memory_space<vmem>>) offsets(%dma_start3A_193 : memref<26xi32, #tpu.memory_space<vmem>>) semaphore(%arg7 : memref<!tpu.dma_semaphore, #tpu.memory_space<semaphore_mem>>)
    %dma_start3A_197 = arith.constant 15 : i32
    %dma_start3A_198 = arith.constant 0 : i32
    %dma_start3A_199 = arith.constant 15 : i32
    %dma_start3A_200 = arith.constant 0 : i32
    %dma_start3A_201 = arith.constant 0 : i32
    %dma_start3A_202 = tpu.memref_slice %arg6[%dma_start3A_198, %dma_start3A_199, %dma_start3A_200, %dma_start3A_201] : memref<2x32x26x64xf32, #tpu.memory_space<vmem>> -> memref<1x1x26x64xf32, #tpu.memory_space<vmem>>
    %dma_start3A_203 = tpu.memref_squeeze %dma_start3A_202 : memref<1x1x26x64xf32, #tpu.memory_space<vmem>> -> memref<26x64xf32, #tpu.memory_space<vmem>>
    %dma_start3A_204 = arith.constant 0 : i32
    %dma_start3A_205 = tpu.memref_slice %arg5[%dma_start3A_197, %dma_start3A_204] : memref<512x26xi32, #tpu.memory_space<vmem>> -> memref<1x26xi32, #tpu.memory_space<vmem>>
    %dma_start3A_206 = tpu.memref_squeeze %dma_start3A_205 : memref<1x26xi32, #tpu.memory_space<vmem>> -> memref<26xi32, #tpu.memory_space<vmem>>
    %dma_start3A_207 = arith.constant 0 : i32
    %dma_start3A_208 = arith.constant 0 : i32
    %dma_start3A_209 = tpu.memref_slice %arg3[%dma_start3A_207, %dma_start3A_208] : memref<2000000x64xf32, #tpu.memory_space<hbm>> -> memref<2000000x64xf32, #tpu.memory_space<hbm>>
    tpu.enqueue_indirect_dma source(%dma_start3A_209 : memref<2000000x64xf32, #tpu.memory_space<hbm>>) target(%dma_start3A_203 : memref<26x64xf32, #tpu.memory_space<vmem>>) offsets(%dma_start3A_206 : memref<26xi32, #tpu.memory_space<vmem>>) semaphore(%arg7 : memref<!tpu.dma_semaphore, #tpu.memory_space<semaphore_mem>>)
    %dma_start3A_210 = arith.constant 16 : i32
    %dma_start3A_211 = arith.constant 0 : i32
    %dma_start3A_212 = arith.constant 16 : i32
    %dma_start3A_213 = arith.constant 0 : i32
    %dma_start3A_214 = arith.constant 0 : i32
    %dma_start3A_215 = tpu.memref_slice %arg6[%dma_start3A_211, %dma_start3A_212, %dma_start3A_213, %dma_start3A_214] : memref<2x32x26x64xf32, #tpu.memory_space<vmem>> -> memref<1x1x26x64xf32, #tpu.memory_space<vmem>>
    %dma_start3A_216 = tpu.memref_squeeze %dma_start3A_215 : memref<1x1x26x64xf32, #tpu.memory_space<vmem>> -> memref<26x64xf32, #tpu.memory_space<vmem>>
    %dma_start3A_217 = arith.constant 0 : i32
    %dma_start3A_218 = tpu.memref_slice %arg5[%dma_start3A_210, %dma_start3A_217] : memref<512x26xi32, #tpu.memory_space<vmem>> -> memref<1x26xi32, #tpu.memory_space<vmem>>
    %dma_start3A_219 = tpu.memref_squeeze %dma_start3A_218 : memref<1x26xi32, #tpu.memory_space<vmem>> -> memref<26xi32, #tpu.memory_space<vmem>>
    %dma_start3A_220 = arith.constant 0 : i32
    %dma_start3A_221 = arith.constant 0 : i32
    %dma_start3A_222 = tpu.memref_slice %arg3[%dma_start3A_220, %dma_start3A_221] : memref<2000000x64xf32, #tpu.memory_space<hbm>> -> memref<2000000x64xf32, #tpu.memory_space<hbm>>
    tpu.enqueue_indirect_dma source(%dma_start3A_222 : memref<2000000x64xf32, #tpu.memory_space<hbm>>) target(%dma_start3A_216 : memref<26x64xf32, #tpu.memory_space<vmem>>) offsets(%dma_start3A_219 : memref<26xi32, #tpu.memory_space<vmem>>) semaphore(%arg7 : memref<!tpu.dma_semaphore, #tpu.memory_space<semaphore_mem>>)
    %dma_start3A_223 = arith.constant 17 : i32
    %dma_start3A_224 = arith.constant 0 : i32
    %dma_start3A_225 = arith.constant 17 : i32
    %dma_start3A_226 = arith.constant 0 : i32
    %dma_start3A_227 = arith.constant 0 : i32
    %dma_start3A_228 = tpu.memref_slice %arg6[%dma_start3A_224, %dma_start3A_225, %dma_start3A_226, %dma_start3A_227] : memref<2x32x26x64xf32, #tpu.memory_space<vmem>> -> memref<1x1x26x64xf32, #tpu.memory_space<vmem>>
    %dma_start3A_229 = tpu.memref_squeeze %dma_start3A_228 : memref<1x1x26x64xf32, #tpu.memory_space<vmem>> -> memref<26x64xf32, #tpu.memory_space<vmem>>
    %dma_start3A_230 = arith.constant 0 : i32
    %dma_start3A_231 = tpu.memref_slice %arg5[%dma_start3A_223, %dma_start3A_230] : memref<512x26xi32, #tpu.memory_space<vmem>> -> memref<1x26xi32, #tpu.memory_space<vmem>>
    %dma_start3A_232 = tpu.memref_squeeze %dma_start3A_231 : memref<1x26xi32, #tpu.memory_space<vmem>> -> memref<26xi32, #tpu.memory_space<vmem>>
    %dma_start3A_233 = arith.constant 0 : i32
    %dma_start3A_234 = arith.constant 0 : i32
    %dma_start3A_235 = tpu.memref_slice %arg3[%dma_start3A_233, %dma_start3A_234] : memref<2000000x64xf32, #tpu.memory_space<hbm>> -> memref<2000000x64xf32, #tpu.memory_space<hbm>>
    tpu.enqueue_indirect_dma source(%dma_start3A_235 : memref<2000000x64xf32, #tpu.memory_space<hbm>>) target(%dma_start3A_229 : memref<26x64xf32, #tpu.memory_space<vmem>>) offsets(%dma_start3A_232 : memref<26xi32, #tpu.memory_space<vmem>>) semaphore(%arg7 : memref<!tpu.dma_semaphore, #tpu.memory_space<semaphore_mem>>)
    %dma_start3A_236 = arith.constant 18 : i32
    %dma_start3A_237 = arith.constant 0 : i32
    %dma_start3A_238 = arith.constant 18 : i32
    %dma_start3A_239 = arith.constant 0 : i32
    %dma_start3A_240 = arith.constant 0 : i32
    %dma_start3A_241 = tpu.memref_slice %arg6[%dma_start3A_237, %dma_start3A_238, %dma_start3A_239, %dma_start3A_240] : memref<2x32x26x64xf32, #tpu.memory_space<vmem>> -> memref<1x1x26x64xf32, #tpu.memory_space<vmem>>
    %dma_start3A_242 = tpu.memref_squeeze %dma_start3A_241 : memref<1x1x26x64xf32, #tpu.memory_space<vmem>> -> memref<26x64xf32, #tpu.memory_space<vmem>>
    %dma_start3A_243 = arith.constant 0 : i32
    %dma_start3A_244 = tpu.memref_slice %arg5[%dma_start3A_236, %dma_start3A_243] : memref<512x26xi32, #tpu.memory_space<vmem>> -> memref<1x26xi32, #tpu.memory_space<vmem>>
    %dma_start3A_245 = tpu.memref_squeeze %dma_start3A_244 : memref<1x26xi32, #tpu.memory_space<vmem>> -> memref<26xi32, #tpu.memory_space<vmem>>
    %dma_start3A_246 = arith.constant 0 : i32
    %dma_start3A_247 = arith.constant 0 : i32
    %dma_start3A_248 = tpu.memref_slice %arg3[%dma_start3A_246, %dma_start3A_247] : memref<2000000x64xf32, #tpu.memory_space<hbm>> -> memref<2000000x64xf32, #tpu.memory_space<hbm>>
    tpu.enqueue_indirect_dma source(%dma_start3A_248 : memref<2000000x64xf32, #tpu.memory_space<hbm>>) target(%dma_start3A_242 : memref<26x64xf32, #tpu.memory_space<vmem>>) offsets(%dma_start3A_245 : memref<26xi32, #tpu.memory_space<vmem>>) semaphore(%arg7 : memref<!tpu.dma_semaphore, #tpu.memory_space<semaphore_mem>>)
    %dma_start3A_249 = arith.constant 19 : i32
    %dma_start3A_250 = arith.constant 0 : i32
    %dma_start3A_251 = arith.constant 19 : i32
    %dma_start3A_252 = arith.constant 0 : i32
    %dma_start3A_253 = arith.constant 0 : i32
    %dma_start3A_254 = tpu.memref_slice %arg6[%dma_start3A_250, %dma_start3A_251, %dma_start3A_252, %dma_start3A_253] : memref<2x32x26x64xf32, #tpu.memory_space<vmem>> -> memref<1x1x26x64xf32, #tpu.memory_space<vmem>>
    %dma_start3A_255 = tpu.memref_squeeze %dma_start3A_254 : memref<1x1x26x64xf32, #tpu.memory_space<vmem>> -> memref<26x64xf32, #tpu.memory_space<vmem>>
    %dma_start3A_256 = arith.constant 0 : i32
    %dma_start3A_257 = tpu.memref_slice %arg5[%dma_start3A_249, %dma_start3A_256] : memref<512x26xi32, #tpu.memory_space<vmem>> -> memref<1x26xi32, #tpu.memory_space<vmem>>
    %dma_start3A_258 = tpu.memref_squeeze %dma_start3A_257 : memref<1x26xi32, #tpu.memory_space<vmem>> -> memref<26xi32, #tpu.memory_space<vmem>>
    %dma_start3A_259 = arith.constant 0 : i32
    %dma_start3A_260 = arith.constant 0 : i32
    %dma_start3A_261 = tpu.memref_slice %arg3[%dma_start3A_259, %dma_start3A_260] : memref<2000000x64xf32, #tpu.memory_space<hbm>> -> memref<2000000x64xf32, #tpu.memory_space<hbm>>
    tpu.enqueue_indirect_dma source(%dma_start3A_261 : memref<2000000x64xf32, #tpu.memory_space<hbm>>) target(%dma_start3A_255 : memref<26x64xf32, #tpu.memory_space<vmem>>) offsets(%dma_start3A_258 : memref<26xi32, #tpu.memory_space<vmem>>) semaphore(%arg7 : memref<!tpu.dma_semaphore, #tpu.memory_space<semaphore_mem>>)
    %dma_start3A_262 = arith.constant 20 : i32
    %dma_start3A_263 = arith.constant 0 : i32
    %dma_start3A_264 = arith.constant 20 : i32
    %dma_start3A_265 = arith.constant 0 : i32
    %dma_start3A_266 = arith.constant 0 : i32
    %dma_start3A_267 = tpu.memref_slice %arg6[%dma_start3A_263, %dma_start3A_264, %dma_start3A_265, %dma_start3A_266] : memref<2x32x26x64xf32, #tpu.memory_space<vmem>> -> memref<1x1x26x64xf32, #tpu.memory_space<vmem>>
    %dma_start3A_268 = tpu.memref_squeeze %dma_start3A_267 : memref<1x1x26x64xf32, #tpu.memory_space<vmem>> -> memref<26x64xf32, #tpu.memory_space<vmem>>
    %dma_start3A_269 = arith.constant 0 : i32
    %dma_start3A_270 = tpu.memref_slice %arg5[%dma_start3A_262, %dma_start3A_269] : memref<512x26xi32, #tpu.memory_space<vmem>> -> memref<1x26xi32, #tpu.memory_space<vmem>>
    %dma_start3A_271 = tpu.memref_squeeze %dma_start3A_270 : memref<1x26xi32, #tpu.memory_space<vmem>> -> memref<26xi32, #tpu.memory_space<vmem>>
    %dma_start3A_272 = arith.constant 0 : i32
    %dma_start3A_273 = arith.constant 0 : i32
    %dma_start3A_274 = tpu.memref_slice %arg3[%dma_start3A_272, %dma_start3A_273] : memref<2000000x64xf32, #tpu.memory_space<hbm>> -> memref<2000000x64xf32, #tpu.memory_space<hbm>>
    tpu.enqueue_indirect_dma source(%dma_start3A_274 : memref<2000000x64xf32, #tpu.memory_space<hbm>>) target(%dma_start3A_268 : memref<26x64xf32, #tpu.memory_space<vmem>>) offsets(%dma_start3A_271 : memref<26xi32, #tpu.memory_space<vmem>>) semaphore(%arg7 : memref<!tpu.dma_semaphore, #tpu.memory_space<semaphore_mem>>)
    %dma_start3A_275 = arith.constant 21 : i32
    %dma_start3A_276 = arith.constant 0 : i32
    %dma_start3A_277 = arith.constant 21 : i32
    %dma_start3A_278 = arith.constant 0 : i32
    %dma_start3A_279 = arith.constant 0 : i32
    %dma_start3A_280 = tpu.memref_slice %arg6[%dma_start3A_276, %dma_start3A_277, %dma_start3A_278, %dma_start3A_279] : memref<2x32x26x64xf32, #tpu.memory_space<vmem>> -> memref<1x1x26x64xf32, #tpu.memory_space<vmem>>
    %dma_start3A_281 = tpu.memref_squeeze %dma_start3A_280 : memref<1x1x26x64xf32, #tpu.memory_space<vmem>> -> memref<26x64xf32, #tpu.memory_space<vmem>>
    %dma_start3A_282 = arith.constant 0 : i32
    %dma_start3A_283 = tpu.memref_slice %arg5[%dma_start3A_275, %dma_start3A_282] : memref<512x26xi32, #tpu.memory_space<vmem>> -> memref<1x26xi32, #tpu.memory_space<vmem>>
    %dma_start3A_284 = tpu.memref_squeeze %dma_start3A_283 : memref<1x26xi32, #tpu.memory_space<vmem>> -> memref<26xi32, #tpu.memory_space<vmem>>
    %dma_start3A_285 = arith.constant 0 : i32
    %dma_start3A_286 = arith.constant 0 : i32
    %dma_start3A_287 = tpu.memref_slice %arg3[%dma_start3A_285, %dma_start3A_286] : memref<2000000x64xf32, #tpu.memory_space<hbm>> -> memref<2000000x64xf32, #tpu.memory_space<hbm>>
    tpu.enqueue_indirect_dma source(%dma_start3A_287 : memref<2000000x64xf32, #tpu.memory_space<hbm>>) target(%dma_start3A_281 : memref<26x64xf32, #tpu.memory_space<vmem>>) offsets(%dma_start3A_284 : memref<26xi32, #tpu.memory_space<vmem>>) semaphore(%arg7 : memref<!tpu.dma_semaphore, #tpu.memory_space<semaphore_mem>>)
    %dma_start3A_288 = arith.constant 22 : i32
    %dma_start3A_289 = arith.constant 0 : i32
    %dma_start3A_290 = arith.constant 22 : i32
    %dma_start3A_291 = arith.constant 0 : i32
    %dma_start3A_292 = arith.constant 0 : i32
    %dma_start3A_293 = tpu.memref_slice %arg6[%dma_start3A_289, %dma_start3A_290, %dma_start3A_291, %dma_start3A_292] : memref<2x32x26x64xf32, #tpu.memory_space<vmem>> -> memref<1x1x26x64xf32, #tpu.memory_space<vmem>>
    %dma_start3A_294 = tpu.memref_squeeze %dma_start3A_293 : memref<1x1x26x64xf32, #tpu.memory_space<vmem>> -> memref<26x64xf32, #tpu.memory_space<vmem>>
    %dma_start3A_295 = arith.constant 0 : i32
    %dma_start3A_296 = tpu.memref_slice %arg5[%dma_start3A_288, %dma_start3A_295] : memref<512x26xi32, #tpu.memory_space<vmem>> -> memref<1x26xi32, #tpu.memory_space<vmem>>
    %dma_start3A_297 = tpu.memref_squeeze %dma_start3A_296 : memref<1x26xi32, #tpu.memory_space<vmem>> -> memref<26xi32, #tpu.memory_space<vmem>>
    %dma_start3A_298 = arith.constant 0 : i32
    %dma_start3A_299 = arith.constant 0 : i32
    %dma_start3A_300 = tpu.memref_slice %arg3[%dma_start3A_298, %dma_start3A_299] : memref<2000000x64xf32, #tpu.memory_space<hbm>> -> memref<2000000x64xf32, #tpu.memory_space<hbm>>
    tpu.enqueue_indirect_dma source(%dma_start3A_300 : memref<2000000x64xf32, #tpu.memory_space<hbm>>) target(%dma_start3A_294 : memref<26x64xf32, #tpu.memory_space<vmem>>) offsets(%dma_start3A_297 : memref<26xi32, #tpu.memory_space<vmem>>) semaphore(%arg7 : memref<!tpu.dma_semaphore, #tpu.memory_space<semaphore_mem>>)
    %dma_start3A_301 = arith.constant 23 : i32
    %dma_start3A_302 = arith.constant 0 : i32
    %dma_start3A_303 = arith.constant 23 : i32
    %dma_start3A_304 = arith.constant 0 : i32
    %dma_start3A_305 = arith.constant 0 : i32
    %dma_start3A_306 = tpu.memref_slice %arg6[%dma_start3A_302, %dma_start3A_303, %dma_start3A_304, %dma_start3A_305] : memref<2x32x26x64xf32, #tpu.memory_space<vmem>> -> memref<1x1x26x64xf32, #tpu.memory_space<vmem>>
    %dma_start3A_307 = tpu.memref_squeeze %dma_start3A_306 : memref<1x1x26x64xf32, #tpu.memory_space<vmem>> -> memref<26x64xf32, #tpu.memory_space<vmem>>
    %dma_start3A_308 = arith.constant 0 : i32
    %dma_start3A_309 = tpu.memref_slice %arg5[%dma_start3A_301, %dma_start3A_308] : memref<512x26xi32, #tpu.memory_space<vmem>> -> memref<1x26xi32, #tpu.memory_space<vmem>>
    %dma_start3A_310 = tpu.memref_squeeze %dma_start3A_309 : memref<1x26xi32, #tpu.memory_space<vmem>> -> memref<26xi32, #tpu.memory_space<vmem>>
    %dma_start3A_311 = arith.constant 0 : i32
    %dma_start3A_312 = arith.constant 0 : i32
    %dma_start3A_313 = tpu.memref_slice %arg3[%dma_start3A_311, %dma_start3A_312] : memref<2000000x64xf32, #tpu.memory_space<hbm>> -> memref<2000000x64xf32, #tpu.memory_space<hbm>>
    tpu.enqueue_indirect_dma source(%dma_start3A_313 : memref<2000000x64xf32, #tpu.memory_space<hbm>>) target(%dma_start3A_307 : memref<26x64xf32, #tpu.memory_space<vmem>>) offsets(%dma_start3A_310 : memref<26xi32, #tpu.memory_space<vmem>>) semaphore(%arg7 : memref<!tpu.dma_semaphore, #tpu.memory_space<semaphore_mem>>)
    %dma_start3A_314 = arith.constant 24 : i32
    %dma_start3A_315 = arith.constant 0 : i32
    %dma_start3A_316 = arith.constant 24 : i32
    %dma_start3A_317 = arith.constant 0 : i32
    %dma_start3A_318 = arith.constant 0 : i32
    %dma_start3A_319 = tpu.memref_slice %arg6[%dma_start3A_315, %dma_start3A_316, %dma_start3A_317, %dma_start3A_318] : memref<2x32x26x64xf32, #tpu.memory_space<vmem>> -> memref<1x1x26x64xf32, #tpu.memory_space<vmem>>
    %dma_start3A_320 = tpu.memref_squeeze %dma_start3A_319 : memref<1x1x26x64xf32, #tpu.memory_space<vmem>> -> memref<26x64xf32, #tpu.memory_space<vmem>>
    %dma_start3A_321 = arith.constant 0 : i32
    %dma_start3A_322 = tpu.memref_slice %arg5[%dma_start3A_314, %dma_start3A_321] : memref<512x26xi32, #tpu.memory_space<vmem>> -> memref<1x26xi32, #tpu.memory_space<vmem>>
    %dma_start3A_323 = tpu.memref_squeeze %dma_start3A_322 : memref<1x26xi32, #tpu.memory_space<vmem>> -> memref<26xi32, #tpu.memory_space<vmem>>
    %dma_start3A_324 = arith.constant 0 : i32
    %dma_start3A_325 = arith.constant 0 : i32
    %dma_start3A_326 = tpu.memref_slice %arg3[%dma_start3A_324, %dma_start3A_325] : memref<2000000x64xf32, #tpu.memory_space<hbm>> -> memref<2000000x64xf32, #tpu.memory_space<hbm>>
    tpu.enqueue_indirect_dma source(%dma_start3A_326 : memref<2000000x64xf32, #tpu.memory_space<hbm>>) target(%dma_start3A_320 : memref<26x64xf32, #tpu.memory_space<vmem>>) offsets(%dma_start3A_323 : memref<26xi32, #tpu.memory_space<vmem>>) semaphore(%arg7 : memref<!tpu.dma_semaphore, #tpu.memory_space<semaphore_mem>>)
    %dma_start3A_327 = arith.constant 25 : i32
    %dma_start3A_328 = arith.constant 0 : i32
    %dma_start3A_329 = arith.constant 25 : i32
    %dma_start3A_330 = arith.constant 0 : i32
    %dma_start3A_331 = arith.constant 0 : i32
    %dma_start3A_332 = tpu.memref_slice %arg6[%dma_start3A_328, %dma_start3A_329, %dma_start3A_330, %dma_start3A_331] : memref<2x32x26x64xf32, #tpu.memory_space<vmem>> -> memref<1x1x26x64xf32, #tpu.memory_space<vmem>>
    %dma_start3A_333 = tpu.memref_squeeze %dma_start3A_332 : memref<1x1x26x64xf32, #tpu.memory_space<vmem>> -> memref<26x64xf32, #tpu.memory_space<vmem>>
    %dma_start3A_334 = arith.constant 0 : i32
    %dma_start3A_335 = tpu.memref_slice %arg5[%dma_start3A_327, %dma_start3A_334] : memref<512x26xi32, #tpu.memory_space<vmem>> -> memref<1x26xi32, #tpu.memory_space<vmem>>
    %dma_start3A_336 = tpu.memref_squeeze %dma_start3A_335 : memref<1x26xi32, #tpu.memory_space<vmem>> -> memref<26xi32, #tpu.memory_space<vmem>>
    %dma_start3A_337 = arith.constant 0 : i32
    %dma_start3A_338 = arith.constant 0 : i32
    %dma_start3A_339 = tpu.memref_slice %arg3[%dma_start3A_337, %dma_start3A_338] : memref<2000000x64xf32, #tpu.memory_space<hbm>> -> memref<2000000x64xf32, #tpu.memory_space<hbm>>
    tpu.enqueue_indirect_dma source(%dma_start3A_339 : memref<2000000x64xf32, #tpu.memory_space<hbm>>) target(%dma_start3A_333 : memref<26x64xf32, #tpu.memory_space<vmem>>) offsets(%dma_start3A_336 : memref<26xi32, #tpu.memory_space<vmem>>) semaphore(%arg7 : memref<!tpu.dma_semaphore, #tpu.memory_space<semaphore_mem>>)
    %dma_start3A_340 = arith.constant 26 : i32
    %dma_start3A_341 = arith.constant 0 : i32
    %dma_start3A_342 = arith.constant 26 : i32
    %dma_start3A_343 = arith.constant 0 : i32
    %dma_start3A_344 = arith.constant 0 : i32
    %dma_start3A_345 = tpu.memref_slice %arg6[%dma_start3A_341, %dma_start3A_342, %dma_start3A_343, %dma_start3A_344] : memref<2x32x26x64xf32, #tpu.memory_space<vmem>> -> memref<1x1x26x64xf32, #tpu.memory_space<vmem>>
    %dma_start3A_346 = tpu.memref_squeeze %dma_start3A_345 : memref<1x1x26x64xf32, #tpu.memory_space<vmem>> -> memref<26x64xf32, #tpu.memory_space<vmem>>
    %dma_start3A_347 = arith.constant 0 : i32
    %dma_start3A_348 = tpu.memref_slice %arg5[%dma_start3A_340, %dma_start3A_347] : memref<512x26xi32, #tpu.memory_space<vmem>> -> memref<1x26xi32, #tpu.memory_space<vmem>>
    %dma_start3A_349 = tpu.memref_squeeze %dma_start3A_348 : memref<1x26xi32, #tpu.memory_space<vmem>> -> memref<26xi32, #tpu.memory_space<vmem>>
    %dma_start3A_350 = arith.constant 0 : i32
    %dma_start3A_351 = arith.constant 0 : i32
    %dma_start3A_352 = tpu.memref_slice %arg3[%dma_start3A_350, %dma_start3A_351] : memref<2000000x64xf32, #tpu.memory_space<hbm>> -> memref<2000000x64xf32, #tpu.memory_space<hbm>>
    tpu.enqueue_indirect_dma source(%dma_start3A_352 : memref<2000000x64xf32, #tpu.memory_space<hbm>>) target(%dma_start3A_346 : memref<26x64xf32, #tpu.memory_space<vmem>>) offsets(%dma_start3A_349 : memref<26xi32, #tpu.memory_space<vmem>>) semaphore(%arg7 : memref<!tpu.dma_semaphore, #tpu.memory_space<semaphore_mem>>)
    %dma_start3A_353 = arith.constant 27 : i32
    %dma_start3A_354 = arith.constant 0 : i32
    %dma_start3A_355 = arith.constant 27 : i32
    %dma_start3A_356 = arith.constant 0 : i32
    %dma_start3A_357 = arith.constant 0 : i32
    %dma_start3A_358 = tpu.memref_slice %arg6[%dma_start3A_354, %dma_start3A_355, %dma_start3A_356, %dma_start3A_357] : memref<2x32x26x64xf32, #tpu.memory_space<vmem>> -> memref<1x1x26x64xf32, #tpu.memory_space<vmem>>
    %dma_start3A_359 = tpu.memref_squeeze %dma_start3A_358 : memref<1x1x26x64xf32, #tpu.memory_space<vmem>> -> memref<26x64xf32, #tpu.memory_space<vmem>>
    %dma_start3A_360 = arith.constant 0 : i32
    %dma_start3A_361 = tpu.memref_slice %arg5[%dma_start3A_353, %dma_start3A_360] : memref<512x26xi32, #tpu.memory_space<vmem>> -> memref<1x26xi32, #tpu.memory_space<vmem>>
    %dma_start3A_362 = tpu.memref_squeeze %dma_start3A_361 : memref<1x26xi32, #tpu.memory_space<vmem>> -> memref<26xi32, #tpu.memory_space<vmem>>
    %dma_start3A_363 = arith.constant 0 : i32
    %dma_start3A_364 = arith.constant 0 : i32
    %dma_start3A_365 = tpu.memref_slice %arg3[%dma_start3A_363, %dma_start3A_364] : memref<2000000x64xf32, #tpu.memory_space<hbm>> -> memref<2000000x64xf32, #tpu.memory_space<hbm>>
    tpu.enqueue_indirect_dma source(%dma_start3A_365 : memref<2000000x64xf32, #tpu.memory_space<hbm>>) target(%dma_start3A_359 : memref<26x64xf32, #tpu.memory_space<vmem>>) offsets(%dma_start3A_362 : memref<26xi32, #tpu.memory_space<vmem>>) semaphore(%arg7 : memref<!tpu.dma_semaphore, #tpu.memory_space<semaphore_mem>>)
    %dma_start3A_366 = arith.constant 28 : i32
    %dma_start3A_367 = arith.constant 0 : i32
    %dma_start3A_368 = arith.constant 28 : i32
    %dma_start3A_369 = arith.constant 0 : i32
    %dma_start3A_370 = arith.constant 0 : i32
    %dma_start3A_371 = tpu.memref_slice %arg6[%dma_start3A_367, %dma_start3A_368, %dma_start3A_369, %dma_start3A_370] : memref<2x32x26x64xf32, #tpu.memory_space<vmem>> -> memref<1x1x26x64xf32, #tpu.memory_space<vmem>>
    %dma_start3A_372 = tpu.memref_squeeze %dma_start3A_371 : memref<1x1x26x64xf32, #tpu.memory_space<vmem>> -> memref<26x64xf32, #tpu.memory_space<vmem>>
    %dma_start3A_373 = arith.constant 0 : i32
    %dma_start3A_374 = tpu.memref_slice %arg5[%dma_start3A_366, %dma_start3A_373] : memref<512x26xi32, #tpu.memory_space<vmem>> -> memref<1x26xi32, #tpu.memory_space<vmem>>
    %dma_start3A_375 = tpu.memref_squeeze %dma_start3A_374 : memref<1x26xi32, #tpu.memory_space<vmem>> -> memref<26xi32, #tpu.memory_space<vmem>>
    %dma_start3A_376 = arith.constant 0 : i32
    %dma_start3A_377 = arith.constant 0 : i32
    %dma_start3A_378 = tpu.memref_slice %arg3[%dma_start3A_376, %dma_start3A_377] : memref<2000000x64xf32, #tpu.memory_space<hbm>> -> memref<2000000x64xf32, #tpu.memory_space<hbm>>
    tpu.enqueue_indirect_dma source(%dma_start3A_378 : memref<2000000x64xf32, #tpu.memory_space<hbm>>) target(%dma_start3A_372 : memref<26x64xf32, #tpu.memory_space<vmem>>) offsets(%dma_start3A_375 : memref<26xi32, #tpu.memory_space<vmem>>) semaphore(%arg7 : memref<!tpu.dma_semaphore, #tpu.memory_space<semaphore_mem>>)
    %dma_start3A_379 = arith.constant 29 : i32
    %dma_start3A_380 = arith.constant 0 : i32
    %dma_start3A_381 = arith.constant 29 : i32
    %dma_start3A_382 = arith.constant 0 : i32
    %dma_start3A_383 = arith.constant 0 : i32
    %dma_start3A_384 = tpu.memref_slice %arg6[%dma_start3A_380, %dma_start3A_381, %dma_start3A_382, %dma_start3A_383] : memref<2x32x26x64xf32, #tpu.memory_space<vmem>> -> memref<1x1x26x64xf32, #tpu.memory_space<vmem>>
    %dma_start3A_385 = tpu.memref_squeeze %dma_start3A_384 : memref<1x1x26x64xf32, #tpu.memory_space<vmem>> -> memref<26x64xf32, #tpu.memory_space<vmem>>
    %dma_start3A_386 = arith.constant 0 : i32
    %dma_start3A_387 = tpu.memref_slice %arg5[%dma_start3A_379, %dma_start3A_386] : memref<512x26xi32, #tpu.memory_space<vmem>> -> memref<1x26xi32, #tpu.memory_space<vmem>>
    %dma_start3A_388 = tpu.memref_squeeze %dma_start3A_387 : memref<1x26xi32, #tpu.memory_space<vmem>> -> memref<26xi32, #tpu.memory_space<vmem>>
    %dma_start3A_389 = arith.constant 0 : i32
    %dma_start3A_390 = arith.constant 0 : i32
    %dma_start3A_391 = tpu.memref_slice %arg3[%dma_start3A_389, %dma_start3A_390] : memref<2000000x64xf32, #tpu.memory_space<hbm>> -> memref<2000000x64xf32, #tpu.memory_space<hbm>>
    tpu.enqueue_indirect_dma source(%dma_start3A_391 : memref<2000000x64xf32, #tpu.memory_space<hbm>>) target(%dma_start3A_385 : memref<26x64xf32, #tpu.memory_space<vmem>>) offsets(%dma_start3A_388 : memref<26xi32, #tpu.memory_space<vmem>>) semaphore(%arg7 : memref<!tpu.dma_semaphore, #tpu.memory_space<semaphore_mem>>)
    %dma_start3A_392 = arith.constant 30 : i32
    %dma_start3A_393 = arith.constant 0 : i32
    %dma_start3A_394 = arith.constant 30 : i32
    %dma_start3A_395 = arith.constant 0 : i32
    %dma_start3A_396 = arith.constant 0 : i32
    %dma_start3A_397 = tpu.memref_slice %arg6[%dma_start3A_393, %dma_start3A_394, %dma_start3A_395, %dma_start3A_396] : memref<2x32x26x64xf32, #tpu.memory_space<vmem>> -> memref<1x1x26x64xf32, #tpu.memory_space<vmem>>
    %dma_start3A_398 = tpu.memref_squeeze %dma_start3A_397 : memref<1x1x26x64xf32, #tpu.memory_space<vmem>> -> memref<26x64xf32, #tpu.memory_space<vmem>>
    %dma_start3A_399 = arith.constant 0 : i32
    %dma_start3A_400 = tpu.memref_slice %arg5[%dma_start3A_392, %dma_start3A_399] : memref<512x26xi32, #tpu.memory_space<vmem>> -> memref<1x26xi32, #tpu.memory_space<vmem>>
    %dma_start3A_401 = tpu.memref_squeeze %dma_start3A_400 : memref<1x26xi32, #tpu.memory_space<vmem>> -> memref<26xi32, #tpu.memory_space<vmem>>
    %dma_start3A_402 = arith.constant 0 : i32
    %dma_start3A_403 = arith.constant 0 : i32
    %dma_start3A_404 = tpu.memref_slice %arg3[%dma_start3A_402, %dma_start3A_403] : memref<2000000x64xf32, #tpu.memory_space<hbm>> -> memref<2000000x64xf32, #tpu.memory_space<hbm>>
    tpu.enqueue_indirect_dma source(%dma_start3A_404 : memref<2000000x64xf32, #tpu.memory_space<hbm>>) target(%dma_start3A_398 : memref<26x64xf32, #tpu.memory_space<vmem>>) offsets(%dma_start3A_401 : memref<26xi32, #tpu.memory_space<vmem>>) semaphore(%arg7 : memref<!tpu.dma_semaphore, #tpu.memory_space<semaphore_mem>>)
    %dma_start3A_405 = arith.constant 31 : i32
    %dma_start3A_406 = arith.constant 0 : i32
    %dma_start3A_407 = arith.constant 31 : i32
    %dma_start3A_408 = arith.constant 0 : i32
    %dma_start3A_409 = arith.constant 0 : i32
    %dma_start3A_410 = tpu.memref_slice %arg6[%dma_start3A_406, %dma_start3A_407, %dma_start3A_408, %dma_start3A_409] : memref<2x32x26x64xf32, #tpu.memory_space<vmem>> -> memref<1x1x26x64xf32, #tpu.memory_space<vmem>>
    %dma_start3A_411 = tpu.memref_squeeze %dma_start3A_410 : memref<1x1x26x64xf32, #tpu.memory_space<vmem>> -> memref<26x64xf32, #tpu.memory_space<vmem>>
    %dma_start3A_412 = arith.constant 0 : i32
    %dma_start3A_413 = tpu.memref_slice %arg5[%dma_start3A_405, %dma_start3A_412] : memref<512x26xi32, #tpu.memory_space<vmem>> -> memref<1x26xi32, #tpu.memory_space<vmem>>
    %dma_start3A_414 = tpu.memref_squeeze %dma_start3A_413 : memref<1x26xi32, #tpu.memory_space<vmem>> -> memref<26xi32, #tpu.memory_space<vmem>>
    %dma_start3A_415 = arith.constant 0 : i32
    %dma_start3A_416 = arith.constant 0 : i32
    %dma_start3A_417 = tpu.memref_slice %arg3[%dma_start3A_415, %dma_start3A_416] : memref<2000000x64xf32, #tpu.memory_space<hbm>> -> memref<2000000x64xf32, #tpu.memory_space<hbm>>
    tpu.enqueue_indirect_dma source(%dma_start3A_417 : memref<2000000x64xf32, #tpu.memory_space<hbm>>) target(%dma_start3A_411 : memref<26x64xf32, #tpu.memory_space<vmem>>) offsets(%dma_start3A_414 : memref<26xi32, #tpu.memory_space<vmem>>) semaphore(%arg7 : memref<!tpu.dma_semaphore, #tpu.memory_space<semaphore_mem>>)
    %scan3A = arith.constant 0 : i32
    %scan3A_418 = arith.constant 0 : i32
    %scan3A_419 = arith.constant 16 : i32
    %scan3A_420 = arith.addi %scan3A_418, %scan3A_419 : i32
    %scan3A_421 = arith.constant 1 : i32
    scf.for %scan3A_439 = %scan3A_418 to %scan3A_420 step %scan3A_421  : i32 {
      %rem3A = arith.constant 2 : i32
      %rem3A_440 = arith.remsi %scan3A_439, %rem3A : i32
      %dma_wait3A_441 = arith.constant 0 : i32
      %dma_wait3A_442 = arith.constant 0 : i32
      %dma_wait3A_443 = arith.constant 0 : i32
      %dma_wait3A_444 = arith.constant 0 : i32
      %dma_wait3A_445 = tpu.memref_slice %arg6[%rem3A_440, %dma_wait3A_442, %dma_wait3A_443, %dma_wait3A_444] : memref<2x32x26x64xf32, #tpu.memory_space<vmem>> -> memref<1x1x26x64xf32, #tpu.memory_space<vmem>>
      %dma_wait3A_446 = tpu.memref_squeeze %dma_wait3A_445 : memref<1x1x26x64xf32, #tpu.memory_space<vmem>> -> memref<26x64xf32, #tpu.memory_space<vmem>>
      %dma_wait3A_447 = arith.constant 0 : i32
      %dma_wait3A_448 = tpu.memref_slice %arg5[%dma_wait3A_441, %dma_wait3A_447] : memref<512x26xi32, #tpu.memory_space<vmem>> -> memref<1x26xi32, #tpu.memory_space<vmem>>
      %dma_wait3A_449 = tpu.memref_squeeze %dma_wait3A_448 : memref<1x26xi32, #tpu.memory_space<vmem>> -> memref<26xi32, #tpu.memory_space<vmem>>
      %dma_wait3A_450 = arith.constant 0 : i32
      %dma_wait3A_451 = arith.constant 0 : i32
      %dma_wait3A_452 = tpu.memref_slice %arg3[%dma_wait3A_450, %dma_wait3A_451] : memref<2000000x64xf32, #tpu.memory_space<hbm>> -> memref<2000000x64xf32, #tpu.memory_space<hbm>>
      tpu.wait_indirect_dma semaphore(%arg7 : memref<!tpu.dma_semaphore, #tpu.memory_space<semaphore_mem>>) src(%dma_wait3A_452 : memref<2000000x64xf32, #tpu.memory_space<hbm>>) dst(%dma_wait3A_446 : memref<26x64xf32, #tpu.memory_space<vmem>>)
      %dma_wait3A_453 = arith.constant 0 : i32
      %dma_wait3A_454 = arith.constant 1 : i32
      %dma_wait3A_455 = arith.constant 0 : i32
      %dma_wait3A_456 = arith.constant 0 : i32
      %dma_wait3A_457 = tpu.memref_slice %arg6[%rem3A_440, %dma_wait3A_454, %dma_wait3A_455, %dma_wait3A_456] : memref<2x32x26x64xf32, #tpu.memory_space<vmem>> -> memref<1x1x26x64xf32, #tpu.memory_space<vmem>>
      %dma_wait3A_458 = tpu.memref_squeeze %dma_wait3A_457 : memref<1x1x26x64xf32, #tpu.memory_space<vmem>> -> memref<26x64xf32, #tpu.memory_space<vmem>>
      %dma_wait3A_459 = arith.constant 0 : i32
      %dma_wait3A_460 = tpu.memref_slice %arg5[%dma_wait3A_453, %dma_wait3A_459] : memref<512x26xi32, #tpu.memory_space<vmem>> -> memref<1x26xi32, #tpu.memory_space<vmem>>
      %dma_wait3A_461 = tpu.memref_squeeze %dma_wait3A_460 : memref<1x26xi32, #tpu.memory_space<vmem>> -> memref<26xi32, #tpu.memory_space<vmem>>
      %dma_wait3A_462 = arith.constant 0 : i32
      %dma_wait3A_463 = arith.constant 0 : i32
      %dma_wait3A_464 = tpu.memref_slice %arg3[%dma_wait3A_462, %dma_wait3A_463] : memref<2000000x64xf32, #tpu.memory_space<hbm>> -> memref<2000000x64xf32, #tpu.memory_space<hbm>>
      tpu.wait_indirect_dma semaphore(%arg7 : memref<!tpu.dma_semaphore, #tpu.memory_space<semaphore_mem>>) src(%dma_wait3A_464 : memref<2000000x64xf32, #tpu.memory_space<hbm>>) dst(%dma_wait3A_458 : memref<26x64xf32, #tpu.memory_space<vmem>>)
      %dma_wait3A_465 = arith.constant 0 : i32
      %dma_wait3A_466 = arith.constant 2 : i32
      %dma_wait3A_467 = arith.constant 0 : i32
      %dma_wait3A_468 = arith.constant 0 : i32
      %dma_wait3A_469 = tpu.memref_slice %arg6[%rem3A_440, %dma_wait3A_466, %dma_wait3A_467, %dma_wait3A_468] : memref<2x32x26x64xf32, #tpu.memory_space<vmem>> -> memref<1x1x26x64xf32, #tpu.memory_space<vmem>>
      %dma_wait3A_470 = tpu.memref_squeeze %dma_wait3A_469 : memref<1x1x26x64xf32, #tpu.memory_space<vmem>> -> memref<26x64xf32, #tpu.memory_space<vmem>>
      %dma_wait3A_471 = arith.constant 0 : i32
      %dma_wait3A_472 = tpu.memref_slice %arg5[%dma_wait3A_465, %dma_wait3A_471] : memref<512x26xi32, #tpu.memory_space<vmem>> -> memref<1x26xi32, #tpu.memory_space<vmem>>
      %dma_wait3A_473 = tpu.memref_squeeze %dma_wait3A_472 : memref<1x26xi32, #tpu.memory_space<vmem>> -> memref<26xi32, #tpu.memory_space<vmem>>
      %dma_wait3A_474 = arith.constant 0 : i32
      %dma_wait3A_475 = arith.constant 0 : i32
      %dma_wait3A_476 = tpu.memref_slice %arg3[%dma_wait3A_474, %dma_wait3A_475] : memref<2000000x64xf32, #tpu.memory_space<hbm>> -> memref<2000000x64xf32, #tpu.memory_space<hbm>>
      tpu.wait_indirect_dma semaphore(%arg7 : memref<!tpu.dma_semaphore, #tpu.memory_space<semaphore_mem>>) src(%dma_wait3A_476 : memref<2000000x64xf32, #tpu.memory_space<hbm>>) dst(%dma_wait3A_470 : memref<26x64xf32, #tpu.memory_space<vmem>>)
      %dma_wait3A_477 = arith.constant 0 : i32
      %dma_wait3A_478 = arith.constant 3 : i32
      %dma_wait3A_479 = arith.constant 0 : i32
      %dma_wait3A_480 = arith.constant 0 : i32
      %dma_wait3A_481 = tpu.memref_slice %arg6[%rem3A_440, %dma_wait3A_478, %dma_wait3A_479, %dma_wait3A_480] : memref<2x32x26x64xf32, #tpu.memory_space<vmem>> -> memref<1x1x26x64xf32, #tpu.memory_space<vmem>>
      %dma_wait3A_482 = tpu.memref_squeeze %dma_wait3A_481 : memref<1x1x26x64xf32, #tpu.memory_space<vmem>> -> memref<26x64xf32, #tpu.memory_space<vmem>>
      %dma_wait3A_483 = arith.constant 0 : i32
      %dma_wait3A_484 = tpu.memref_slice %arg5[%dma_wait3A_477, %dma_wait3A_483] : memref<512x26xi32, #tpu.memory_space<vmem>> -> memref<1x26xi32, #tpu.memory_space<vmem>>
      %dma_wait3A_485 = tpu.memref_squeeze %dma_wait3A_484 : memref<1x26xi32, #tpu.memory_space<vmem>> -> memref<26xi32, #tpu.memory_space<vmem>>
      %dma_wait3A_486 = arith.constant 0 : i32
      %dma_wait3A_487 = arith.constant 0 : i32
      %dma_wait3A_488 = tpu.memref_slice %arg3[%dma_wait3A_486, %dma_wait3A_487] : memref<2000000x64xf32, #tpu.memory_space<hbm>> -> memref<2000000x64xf32, #tpu.memory_space<hbm>>
      tpu.wait_indirect_dma semaphore(%arg7 : memref<!tpu.dma_semaphore, #tpu.memory_space<semaphore_mem>>) src(%dma_wait3A_488 : memref<2000000x64xf32, #tpu.memory_space<hbm>>) dst(%dma_wait3A_482 : memref<26x64xf32, #tpu.memory_space<vmem>>)
      %dma_wait3A_489 = arith.constant 0 : i32
      %dma_wait3A_490 = arith.constant 4 : i32
      %dma_wait3A_491 = arith.constant 0 : i32
      %dma_wait3A_492 = arith.constant 0 : i32
      %dma_wait3A_493 = tpu.memref_slice %arg6[%rem3A_440, %dma_wait3A_490, %dma_wait3A_491, %dma_wait3A_492] : memref<2x32x26x64xf32, #tpu.memory_space<vmem>> -> memref<1x1x26x64xf32, #tpu.memory_space<vmem>>
      %dma_wait3A_494 = tpu.memref_squeeze %dma_wait3A_493 : memref<1x1x26x64xf32, #tpu.memory_space<vmem>> -> memref<26x64xf32, #tpu.memory_space<vmem>>
      %dma_wait3A_495 = arith.constant 0 : i32
      %dma_wait3A_496 = tpu.memref_slice %arg5[%dma_wait3A_489, %dma_wait3A_495] : memref<512x26xi32, #tpu.memory_space<vmem>> -> memref<1x26xi32, #tpu.memory_space<vmem>>
      %dma_wait3A_497 = tpu.memref_squeeze %dma_wait3A_496 : memref<1x26xi32, #tpu.memory_space<vmem>> -> memref<26xi32, #tpu.memory_space<vmem>>
      %dma_wait3A_498 = arith.constant 0 : i32
      %dma_wait3A_499 = arith.constant 0 : i32
      %dma_wait3A_500 = tpu.memref_slice %arg3[%dma_wait3A_498, %dma_wait3A_499] : memref<2000000x64xf32, #tpu.memory_space<hbm>> -> memref<2000000x64xf32, #tpu.memory_space<hbm>>
      tpu.wait_indirect_dma semaphore(%arg7 : memref<!tpu.dma_semaphore, #tpu.memory_space<semaphore_mem>>) src(%dma_wait3A_500 : memref<2000000x64xf32, #tpu.memory_space<hbm>>) dst(%dma_wait3A_494 : memref<26x64xf32, #tpu.memory_space<vmem>>)
      %dma_wait3A_501 = arith.constant 0 : i32
      %dma_wait3A_502 = arith.constant 5 : i32
      %dma_wait3A_503 = arith.constant 0 : i32
      %dma_wait3A_504 = arith.constant 0 : i32
      %dma_wait3A_505 = tpu.memref_slice %arg6[%rem3A_440, %dma_wait3A_502, %dma_wait3A_503, %dma_wait3A_504] : memref<2x32x26x64xf32, #tpu.memory_space<vmem>> -> memref<1x1x26x64xf32, #tpu.memory_space<vmem>>
      %dma_wait3A_506 = tpu.memref_squeeze %dma_wait3A_505 : memref<1x1x26x64xf32, #tpu.memory_space<vmem>> -> memref<26x64xf32, #tpu.memory_space<vmem>>
      %dma_wait3A_507 = arith.constant 0 : i32
      %dma_wait3A_508 = tpu.memref_slice %arg5[%dma_wait3A_501, %dma_wait3A_507] : memref<512x26xi32, #tpu.memory_space<vmem>> -> memref<1x26xi32, #tpu.memory_space<vmem>>
      %dma_wait3A_509 = tpu.memref_squeeze %dma_wait3A_508 : memref<1x26xi32, #tpu.memory_space<vmem>> -> memref<26xi32, #tpu.memory_space<vmem>>
      %dma_wait3A_510 = arith.constant 0 : i32
      %dma_wait3A_511 = arith.constant 0 : i32
      %dma_wait3A_512 = tpu.memref_slice %arg3[%dma_wait3A_510, %dma_wait3A_511] : memref<2000000x64xf32, #tpu.memory_space<hbm>> -> memref<2000000x64xf32, #tpu.memory_space<hbm>>
      tpu.wait_indirect_dma semaphore(%arg7 : memref<!tpu.dma_semaphore, #tpu.memory_space<semaphore_mem>>) src(%dma_wait3A_512 : memref<2000000x64xf32, #tpu.memory_space<hbm>>) dst(%dma_wait3A_506 : memref<26x64xf32, #tpu.memory_space<vmem>>)
      %dma_wait3A_513 = arith.constant 0 : i32
      %dma_wait3A_514 = arith.constant 6 : i32
      %dma_wait3A_515 = arith.constant 0 : i32
      %dma_wait3A_516 = arith.constant 0 : i32
      %dma_wait3A_517 = tpu.memref_slice %arg6[%rem3A_440, %dma_wait3A_514, %dma_wait3A_515, %dma_wait3A_516] : memref<2x32x26x64xf32, #tpu.memory_space<vmem>> -> memref<1x1x26x64xf32, #tpu.memory_space<vmem>>
      %dma_wait3A_518 = tpu.memref_squeeze %dma_wait3A_517 : memref<1x1x26x64xf32, #tpu.memory_space<vmem>> -> memref<26x64xf32, #tpu.memory_space<vmem>>
      %dma_wait3A_519 = arith.constant 0 : i32
      %dma_wait3A_520 = tpu.memref_slice %arg5[%dma_wait3A_513, %dma_wait3A_519] : memref<512x26xi32, #tpu.memory_space<vmem>> -> memref<1x26xi32, #tpu.memory_space<vmem>>
      %dma_wait3A_521 = tpu.memref_squeeze %dma_wait3A_520 : memref<1x26xi32, #tpu.memory_space<vmem>> -> memref<26xi32, #tpu.memory_space<vmem>>
      %dma_wait3A_522 = arith.constant 0 : i32
      %dma_wait3A_523 = arith.constant 0 : i32
      %dma_wait3A_524 = tpu.memref_slice %arg3[%dma_wait3A_522, %dma_wait3A_523] : memref<2000000x64xf32, #tpu.memory_space<hbm>> -> memref<2000000x64xf32, #tpu.memory_space<hbm>>
      tpu.wait_indirect_dma semaphore(%arg7 : memref<!tpu.dma_semaphore, #tpu.memory_space<semaphore_mem>>) src(%dma_wait3A_524 : memref<2000000x64xf32, #tpu.memory_space<hbm>>) dst(%dma_wait3A_518 : memref<26x64xf32, #tpu.memory_space<vmem>>)
      %dma_wait3A_525 = arith.constant 0 : i32
      %dma_wait3A_526 = arith.constant 7 : i32
      %dma_wait3A_527 = arith.constant 0 : i32
      %dma_wait3A_528 = arith.constant 0 : i32
      %dma_wait3A_529 = tpu.memref_slice %arg6[%rem3A_440, %dma_wait3A_526, %dma_wait3A_527, %dma_wait3A_528] : memref<2x32x26x64xf32, #tpu.memory_space<vmem>> -> memref<1x1x26x64xf32, #tpu.memory_space<vmem>>
      %dma_wait3A_530 = tpu.memref_squeeze %dma_wait3A_529 : memref<1x1x26x64xf32, #tpu.memory_space<vmem>> -> memref<26x64xf32, #tpu.memory_space<vmem>>
      %dma_wait3A_531 = arith.constant 0 : i32
      %dma_wait3A_532 = tpu.memref_slice %arg5[%dma_wait3A_525, %dma_wait3A_531] : memref<512x26xi32, #tpu.memory_space<vmem>> -> memref<1x26xi32, #tpu.memory_space<vmem>>
      %dma_wait3A_533 = tpu.memref_squeeze %dma_wait3A_532 : memref<1x26xi32, #tpu.memory_space<vmem>> -> memref<26xi32, #tpu.memory_space<vmem>>
      %dma_wait3A_534 = arith.constant 0 : i32
      %dma_wait3A_535 = arith.constant 0 : i32
      %dma_wait3A_536 = tpu.memref_slice %arg3[%dma_wait3A_534, %dma_wait3A_535] : memref<2000000x64xf32, #tpu.memory_space<hbm>> -> memref<2000000x64xf32, #tpu.memory_space<hbm>>
      tpu.wait_indirect_dma semaphore(%arg7 : memref<!tpu.dma_semaphore, #tpu.memory_space<semaphore_mem>>) src(%dma_wait3A_536 : memref<2000000x64xf32, #tpu.memory_space<hbm>>) dst(%dma_wait3A_530 : memref<26x64xf32, #tpu.memory_space<vmem>>)
      %dma_wait3A_537 = arith.constant 0 : i32
      %dma_wait3A_538 = arith.constant 8 : i32
      %dma_wait3A_539 = arith.constant 0 : i32
      %dma_wait3A_540 = arith.constant 0 : i32
      %dma_wait3A_541 = tpu.memref_slice %arg6[%rem3A_440, %dma_wait3A_538, %dma_wait3A_539, %dma_wait3A_540] : memref<2x32x26x64xf32, #tpu.memory_space<vmem>> -> memref<1x1x26x64xf32, #tpu.memory_space<vmem>>
      %dma_wait3A_542 = tpu.memref_squeeze %dma_wait3A_541 : memref<1x1x26x64xf32, #tpu.memory_space<vmem>> -> memref<26x64xf32, #tpu.memory_space<vmem>>
      %dma_wait3A_543 = arith.constant 0 : i32
      %dma_wait3A_544 = tpu.memref_slice %arg5[%dma_wait3A_537, %dma_wait3A_543] : memref<512x26xi32, #tpu.memory_space<vmem>> -> memref<1x26xi32, #tpu.memory_space<vmem>>
      %dma_wait3A_545 = tpu.memref_squeeze %dma_wait3A_544 : memref<1x26xi32, #tpu.memory_space<vmem>> -> memref<26xi32, #tpu.memory_space<vmem>>
      %dma_wait3A_546 = arith.constant 0 : i32
      %dma_wait3A_547 = arith.constant 0 : i32
      %dma_wait3A_548 = tpu.memref_slice %arg3[%dma_wait3A_546, %dma_wait3A_547] : memref<2000000x64xf32, #tpu.memory_space<hbm>> -> memref<2000000x64xf32, #tpu.memory_space<hbm>>
      tpu.wait_indirect_dma semaphore(%arg7 : memref<!tpu.dma_semaphore, #tpu.memory_space<semaphore_mem>>) src(%dma_wait3A_548 : memref<2000000x64xf32, #tpu.memory_space<hbm>>) dst(%dma_wait3A_542 : memref<26x64xf32, #tpu.memory_space<vmem>>)
      %dma_wait3A_549 = arith.constant 0 : i32
      %dma_wait3A_550 = arith.constant 9 : i32
      %dma_wait3A_551 = arith.constant 0 : i32
      %dma_wait3A_552 = arith.constant 0 : i32
      %dma_wait3A_553 = tpu.memref_slice %arg6[%rem3A_440, %dma_wait3A_550, %dma_wait3A_551, %dma_wait3A_552] : memref<2x32x26x64xf32, #tpu.memory_space<vmem>> -> memref<1x1x26x64xf32, #tpu.memory_space<vmem>>
      %dma_wait3A_554 = tpu.memref_squeeze %dma_wait3A_553 : memref<1x1x26x64xf32, #tpu.memory_space<vmem>> -> memref<26x64xf32, #tpu.memory_space<vmem>>
      %dma_wait3A_555 = arith.constant 0 : i32
      %dma_wait3A_556 = tpu.memref_slice %arg5[%dma_wait3A_549, %dma_wait3A_555] : memref<512x26xi32, #tpu.memory_space<vmem>> -> memref<1x26xi32, #tpu.memory_space<vmem>>
      %dma_wait3A_557 = tpu.memref_squeeze %dma_wait3A_556 : memref<1x26xi32, #tpu.memory_space<vmem>> -> memref<26xi32, #tpu.memory_space<vmem>>
      %dma_wait3A_558 = arith.constant 0 : i32
      %dma_wait3A_559 = arith.constant 0 : i32
      %dma_wait3A_560 = tpu.memref_slice %arg3[%dma_wait3A_558, %dma_wait3A_559] : memref<2000000x64xf32, #tpu.memory_space<hbm>> -> memref<2000000x64xf32, #tpu.memory_space<hbm>>
      tpu.wait_indirect_dma semaphore(%arg7 : memref<!tpu.dma_semaphore, #tpu.memory_space<semaphore_mem>>) src(%dma_wait3A_560 : memref<2000000x64xf32, #tpu.memory_space<hbm>>) dst(%dma_wait3A_554 : memref<26x64xf32, #tpu.memory_space<vmem>>)
      %dma_wait3A_561 = arith.constant 0 : i32
      %dma_wait3A_562 = arith.constant 10 : i32
      %dma_wait3A_563 = arith.constant 0 : i32
      %dma_wait3A_564 = arith.constant 0 : i32
      %dma_wait3A_565 = tpu.memref_slice %arg6[%rem3A_440, %dma_wait3A_562, %dma_wait3A_563, %dma_wait3A_564] : memref<2x32x26x64xf32, #tpu.memory_space<vmem>> -> memref<1x1x26x64xf32, #tpu.memory_space<vmem>>
      %dma_wait3A_566 = tpu.memref_squeeze %dma_wait3A_565 : memref<1x1x26x64xf32, #tpu.memory_space<vmem>> -> memref<26x64xf32, #tpu.memory_space<vmem>>
      %dma_wait3A_567 = arith.constant 0 : i32
      %dma_wait3A_568 = tpu.memref_slice %arg5[%dma_wait3A_561, %dma_wait3A_567] : memref<512x26xi32, #tpu.memory_space<vmem>> -> memref<1x26xi32, #tpu.memory_space<vmem>>
      %dma_wait3A_569 = tpu.memref_squeeze %dma_wait3A_568 : memref<1x26xi32, #tpu.memory_space<vmem>> -> memref<26xi32, #tpu.memory_space<vmem>>
      %dma_wait3A_570 = arith.constant 0 : i32
      %dma_wait3A_571 = arith.constant 0 : i32
      %dma_wait3A_572 = tpu.memref_slice %arg3[%dma_wait3A_570, %dma_wait3A_571] : memref<2000000x64xf32, #tpu.memory_space<hbm>> -> memref<2000000x64xf32, #tpu.memory_space<hbm>>
      tpu.wait_indirect_dma semaphore(%arg7 : memref<!tpu.dma_semaphore, #tpu.memory_space<semaphore_mem>>) src(%dma_wait3A_572 : memref<2000000x64xf32, #tpu.memory_space<hbm>>) dst(%dma_wait3A_566 : memref<26x64xf32, #tpu.memory_space<vmem>>)
      %dma_wait3A_573 = arith.constant 0 : i32
      %dma_wait3A_574 = arith.constant 11 : i32
      %dma_wait3A_575 = arith.constant 0 : i32
      %dma_wait3A_576 = arith.constant 0 : i32
      %dma_wait3A_577 = tpu.memref_slice %arg6[%rem3A_440, %dma_wait3A_574, %dma_wait3A_575, %dma_wait3A_576] : memref<2x32x26x64xf32, #tpu.memory_space<vmem>> -> memref<1x1x26x64xf32, #tpu.memory_space<vmem>>
      %dma_wait3A_578 = tpu.memref_squeeze %dma_wait3A_577 : memref<1x1x26x64xf32, #tpu.memory_space<vmem>> -> memref<26x64xf32, #tpu.memory_space<vmem>>
      %dma_wait3A_579 = arith.constant 0 : i32
      %dma_wait3A_580 = tpu.memref_slice %arg5[%dma_wait3A_573, %dma_wait3A_579] : memref<512x26xi32, #tpu.memory_space<vmem>> -> memref<1x26xi32, #tpu.memory_space<vmem>>
      %dma_wait3A_581 = tpu.memref_squeeze %dma_wait3A_580 : memref<1x26xi32, #tpu.memory_space<vmem>> -> memref<26xi32, #tpu.memory_space<vmem>>
      %dma_wait3A_582 = arith.constant 0 : i32
      %dma_wait3A_583 = arith.constant 0 : i32
      %dma_wait3A_584 = tpu.memref_slice %arg3[%dma_wait3A_582, %dma_wait3A_583] : memref<2000000x64xf32, #tpu.memory_space<hbm>> -> memref<2000000x64xf32, #tpu.memory_space<hbm>>
      tpu.wait_indirect_dma semaphore(%arg7 : memref<!tpu.dma_semaphore, #tpu.memory_space<semaphore_mem>>) src(%dma_wait3A_584 : memref<2000000x64xf32, #tpu.memory_space<hbm>>) dst(%dma_wait3A_578 : memref<26x64xf32, #tpu.memory_space<vmem>>)
      %dma_wait3A_585 = arith.constant 0 : i32
      %dma_wait3A_586 = arith.constant 12 : i32
      %dma_wait3A_587 = arith.constant 0 : i32
      %dma_wait3A_588 = arith.constant 0 : i32
      %dma_wait3A_589 = tpu.memref_slice %arg6[%rem3A_440, %dma_wait3A_586, %dma_wait3A_587, %dma_wait3A_588] : memref<2x32x26x64xf32, #tpu.memory_space<vmem>> -> memref<1x1x26x64xf32, #tpu.memory_space<vmem>>
      %dma_wait3A_590 = tpu.memref_squeeze %dma_wait3A_589 : memref<1x1x26x64xf32, #tpu.memory_space<vmem>> -> memref<26x64xf32, #tpu.memory_space<vmem>>
      %dma_wait3A_591 = arith.constant 0 : i32
      %dma_wait3A_592 = tpu.memref_slice %arg5[%dma_wait3A_585, %dma_wait3A_591] : memref<512x26xi32, #tpu.memory_space<vmem>> -> memref<1x26xi32, #tpu.memory_space<vmem>>
      %dma_wait3A_593 = tpu.memref_squeeze %dma_wait3A_592 : memref<1x26xi32, #tpu.memory_space<vmem>> -> memref<26xi32, #tpu.memory_space<vmem>>
      %dma_wait3A_594 = arith.constant 0 : i32
      %dma_wait3A_595 = arith.constant 0 : i32
      %dma_wait3A_596 = tpu.memref_slice %arg3[%dma_wait3A_594, %dma_wait3A_595] : memref<2000000x64xf32, #tpu.memory_space<hbm>> -> memref<2000000x64xf32, #tpu.memory_space<hbm>>
      tpu.wait_indirect_dma semaphore(%arg7 : memref<!tpu.dma_semaphore, #tpu.memory_space<semaphore_mem>>) src(%dma_wait3A_596 : memref<2000000x64xf32, #tpu.memory_space<hbm>>) dst(%dma_wait3A_590 : memref<26x64xf32, #tpu.memory_space<vmem>>)
      %dma_wait3A_597 = arith.constant 0 : i32
      %dma_wait3A_598 = arith.constant 13 : i32
      %dma_wait3A_599 = arith.constant 0 : i32
      %dma_wait3A_600 = arith.constant 0 : i32
      %dma_wait3A_601 = tpu.memref_slice %arg6[%rem3A_440, %dma_wait3A_598, %dma_wait3A_599, %dma_wait3A_600] : memref<2x32x26x64xf32, #tpu.memory_space<vmem>> -> memref<1x1x26x64xf32, #tpu.memory_space<vmem>>
      %dma_wait3A_602 = tpu.memref_squeeze %dma_wait3A_601 : memref<1x1x26x64xf32, #tpu.memory_space<vmem>> -> memref<26x64xf32, #tpu.memory_space<vmem>>
      %dma_wait3A_603 = arith.constant 0 : i32
      %dma_wait3A_604 = tpu.memref_slice %arg5[%dma_wait3A_597, %dma_wait3A_603] : memref<512x26xi32, #tpu.memory_space<vmem>> -> memref<1x26xi32, #tpu.memory_space<vmem>>
      %dma_wait3A_605 = tpu.memref_squeeze %dma_wait3A_604 : memref<1x26xi32, #tpu.memory_space<vmem>> -> memref<26xi32, #tpu.memory_space<vmem>>
      %dma_wait3A_606 = arith.constant 0 : i32
      %dma_wait3A_607 = arith.constant 0 : i32
      %dma_wait3A_608 = tpu.memref_slice %arg3[%dma_wait3A_606, %dma_wait3A_607] : memref<2000000x64xf32, #tpu.memory_space<hbm>> -> memref<2000000x64xf32, #tpu.memory_space<hbm>>
      tpu.wait_indirect_dma semaphore(%arg7 : memref<!tpu.dma_semaphore, #tpu.memory_space<semaphore_mem>>) src(%dma_wait3A_608 : memref<2000000x64xf32, #tpu.memory_space<hbm>>) dst(%dma_wait3A_602 : memref<26x64xf32, #tpu.memory_space<vmem>>)
      %dma_wait3A_609 = arith.constant 0 : i32
      %dma_wait3A_610 = arith.constant 14 : i32
      %dma_wait3A_611 = arith.constant 0 : i32
      %dma_wait3A_612 = arith.constant 0 : i32
      %dma_wait3A_613 = tpu.memref_slice %arg6[%rem3A_440, %dma_wait3A_610, %dma_wait3A_611, %dma_wait3A_612] : memref<2x32x26x64xf32, #tpu.memory_space<vmem>> -> memref<1x1x26x64xf32, #tpu.memory_space<vmem>>
      %dma_wait3A_614 = tpu.memref_squeeze %dma_wait3A_613 : memref<1x1x26x64xf32, #tpu.memory_space<vmem>> -> memref<26x64xf32, #tpu.memory_space<vmem>>
      %dma_wait3A_615 = arith.constant 0 : i32
      %dma_wait3A_616 = tpu.memref_slice %arg5[%dma_wait3A_609, %dma_wait3A_615] : memref<512x26xi32, #tpu.memory_space<vmem>> -> memref<1x26xi32, #tpu.memory_space<vmem>>
      %dma_wait3A_617 = tpu.memref_squeeze %dma_wait3A_616 : memref<1x26xi32, #tpu.memory_space<vmem>> -> memref<26xi32, #tpu.memory_space<vmem>>
      %dma_wait3A_618 = arith.constant 0 : i32
      %dma_wait3A_619 = arith.constant 0 : i32
      %dma_wait3A_620 = tpu.memref_slice %arg3[%dma_wait3A_618, %dma_wait3A_619] : memref<2000000x64xf32, #tpu.memory_space<hbm>> -> memref<2000000x64xf32, #tpu.memory_space<hbm>>
      tpu.wait_indirect_dma semaphore(%arg7 : memref<!tpu.dma_semaphore, #tpu.memory_space<semaphore_mem>>) src(%dma_wait3A_620 : memref<2000000x64xf32, #tpu.memory_space<hbm>>) dst(%dma_wait3A_614 : memref<26x64xf32, #tpu.memory_space<vmem>>)
      %dma_wait3A_621 = arith.constant 0 : i32
      %dma_wait3A_622 = arith.constant 15 : i32
      %dma_wait3A_623 = arith.constant 0 : i32
      %dma_wait3A_624 = arith.constant 0 : i32
      %dma_wait3A_625 = tpu.memref_slice %arg6[%rem3A_440, %dma_wait3A_622, %dma_wait3A_623, %dma_wait3A_624] : memref<2x32x26x64xf32, #tpu.memory_space<vmem>> -> memref<1x1x26x64xf32, #tpu.memory_space<vmem>>
      %dma_wait3A_626 = tpu.memref_squeeze %dma_wait3A_625 : memref<1x1x26x64xf32, #tpu.memory_space<vmem>> -> memref<26x64xf32, #tpu.memory_space<vmem>>
      %dma_wait3A_627 = arith.constant 0 : i32
      %dma_wait3A_628 = tpu.memref_slice %arg5[%dma_wait3A_621, %dma_wait3A_627] : memref<512x26xi32, #tpu.memory_space<vmem>> -> memref<1x26xi32, #tpu.memory_space<vmem>>
      %dma_wait3A_629 = tpu.memref_squeeze %dma_wait3A_628 : memref<1x26xi32, #tpu.memory_space<vmem>> -> memref<26xi32, #tpu.memory_space<vmem>>
      %dma_wait3A_630 = arith.constant 0 : i32
      %dma_wait3A_631 = arith.constant 0 : i32
      %dma_wait3A_632 = tpu.memref_slice %arg3[%dma_wait3A_630, %dma_wait3A_631] : memref<2000000x64xf32, #tpu.memory_space<hbm>> -> memref<2000000x64xf32, #tpu.memory_space<hbm>>
      tpu.wait_indirect_dma semaphore(%arg7 : memref<!tpu.dma_semaphore, #tpu.memory_space<semaphore_mem>>) src(%dma_wait3A_632 : memref<2000000x64xf32, #tpu.memory_space<hbm>>) dst(%dma_wait3A_626 : memref<26x64xf32, #tpu.memory_space<vmem>>)
      %dma_wait3A_633 = arith.constant 0 : i32
      %dma_wait3A_634 = arith.constant 16 : i32
      %dma_wait3A_635 = arith.constant 0 : i32
      %dma_wait3A_636 = arith.constant 0 : i32
      %dma_wait3A_637 = tpu.memref_slice %arg6[%rem3A_440, %dma_wait3A_634, %dma_wait3A_635, %dma_wait3A_636] : memref<2x32x26x64xf32, #tpu.memory_space<vmem>> -> memref<1x1x26x64xf32, #tpu.memory_space<vmem>>
      %dma_wait3A_638 = tpu.memref_squeeze %dma_wait3A_637 : memref<1x1x26x64xf32, #tpu.memory_space<vmem>> -> memref<26x64xf32, #tpu.memory_space<vmem>>
      %dma_wait3A_639 = arith.constant 0 : i32
      %dma_wait3A_640 = tpu.memref_slice %arg5[%dma_wait3A_633, %dma_wait3A_639] : memref<512x26xi32, #tpu.memory_space<vmem>> -> memref<1x26xi32, #tpu.memory_space<vmem>>
      %dma_wait3A_641 = tpu.memref_squeeze %dma_wait3A_640 : memref<1x26xi32, #tpu.memory_space<vmem>> -> memref<26xi32, #tpu.memory_space<vmem>>
      %dma_wait3A_642 = arith.constant 0 : i32
      %dma_wait3A_643 = arith.constant 0 : i32
      %dma_wait3A_644 = tpu.memref_slice %arg3[%dma_wait3A_642, %dma_wait3A_643] : memref<2000000x64xf32, #tpu.memory_space<hbm>> -> memref<2000000x64xf32, #tpu.memory_space<hbm>>
      tpu.wait_indirect_dma semaphore(%arg7 : memref<!tpu.dma_semaphore, #tpu.memory_space<semaphore_mem>>) src(%dma_wait3A_644 : memref<2000000x64xf32, #tpu.memory_space<hbm>>) dst(%dma_wait3A_638 : memref<26x64xf32, #tpu.memory_space<vmem>>)
      %dma_wait3A_645 = arith.constant 0 : i32
      %dma_wait3A_646 = arith.constant 17 : i32
      %dma_wait3A_647 = arith.constant 0 : i32
      %dma_wait3A_648 = arith.constant 0 : i32
      %dma_wait3A_649 = tpu.memref_slice %arg6[%rem3A_440, %dma_wait3A_646, %dma_wait3A_647, %dma_wait3A_648] : memref<2x32x26x64xf32, #tpu.memory_space<vmem>> -> memref<1x1x26x64xf32, #tpu.memory_space<vmem>>
      %dma_wait3A_650 = tpu.memref_squeeze %dma_wait3A_649 : memref<1x1x26x64xf32, #tpu.memory_space<vmem>> -> memref<26x64xf32, #tpu.memory_space<vmem>>
      %dma_wait3A_651 = arith.constant 0 : i32
      %dma_wait3A_652 = tpu.memref_slice %arg5[%dma_wait3A_645, %dma_wait3A_651] : memref<512x26xi32, #tpu.memory_space<vmem>> -> memref<1x26xi32, #tpu.memory_space<vmem>>
      %dma_wait3A_653 = tpu.memref_squeeze %dma_wait3A_652 : memref<1x26xi32, #tpu.memory_space<vmem>> -> memref<26xi32, #tpu.memory_space<vmem>>
      %dma_wait3A_654 = arith.constant 0 : i32
      %dma_wait3A_655 = arith.constant 0 : i32
      %dma_wait3A_656 = tpu.memref_slice %arg3[%dma_wait3A_654, %dma_wait3A_655] : memref<2000000x64xf32, #tpu.memory_space<hbm>> -> memref<2000000x64xf32, #tpu.memory_space<hbm>>
      tpu.wait_indirect_dma semaphore(%arg7 : memref<!tpu.dma_semaphore, #tpu.memory_space<semaphore_mem>>) src(%dma_wait3A_656 : memref<2000000x64xf32, #tpu.memory_space<hbm>>) dst(%dma_wait3A_650 : memref<26x64xf32, #tpu.memory_space<vmem>>)
      %dma_wait3A_657 = arith.constant 0 : i32
      %dma_wait3A_658 = arith.constant 18 : i32
      %dma_wait3A_659 = arith.constant 0 : i32
      %dma_wait3A_660 = arith.constant 0 : i32
      %dma_wait3A_661 = tpu.memref_slice %arg6[%rem3A_440, %dma_wait3A_658, %dma_wait3A_659, %dma_wait3A_660] : memref<2x32x26x64xf32, #tpu.memory_space<vmem>> -> memref<1x1x26x64xf32, #tpu.memory_space<vmem>>
      %dma_wait3A_662 = tpu.memref_squeeze %dma_wait3A_661 : memref<1x1x26x64xf32, #tpu.memory_space<vmem>> -> memref<26x64xf32, #tpu.memory_space<vmem>>
      %dma_wait3A_663 = arith.constant 0 : i32
      %dma_wait3A_664 = tpu.memref_slice %arg5[%dma_wait3A_657, %dma_wait3A_663] : memref<512x26xi32, #tpu.memory_space<vmem>> -> memref<1x26xi32, #tpu.memory_space<vmem>>
      %dma_wait3A_665 = tpu.memref_squeeze %dma_wait3A_664 : memref<1x26xi32, #tpu.memory_space<vmem>> -> memref<26xi32, #tpu.memory_space<vmem>>
      %dma_wait3A_666 = arith.constant 0 : i32
      %dma_wait3A_667 = arith.constant 0 : i32
      %dma_wait3A_668 = tpu.memref_slice %arg3[%dma_wait3A_666, %dma_wait3A_667] : memref<2000000x64xf32, #tpu.memory_space<hbm>> -> memref<2000000x64xf32, #tpu.memory_space<hbm>>
      tpu.wait_indirect_dma semaphore(%arg7 : memref<!tpu.dma_semaphore, #tpu.memory_space<semaphore_mem>>) src(%dma_wait3A_668 : memref<2000000x64xf32, #tpu.memory_space<hbm>>) dst(%dma_wait3A_662 : memref<26x64xf32, #tpu.memory_space<vmem>>)
      %dma_wait3A_669 = arith.constant 0 : i32
      %dma_wait3A_670 = arith.constant 19 : i32
      %dma_wait3A_671 = arith.constant 0 : i32
      %dma_wait3A_672 = arith.constant 0 : i32
      %dma_wait3A_673 = tpu.memref_slice %arg6[%rem3A_440, %dma_wait3A_670, %dma_wait3A_671, %dma_wait3A_672] : memref<2x32x26x64xf32, #tpu.memory_space<vmem>> -> memref<1x1x26x64xf32, #tpu.memory_space<vmem>>
      %dma_wait3A_674 = tpu.memref_squeeze %dma_wait3A_673 : memref<1x1x26x64xf32, #tpu.memory_space<vmem>> -> memref<26x64xf32, #tpu.memory_space<vmem>>
      %dma_wait3A_675 = arith.constant 0 : i32
      %dma_wait3A_676 = tpu.memref_slice %arg5[%dma_wait3A_669, %dma_wait3A_675] : memref<512x26xi32, #tpu.memory_space<vmem>> -> memref<1x26xi32, #tpu.memory_space<vmem>>
      %dma_wait3A_677 = tpu.memref_squeeze %dma_wait3A_676 : memref<1x26xi32, #tpu.memory_space<vmem>> -> memref<26xi32, #tpu.memory_space<vmem>>
      %dma_wait3A_678 = arith.constant 0 : i32
      %dma_wait3A_679 = arith.constant 0 : i32
      %dma_wait3A_680 = tpu.memref_slice %arg3[%dma_wait3A_678, %dma_wait3A_679] : memref<2000000x64xf32, #tpu.memory_space<hbm>> -> memref<2000000x64xf32, #tpu.memory_space<hbm>>
      tpu.wait_indirect_dma semaphore(%arg7 : memref<!tpu.dma_semaphore, #tpu.memory_space<semaphore_mem>>) src(%dma_wait3A_680 : memref<2000000x64xf32, #tpu.memory_space<hbm>>) dst(%dma_wait3A_674 : memref<26x64xf32, #tpu.memory_space<vmem>>)
      %dma_wait3A_681 = arith.constant 0 : i32
      %dma_wait3A_682 = arith.constant 20 : i32
      %dma_wait3A_683 = arith.constant 0 : i32
      %dma_wait3A_684 = arith.constant 0 : i32
      %dma_wait3A_685 = tpu.memref_slice %arg6[%rem3A_440, %dma_wait3A_682, %dma_wait3A_683, %dma_wait3A_684] : memref<2x32x26x64xf32, #tpu.memory_space<vmem>> -> memref<1x1x26x64xf32, #tpu.memory_space<vmem>>
      %dma_wait3A_686 = tpu.memref_squeeze %dma_wait3A_685 : memref<1x1x26x64xf32, #tpu.memory_space<vmem>> -> memref<26x64xf32, #tpu.memory_space<vmem>>
      %dma_wait3A_687 = arith.constant 0 : i32
      %dma_wait3A_688 = tpu.memref_slice %arg5[%dma_wait3A_681, %dma_wait3A_687] : memref<512x26xi32, #tpu.memory_space<vmem>> -> memref<1x26xi32, #tpu.memory_space<vmem>>
      %dma_wait3A_689 = tpu.memref_squeeze %dma_wait3A_688 : memref<1x26xi32, #tpu.memory_space<vmem>> -> memref<26xi32, #tpu.memory_space<vmem>>
      %dma_wait3A_690 = arith.constant 0 : i32
      %dma_wait3A_691 = arith.constant 0 : i32
      %dma_wait3A_692 = tpu.memref_slice %arg3[%dma_wait3A_690, %dma_wait3A_691] : memref<2000000x64xf32, #tpu.memory_space<hbm>> -> memref<2000000x64xf32, #tpu.memory_space<hbm>>
      tpu.wait_indirect_dma semaphore(%arg7 : memref<!tpu.dma_semaphore, #tpu.memory_space<semaphore_mem>>) src(%dma_wait3A_692 : memref<2000000x64xf32, #tpu.memory_space<hbm>>) dst(%dma_wait3A_686 : memref<26x64xf32, #tpu.memory_space<vmem>>)
      %dma_wait3A_693 = arith.constant 0 : i32
      %dma_wait3A_694 = arith.constant 21 : i32
      %dma_wait3A_695 = arith.constant 0 : i32
      %dma_wait3A_696 = arith.constant 0 : i32
      %dma_wait3A_697 = tpu.memref_slice %arg6[%rem3A_440, %dma_wait3A_694, %dma_wait3A_695, %dma_wait3A_696] : memref<2x32x26x64xf32, #tpu.memory_space<vmem>> -> memref<1x1x26x64xf32, #tpu.memory_space<vmem>>
      %dma_wait3A_698 = tpu.memref_squeeze %dma_wait3A_697 : memref<1x1x26x64xf32, #tpu.memory_space<vmem>> -> memref<26x64xf32, #tpu.memory_space<vmem>>
      %dma_wait3A_699 = arith.constant 0 : i32
      %dma_wait3A_700 = tpu.memref_slice %arg5[%dma_wait3A_693, %dma_wait3A_699] : memref<512x26xi32, #tpu.memory_space<vmem>> -> memref<1x26xi32, #tpu.memory_space<vmem>>
      %dma_wait3A_701 = tpu.memref_squeeze %dma_wait3A_700 : memref<1x26xi32, #tpu.memory_space<vmem>> -> memref<26xi32, #tpu.memory_space<vmem>>
      %dma_wait3A_702 = arith.constant 0 : i32
      %dma_wait3A_703 = arith.constant 0 : i32
      %dma_wait3A_704 = tpu.memref_slice %arg3[%dma_wait3A_702, %dma_wait3A_703] : memref<2000000x64xf32, #tpu.memory_space<hbm>> -> memref<2000000x64xf32, #tpu.memory_space<hbm>>
      tpu.wait_indirect_dma semaphore(%arg7 : memref<!tpu.dma_semaphore, #tpu.memory_space<semaphore_mem>>) src(%dma_wait3A_704 : memref<2000000x64xf32, #tpu.memory_space<hbm>>) dst(%dma_wait3A_698 : memref<26x64xf32, #tpu.memory_space<vmem>>)
      %dma_wait3A_705 = arith.constant 0 : i32
      %dma_wait3A_706 = arith.constant 22 : i32
      %dma_wait3A_707 = arith.constant 0 : i32
      %dma_wait3A_708 = arith.constant 0 : i32
      %dma_wait3A_709 = tpu.memref_slice %arg6[%rem3A_440, %dma_wait3A_706, %dma_wait3A_707, %dma_wait3A_708] : memref<2x32x26x64xf32, #tpu.memory_space<vmem>> -> memref<1x1x26x64xf32, #tpu.memory_space<vmem>>
      %dma_wait3A_710 = tpu.memref_squeeze %dma_wait3A_709 : memref<1x1x26x64xf32, #tpu.memory_space<vmem>> -> memref<26x64xf32, #tpu.memory_space<vmem>>
      %dma_wait3A_711 = arith.constant 0 : i32
      %dma_wait3A_712 = tpu.memref_slice %arg5[%dma_wait3A_705, %dma_wait3A_711] : memref<512x26xi32, #tpu.memory_space<vmem>> -> memref<1x26xi32, #tpu.memory_space<vmem>>
      %dma_wait3A_713 = tpu.memref_squeeze %dma_wait3A_712 : memref<1x26xi32, #tpu.memory_space<vmem>> -> memref<26xi32, #tpu.memory_space<vmem>>
      %dma_wait3A_714 = arith.constant 0 : i32
      %dma_wait3A_715 = arith.constant 0 : i32
      %dma_wait3A_716 = tpu.memref_slice %arg3[%dma_wait3A_714, %dma_wait3A_715] : memref<2000000x64xf32, #tpu.memory_space<hbm>> -> memref<2000000x64xf32, #tpu.memory_space<hbm>>
      tpu.wait_indirect_dma semaphore(%arg7 : memref<!tpu.dma_semaphore, #tpu.memory_space<semaphore_mem>>) src(%dma_wait3A_716 : memref<2000000x64xf32, #tpu.memory_space<hbm>>) dst(%dma_wait3A_710 : memref<26x64xf32, #tpu.memory_space<vmem>>)
      %dma_wait3A_717 = arith.constant 0 : i32
      %dma_wait3A_718 = arith.constant 23 : i32
      %dma_wait3A_719 = arith.constant 0 : i32
      %dma_wait3A_720 = arith.constant 0 : i32
      %dma_wait3A_721 = tpu.memref_slice %arg6[%rem3A_440, %dma_wait3A_718, %dma_wait3A_719, %dma_wait3A_720] : memref<2x32x26x64xf32, #tpu.memory_space<vmem>> -> memref<1x1x26x64xf32, #tpu.memory_space<vmem>>
      %dma_wait3A_722 = tpu.memref_squeeze %dma_wait3A_721 : memref<1x1x26x64xf32, #tpu.memory_space<vmem>> -> memref<26x64xf32, #tpu.memory_space<vmem>>
      %dma_wait3A_723 = arith.constant 0 : i32
      %dma_wait3A_724 = tpu.memref_slice %arg5[%dma_wait3A_717, %dma_wait3A_723] : memref<512x26xi32, #tpu.memory_space<vmem>> -> memref<1x26xi32, #tpu.memory_space<vmem>>
      %dma_wait3A_725 = tpu.memref_squeeze %dma_wait3A_724 : memref<1x26xi32, #tpu.memory_space<vmem>> -> memref<26xi32, #tpu.memory_space<vmem>>
      %dma_wait3A_726 = arith.constant 0 : i32
      %dma_wait3A_727 = arith.constant 0 : i32
      %dma_wait3A_728 = tpu.memref_slice %arg3[%dma_wait3A_726, %dma_wait3A_727] : memref<2000000x64xf32, #tpu.memory_space<hbm>> -> memref<2000000x64xf32, #tpu.memory_space<hbm>>
      tpu.wait_indirect_dma semaphore(%arg7 : memref<!tpu.dma_semaphore, #tpu.memory_space<semaphore_mem>>) src(%dma_wait3A_728 : memref<2000000x64xf32, #tpu.memory_space<hbm>>) dst(%dma_wait3A_722 : memref<26x64xf32, #tpu.memory_space<vmem>>)
      %dma_wait3A_729 = arith.constant 0 : i32
      %dma_wait3A_730 = arith.constant 24 : i32
      %dma_wait3A_731 = arith.constant 0 : i32
      %dma_wait3A_732 = arith.constant 0 : i32
      %dma_wait3A_733 = tpu.memref_slice %arg6[%rem3A_440, %dma_wait3A_730, %dma_wait3A_731, %dma_wait3A_732] : memref<2x32x26x64xf32, #tpu.memory_space<vmem>> -> memref<1x1x26x64xf32, #tpu.memory_space<vmem>>
      %dma_wait3A_734 = tpu.memref_squeeze %dma_wait3A_733 : memref<1x1x26x64xf32, #tpu.memory_space<vmem>> -> memref<26x64xf32, #tpu.memory_space<vmem>>
      %dma_wait3A_735 = arith.constant 0 : i32
      %dma_wait3A_736 = tpu.memref_slice %arg5[%dma_wait3A_729, %dma_wait3A_735] : memref<512x26xi32, #tpu.memory_space<vmem>> -> memref<1x26xi32, #tpu.memory_space<vmem>>
      %dma_wait3A_737 = tpu.memref_squeeze %dma_wait3A_736 : memref<1x26xi32, #tpu.memory_space<vmem>> -> memref<26xi32, #tpu.memory_space<vmem>>
      %dma_wait3A_738 = arith.constant 0 : i32
      %dma_wait3A_739 = arith.constant 0 : i32
      %dma_wait3A_740 = tpu.memref_slice %arg3[%dma_wait3A_738, %dma_wait3A_739] : memref<2000000x64xf32, #tpu.memory_space<hbm>> -> memref<2000000x64xf32, #tpu.memory_space<hbm>>
      tpu.wait_indirect_dma semaphore(%arg7 : memref<!tpu.dma_semaphore, #tpu.memory_space<semaphore_mem>>) src(%dma_wait3A_740 : memref<2000000x64xf32, #tpu.memory_space<hbm>>) dst(%dma_wait3A_734 : memref<26x64xf32, #tpu.memory_space<vmem>>)
      %dma_wait3A_741 = arith.constant 0 : i32
      %dma_wait3A_742 = arith.constant 25 : i32
      %dma_wait3A_743 = arith.constant 0 : i32
      %dma_wait3A_744 = arith.constant 0 : i32
      %dma_wait3A_745 = tpu.memref_slice %arg6[%rem3A_440, %dma_wait3A_742, %dma_wait3A_743, %dma_wait3A_744] : memref<2x32x26x64xf32, #tpu.memory_space<vmem>> -> memref<1x1x26x64xf32, #tpu.memory_space<vmem>>
      %dma_wait3A_746 = tpu.memref_squeeze %dma_wait3A_745 : memref<1x1x26x64xf32, #tpu.memory_space<vmem>> -> memref<26x64xf32, #tpu.memory_space<vmem>>
      %dma_wait3A_747 = arith.constant 0 : i32
      %dma_wait3A_748 = tpu.memref_slice %arg5[%dma_wait3A_741, %dma_wait3A_747] : memref<512x26xi32, #tpu.memory_space<vmem>> -> memref<1x26xi32, #tpu.memory_space<vmem>>
      %dma_wait3A_749 = tpu.memref_squeeze %dma_wait3A_748 : memref<1x26xi32, #tpu.memory_space<vmem>> -> memref<26xi32, #tpu.memory_space<vmem>>
      %dma_wait3A_750 = arith.constant 0 : i32
      %dma_wait3A_751 = arith.constant 0 : i32
      %dma_wait3A_752 = tpu.memref_slice %arg3[%dma_wait3A_750, %dma_wait3A_751] : memref<2000000x64xf32, #tpu.memory_space<hbm>> -> memref<2000000x64xf32, #tpu.memory_space<hbm>>
      tpu.wait_indirect_dma semaphore(%arg7 : memref<!tpu.dma_semaphore, #tpu.memory_space<semaphore_mem>>) src(%dma_wait3A_752 : memref<2000000x64xf32, #tpu.memory_space<hbm>>) dst(%dma_wait3A_746 : memref<26x64xf32, #tpu.memory_space<vmem>>)
      %dma_wait3A_753 = arith.constant 0 : i32
      %dma_wait3A_754 = arith.constant 26 : i32
      %dma_wait3A_755 = arith.constant 0 : i32
      %dma_wait3A_756 = arith.constant 0 : i32
      %dma_wait3A_757 = tpu.memref_slice %arg6[%rem3A_440, %dma_wait3A_754, %dma_wait3A_755, %dma_wait3A_756] : memref<2x32x26x64xf32, #tpu.memory_space<vmem>> -> memref<1x1x26x64xf32, #tpu.memory_space<vmem>>
      %dma_wait3A_758 = tpu.memref_squeeze %dma_wait3A_757 : memref<1x1x26x64xf32, #tpu.memory_space<vmem>> -> memref<26x64xf32, #tpu.memory_space<vmem>>
      %dma_wait3A_759 = arith.constant 0 : i32
      %dma_wait3A_760 = tpu.memref_slice %arg5[%dma_wait3A_753, %dma_wait3A_759] : memref<512x26xi32, #tpu.memory_space<vmem>> -> memref<1x26xi32, #tpu.memory_space<vmem>>
      %dma_wait3A_761 = tpu.memref_squeeze %dma_wait3A_760 : memref<1x26xi32, #tpu.memory_space<vmem>> -> memref<26xi32, #tpu.memory_space<vmem>>
      %dma_wait3A_762 = arith.constant 0 : i32
      %dma_wait3A_763 = arith.constant 0 : i32
      %dma_wait3A_764 = tpu.memref_slice %arg3[%dma_wait3A_762, %dma_wait3A_763] : memref<2000000x64xf32, #tpu.memory_space<hbm>> -> memref<2000000x64xf32, #tpu.memory_space<hbm>>
      tpu.wait_indirect_dma semaphore(%arg7 : memref<!tpu.dma_semaphore, #tpu.memory_space<semaphore_mem>>) src(%dma_wait3A_764 : memref<2000000x64xf32, #tpu.memory_space<hbm>>) dst(%dma_wait3A_758 : memref<26x64xf32, #tpu.memory_space<vmem>>)
      %dma_wait3A_765 = arith.constant 0 : i32
      %dma_wait3A_766 = arith.constant 27 : i32
      %dma_wait3A_767 = arith.constant 0 : i32
      %dma_wait3A_768 = arith.constant 0 : i32
      %dma_wait3A_769 = tpu.memref_slice %arg6[%rem3A_440, %dma_wait3A_766, %dma_wait3A_767, %dma_wait3A_768] : memref<2x32x26x64xf32, #tpu.memory_space<vmem>> -> memref<1x1x26x64xf32, #tpu.memory_space<vmem>>
      %dma_wait3A_770 = tpu.memref_squeeze %dma_wait3A_769 : memref<1x1x26x64xf32, #tpu.memory_space<vmem>> -> memref<26x64xf32, #tpu.memory_space<vmem>>
      %dma_wait3A_771 = arith.constant 0 : i32
      %dma_wait3A_772 = tpu.memref_slice %arg5[%dma_wait3A_765, %dma_wait3A_771] : memref<512x26xi32, #tpu.memory_space<vmem>> -> memref<1x26xi32, #tpu.memory_space<vmem>>
      %dma_wait3A_773 = tpu.memref_squeeze %dma_wait3A_772 : memref<1x26xi32, #tpu.memory_space<vmem>> -> memref<26xi32, #tpu.memory_space<vmem>>
      %dma_wait3A_774 = arith.constant 0 : i32
      %dma_wait3A_775 = arith.constant 0 : i32
      %dma_wait3A_776 = tpu.memref_slice %arg3[%dma_wait3A_774, %dma_wait3A_775] : memref<2000000x64xf32, #tpu.memory_space<hbm>> -> memref<2000000x64xf32, #tpu.memory_space<hbm>>
      tpu.wait_indirect_dma semaphore(%arg7 : memref<!tpu.dma_semaphore, #tpu.memory_space<semaphore_mem>>) src(%dma_wait3A_776 : memref<2000000x64xf32, #tpu.memory_space<hbm>>) dst(%dma_wait3A_770 : memref<26x64xf32, #tpu.memory_space<vmem>>)
      %dma_wait3A_777 = arith.constant 0 : i32
      %dma_wait3A_778 = arith.constant 28 : i32
      %dma_wait3A_779 = arith.constant 0 : i32
      %dma_wait3A_780 = arith.constant 0 : i32
      %dma_wait3A_781 = tpu.memref_slice %arg6[%rem3A_440, %dma_wait3A_778, %dma_wait3A_779, %dma_wait3A_780] : memref<2x32x26x64xf32, #tpu.memory_space<vmem>> -> memref<1x1x26x64xf32, #tpu.memory_space<vmem>>
      %dma_wait3A_782 = tpu.memref_squeeze %dma_wait3A_781 : memref<1x1x26x64xf32, #tpu.memory_space<vmem>> -> memref<26x64xf32, #tpu.memory_space<vmem>>
      %dma_wait3A_783 = arith.constant 0 : i32
      %dma_wait3A_784 = tpu.memref_slice %arg5[%dma_wait3A_777, %dma_wait3A_783] : memref<512x26xi32, #tpu.memory_space<vmem>> -> memref<1x26xi32, #tpu.memory_space<vmem>>
      %dma_wait3A_785 = tpu.memref_squeeze %dma_wait3A_784 : memref<1x26xi32, #tpu.memory_space<vmem>> -> memref<26xi32, #tpu.memory_space<vmem>>
      %dma_wait3A_786 = arith.constant 0 : i32
      %dma_wait3A_787 = arith.constant 0 : i32
      %dma_wait3A_788 = tpu.memref_slice %arg3[%dma_wait3A_786, %dma_wait3A_787] : memref<2000000x64xf32, #tpu.memory_space<hbm>> -> memref<2000000x64xf32, #tpu.memory_space<hbm>>
      tpu.wait_indirect_dma semaphore(%arg7 : memref<!tpu.dma_semaphore, #tpu.memory_space<semaphore_mem>>) src(%dma_wait3A_788 : memref<2000000x64xf32, #tpu.memory_space<hbm>>) dst(%dma_wait3A_782 : memref<26x64xf32, #tpu.memory_space<vmem>>)
      %dma_wait3A_789 = arith.constant 0 : i32
      %dma_wait3A_790 = arith.constant 29 : i32
      %dma_wait3A_791 = arith.constant 0 : i32
      %dma_wait3A_792 = arith.constant 0 : i32
      %dma_wait3A_793 = tpu.memref_slice %arg6[%rem3A_440, %dma_wait3A_790, %dma_wait3A_791, %dma_wait3A_792] : memref<2x32x26x64xf32, #tpu.memory_space<vmem>> -> memref<1x1x26x64xf32, #tpu.memory_space<vmem>>
      %dma_wait3A_794 = tpu.memref_squeeze %dma_wait3A_793 : memref<1x1x26x64xf32, #tpu.memory_space<vmem>> -> memref<26x64xf32, #tpu.memory_space<vmem>>
      %dma_wait3A_795 = arith.constant 0 : i32
      %dma_wait3A_796 = tpu.memref_slice %arg5[%dma_wait3A_789, %dma_wait3A_795] : memref<512x26xi32, #tpu.memory_space<vmem>> -> memref<1x26xi32, #tpu.memory_space<vmem>>
      %dma_wait3A_797 = tpu.memref_squeeze %dma_wait3A_796 : memref<1x26xi32, #tpu.memory_space<vmem>> -> memref<26xi32, #tpu.memory_space<vmem>>
      %dma_wait3A_798 = arith.constant 0 : i32
      %dma_wait3A_799 = arith.constant 0 : i32
      %dma_wait3A_800 = tpu.memref_slice %arg3[%dma_wait3A_798, %dma_wait3A_799] : memref<2000000x64xf32, #tpu.memory_space<hbm>> -> memref<2000000x64xf32, #tpu.memory_space<hbm>>
      tpu.wait_indirect_dma semaphore(%arg7 : memref<!tpu.dma_semaphore, #tpu.memory_space<semaphore_mem>>) src(%dma_wait3A_800 : memref<2000000x64xf32, #tpu.memory_space<hbm>>) dst(%dma_wait3A_794 : memref<26x64xf32, #tpu.memory_space<vmem>>)
      %dma_wait3A_801 = arith.constant 0 : i32
      %dma_wait3A_802 = arith.constant 30 : i32
      %dma_wait3A_803 = arith.constant 0 : i32
      %dma_wait3A_804 = arith.constant 0 : i32
      %dma_wait3A_805 = tpu.memref_slice %arg6[%rem3A_440, %dma_wait3A_802, %dma_wait3A_803, %dma_wait3A_804] : memref<2x32x26x64xf32, #tpu.memory_space<vmem>> -> memref<1x1x26x64xf32, #tpu.memory_space<vmem>>
      %dma_wait3A_806 = tpu.memref_squeeze %dma_wait3A_805 : memref<1x1x26x64xf32, #tpu.memory_space<vmem>> -> memref<26x64xf32, #tpu.memory_space<vmem>>
      %dma_wait3A_807 = arith.constant 0 : i32
      %dma_wait3A_808 = tpu.memref_slice %arg5[%dma_wait3A_801, %dma_wait3A_807] : memref<512x26xi32, #tpu.memory_space<vmem>> -> memref<1x26xi32, #tpu.memory_space<vmem>>
      %dma_wait3A_809 = tpu.memref_squeeze %dma_wait3A_808 : memref<1x26xi32, #tpu.memory_space<vmem>> -> memref<26xi32, #tpu.memory_space<vmem>>
      %dma_wait3A_810 = arith.constant 0 : i32
      %dma_wait3A_811 = arith.constant 0 : i32
      %dma_wait3A_812 = tpu.memref_slice %arg3[%dma_wait3A_810, %dma_wait3A_811] : memref<2000000x64xf32, #tpu.memory_space<hbm>> -> memref<2000000x64xf32, #tpu.memory_space<hbm>>
      tpu.wait_indirect_dma semaphore(%arg7 : memref<!tpu.dma_semaphore, #tpu.memory_space<semaphore_mem>>) src(%dma_wait3A_812 : memref<2000000x64xf32, #tpu.memory_space<hbm>>) dst(%dma_wait3A_806 : memref<26x64xf32, #tpu.memory_space<vmem>>)
      %dma_wait3A_813 = arith.constant 0 : i32
      %dma_wait3A_814 = arith.constant 31 : i32
      %dma_wait3A_815 = arith.constant 0 : i32
      %dma_wait3A_816 = arith.constant 0 : i32
      %dma_wait3A_817 = tpu.memref_slice %arg6[%rem3A_440, %dma_wait3A_814, %dma_wait3A_815, %dma_wait3A_816] : memref<2x32x26x64xf32, #tpu.memory_space<vmem>> -> memref<1x1x26x64xf32, #tpu.memory_space<vmem>>
      %dma_wait3A_818 = tpu.memref_squeeze %dma_wait3A_817 : memref<1x1x26x64xf32, #tpu.memory_space<vmem>> -> memref<26x64xf32, #tpu.memory_space<vmem>>
      %dma_wait3A_819 = arith.constant 0 : i32
      %dma_wait3A_820 = tpu.memref_slice %arg5[%dma_wait3A_813, %dma_wait3A_819] : memref<512x26xi32, #tpu.memory_space<vmem>> -> memref<1x26xi32, #tpu.memory_space<vmem>>
      %dma_wait3A_821 = tpu.memref_squeeze %dma_wait3A_820 : memref<1x26xi32, #tpu.memory_space<vmem>> -> memref<26xi32, #tpu.memory_space<vmem>>
      %dma_wait3A_822 = arith.constant 0 : i32
      %dma_wait3A_823 = arith.constant 0 : i32
      %dma_wait3A_824 = tpu.memref_slice %arg3[%dma_wait3A_822, %dma_wait3A_823] : memref<2000000x64xf32, #tpu.memory_space<hbm>> -> memref<2000000x64xf32, #tpu.memory_space<hbm>>
      tpu.wait_indirect_dma semaphore(%arg7 : memref<!tpu.dma_semaphore, #tpu.memory_space<semaphore_mem>>) src(%dma_wait3A_824 : memref<2000000x64xf32, #tpu.memory_space<hbm>>) dst(%dma_wait3A_818 : memref<26x64xf32, #tpu.memory_space<vmem>>)
      %gt3A = arith.constant 0 : i32
      %gt3A_825 = arith.cmpi sgt, %scan3A_439, %gt3A : i32
      %convert_element_type3A = arith.extui %gt3A_825 : i1 to i32
      %cond3A = arith.constant 0 : i32
      %cond3A_826 = arith.cmpi ne, %convert_element_type3A, %cond3A : i32
      scf.if %cond3A_826 {
        %sub3A = arith.constant 1 : i32
        %sub3A_852 = arith.subi %sub3A, %rem3A_440 : i32
        %dma_wait3A_853 = arith.constant 0 : i32
        %dma_wait3A_854 = arith.constant 0 : i32
        %dma_wait3A_855 = arith.constant 0 : i32
        %dma_wait3A_856 = tpu.memref_slice %arg6[%sub3A_852, %dma_wait3A_853, %dma_wait3A_854, %dma_wait3A_855] : memref<2x32x26x64xf32, #tpu.memory_space<vmem>> -> memref<1x32x26x64xf32, #tpu.memory_space<vmem>>
        %dma_wait3A_857 = tpu.memref_squeeze %dma_wait3A_856 : memref<1x32x26x64xf32, #tpu.memory_space<vmem>> -> memref<32x26x64xf32, #tpu.memory_space<vmem>>
        %dma_wait3A_858 = arith.constant 0 : i32
        %dma_wait3A_859 = arith.constant 0 : i32
        %dma_wait3A_860 = tpu.memref_slice %arg4[%mul3A_2, %dma_wait3A_858, %dma_wait3A_859] : memref<16384x26x64xf32, #tpu.memory_space<hbm>> -> memref<32x26x64xf32, #tpu.memory_space<hbm>>
        %dma_wait3A_861 = arith.constant 0 : i32
        %dma_wait3A_862 = arith.constant 0 : i32
        %dma_wait3A_863 = tpu.memref_slice %arg4[%mul3A_2, %dma_wait3A_861, %dma_wait3A_862] : memref<16384x26x64xf32, #tpu.memory_space<hbm>> -> memref<32x26x64xf32, #tpu.memory_space<hbm>>
        %dma_wait3A_864 = arith.constant 0 : i32
        %dma_wait3A_865 = arith.constant 0 : i32
        %dma_wait3A_866 = arith.constant 0 : i32
        %dma_wait3A_867 = tpu.memref_slice %arg6[%sub3A_852, %dma_wait3A_864, %dma_wait3A_865, %dma_wait3A_866] : memref<2x32x26x64xf32, #tpu.memory_space<vmem>> -> memref<1x32x26x64xf32, #tpu.memory_space<vmem>>
        %dma_wait3A_868 = tpu.memref_squeeze %dma_wait3A_867 : memref<1x32x26x64xf32, #tpu.memory_space<vmem>> -> memref<32x26x64xf32, #tpu.memory_space<vmem>>
        tpu.wait_dma2 semaphore(%arg8 : memref<!tpu.dma_semaphore, #tpu.memory_space<semaphore_mem>>) src(%dma_wait3A_868 : memref<32x26x64xf32, #tpu.memory_space<vmem>>) dst(%dma_wait3A_863 : memref<32x26x64xf32, #tpu.memory_space<hbm>>)
      } else {
      }
      %add3A_827 = arith.constant 1 : i32
      %add3A_828 = arith.addi %scan3A_439, %add3A_827 : i32
      %lt3A = arith.constant 16 : i32
      %lt3A_829 = arith.cmpi slt, %add3A_828, %lt3A : i32
      %convert_element_type3A_830 = arith.extui %lt3A_829 : i1 to i32
      %cond3A_831 = arith.constant 0 : i32
      %cond3A_832 = arith.cmpi ne, %convert_element_type3A_830, %cond3A_831 : i32
      scf.if %cond3A_832 {
        %add3A_852 = arith.constant 1 : i32
        %add3A_853 = arith.addi %scan3A_439, %add3A_852 : i32
        %sub3A = arith.constant 1 : i32
        %sub3A_854 = arith.subi %sub3A, %rem3A_440 : i32
        %mul3A_855 = arith.constant 32 : i32
        %mul3A_856 = arith.muli %add3A_853, %mul3A_855 : i32
        %add3A_857 = arith.constant 0 : i32
        %add3A_858 = arith.addi %mul3A_856, %add3A_857 : i32
        %dma_start3A_859 = arith.constant 0 : i32
        %dma_start3A_860 = arith.constant 0 : i32
        %dma_start3A_861 = arith.constant 0 : i32
        %dma_start3A_862 = tpu.memref_slice %arg6[%sub3A_854, %dma_start3A_859, %dma_start3A_860, %dma_start3A_861] : memref<2x32x26x64xf32, #tpu.memory_space<vmem>> -> memref<1x1x26x64xf32, #tpu.memory_space<vmem>>
        %dma_start3A_863 = tpu.memref_squeeze %dma_start3A_862 : memref<1x1x26x64xf32, #tpu.memory_space<vmem>> -> memref<26x64xf32, #tpu.memory_space<vmem>>
        %dma_start3A_864 = arith.constant 0 : i32
        %dma_start3A_865 = tpu.memref_slice %arg5[%add3A_858, %dma_start3A_864] : memref<512x26xi32, #tpu.memory_space<vmem>> -> memref<1x26xi32, #tpu.memory_space<vmem>>
        %dma_start3A_866 = tpu.memref_squeeze %dma_start3A_865 : memref<1x26xi32, #tpu.memory_space<vmem>> -> memref<26xi32, #tpu.memory_space<vmem>>
        %dma_start3A_867 = arith.constant 0 : i32
        %dma_start3A_868 = arith.constant 0 : i32
        %dma_start3A_869 = tpu.memref_slice %arg3[%dma_start3A_867, %dma_start3A_868] : memref<2000000x64xf32, #tpu.memory_space<hbm>> -> memref<2000000x64xf32, #tpu.memory_space<hbm>>
        tpu.enqueue_indirect_dma source(%dma_start3A_869 : memref<2000000x64xf32, #tpu.memory_space<hbm>>) target(%dma_start3A_863 : memref<26x64xf32, #tpu.memory_space<vmem>>) offsets(%dma_start3A_866 : memref<26xi32, #tpu.memory_space<vmem>>) semaphore(%arg7 : memref<!tpu.dma_semaphore, #tpu.memory_space<semaphore_mem>>)
        %mul3A_870 = arith.constant 32 : i32
        %mul3A_871 = arith.muli %add3A_853, %mul3A_870 : i32
        %add3A_872 = arith.constant 1 : i32
        %add3A_873 = arith.addi %mul3A_871, %add3A_872 : i32
        %dma_start3A_874 = arith.constant 1 : i32
        %dma_start3A_875 = arith.constant 0 : i32
        %dma_start3A_876 = arith.constant 0 : i32
        %dma_start3A_877 = tpu.memref_slice %arg6[%sub3A_854, %dma_start3A_874, %dma_start3A_875, %dma_start3A_876] : memref<2x32x26x64xf32, #tpu.memory_space<vmem>> -> memref<1x1x26x64xf32, #tpu.memory_space<vmem>>
        %dma_start3A_878 = tpu.memref_squeeze %dma_start3A_877 : memref<1x1x26x64xf32, #tpu.memory_space<vmem>> -> memref<26x64xf32, #tpu.memory_space<vmem>>
        %dma_start3A_879 = arith.constant 0 : i32
        %dma_start3A_880 = tpu.memref_slice %arg5[%add3A_873, %dma_start3A_879] : memref<512x26xi32, #tpu.memory_space<vmem>> -> memref<1x26xi32, #tpu.memory_space<vmem>>
        %dma_start3A_881 = tpu.memref_squeeze %dma_start3A_880 : memref<1x26xi32, #tpu.memory_space<vmem>> -> memref<26xi32, #tpu.memory_space<vmem>>
        %dma_start3A_882 = arith.constant 0 : i32
        %dma_start3A_883 = arith.constant 0 : i32
        %dma_start3A_884 = tpu.memref_slice %arg3[%dma_start3A_882, %dma_start3A_883] : memref<2000000x64xf32, #tpu.memory_space<hbm>> -> memref<2000000x64xf32, #tpu.memory_space<hbm>>
        tpu.enqueue_indirect_dma source(%dma_start3A_884 : memref<2000000x64xf32, #tpu.memory_space<hbm>>) target(%dma_start3A_878 : memref<26x64xf32, #tpu.memory_space<vmem>>) offsets(%dma_start3A_881 : memref<26xi32, #tpu.memory_space<vmem>>) semaphore(%arg7 : memref<!tpu.dma_semaphore, #tpu.memory_space<semaphore_mem>>)
        %mul3A_885 = arith.constant 32 : i32
        %mul3A_886 = arith.muli %add3A_853, %mul3A_885 : i32
        %add3A_887 = arith.constant 2 : i32
        %add3A_888 = arith.addi %mul3A_886, %add3A_887 : i32
        %dma_start3A_889 = arith.constant 2 : i32
        %dma_start3A_890 = arith.constant 0 : i32
        %dma_start3A_891 = arith.constant 0 : i32
        %dma_start3A_892 = tpu.memref_slice %arg6[%sub3A_854, %dma_start3A_889, %dma_start3A_890, %dma_start3A_891] : memref<2x32x26x64xf32, #tpu.memory_space<vmem>> -> memref<1x1x26x64xf32, #tpu.memory_space<vmem>>
        %dma_start3A_893 = tpu.memref_squeeze %dma_start3A_892 : memref<1x1x26x64xf32, #tpu.memory_space<vmem>> -> memref<26x64xf32, #tpu.memory_space<vmem>>
        %dma_start3A_894 = arith.constant 0 : i32
        %dma_start3A_895 = tpu.memref_slice %arg5[%add3A_888, %dma_start3A_894] : memref<512x26xi32, #tpu.memory_space<vmem>> -> memref<1x26xi32, #tpu.memory_space<vmem>>
        %dma_start3A_896 = tpu.memref_squeeze %dma_start3A_895 : memref<1x26xi32, #tpu.memory_space<vmem>> -> memref<26xi32, #tpu.memory_space<vmem>>
        %dma_start3A_897 = arith.constant 0 : i32
        %dma_start3A_898 = arith.constant 0 : i32
        %dma_start3A_899 = tpu.memref_slice %arg3[%dma_start3A_897, %dma_start3A_898] : memref<2000000x64xf32, #tpu.memory_space<hbm>> -> memref<2000000x64xf32, #tpu.memory_space<hbm>>
        tpu.enqueue_indirect_dma source(%dma_start3A_899 : memref<2000000x64xf32, #tpu.memory_space<hbm>>) target(%dma_start3A_893 : memref<26x64xf32, #tpu.memory_space<vmem>>) offsets(%dma_start3A_896 : memref<26xi32, #tpu.memory_space<vmem>>) semaphore(%arg7 : memref<!tpu.dma_semaphore, #tpu.memory_space<semaphore_mem>>)
        %mul3A_900 = arith.constant 32 : i32
        %mul3A_901 = arith.muli %add3A_853, %mul3A_900 : i32
        %add3A_902 = arith.constant 3 : i32
        %add3A_903 = arith.addi %mul3A_901, %add3A_902 : i32
        %dma_start3A_904 = arith.constant 3 : i32
        %dma_start3A_905 = arith.constant 0 : i32
        %dma_start3A_906 = arith.constant 0 : i32
        %dma_start3A_907 = tpu.memref_slice %arg6[%sub3A_854, %dma_start3A_904, %dma_start3A_905, %dma_start3A_906] : memref<2x32x26x64xf32, #tpu.memory_space<vmem>> -> memref<1x1x26x64xf32, #tpu.memory_space<vmem>>
        %dma_start3A_908 = tpu.memref_squeeze %dma_start3A_907 : memref<1x1x26x64xf32, #tpu.memory_space<vmem>> -> memref<26x64xf32, #tpu.memory_space<vmem>>
        %dma_start3A_909 = arith.constant 0 : i32
        %dma_start3A_910 = tpu.memref_slice %arg5[%add3A_903, %dma_start3A_909] : memref<512x26xi32, #tpu.memory_space<vmem>> -> memref<1x26xi32, #tpu.memory_space<vmem>>
        %dma_start3A_911 = tpu.memref_squeeze %dma_start3A_910 : memref<1x26xi32, #tpu.memory_space<vmem>> -> memref<26xi32, #tpu.memory_space<vmem>>
        %dma_start3A_912 = arith.constant 0 : i32
        %dma_start3A_913 = arith.constant 0 : i32
        %dma_start3A_914 = tpu.memref_slice %arg3[%dma_start3A_912, %dma_start3A_913] : memref<2000000x64xf32, #tpu.memory_space<hbm>> -> memref<2000000x64xf32, #tpu.memory_space<hbm>>
        tpu.enqueue_indirect_dma source(%dma_start3A_914 : memref<2000000x64xf32, #tpu.memory_space<hbm>>) target(%dma_start3A_908 : memref<26x64xf32, #tpu.memory_space<vmem>>) offsets(%dma_start3A_911 : memref<26xi32, #tpu.memory_space<vmem>>) semaphore(%arg7 : memref<!tpu.dma_semaphore, #tpu.memory_space<semaphore_mem>>)
        %mul3A_915 = arith.constant 32 : i32
        %mul3A_916 = arith.muli %add3A_853, %mul3A_915 : i32
        %add3A_917 = arith.constant 4 : i32
        %add3A_918 = arith.addi %mul3A_916, %add3A_917 : i32
        %dma_start3A_919 = arith.constant 4 : i32
        %dma_start3A_920 = arith.constant 0 : i32
        %dma_start3A_921 = arith.constant 0 : i32
        %dma_start3A_922 = tpu.memref_slice %arg6[%sub3A_854, %dma_start3A_919, %dma_start3A_920, %dma_start3A_921] : memref<2x32x26x64xf32, #tpu.memory_space<vmem>> -> memref<1x1x26x64xf32, #tpu.memory_space<vmem>>
        %dma_start3A_923 = tpu.memref_squeeze %dma_start3A_922 : memref<1x1x26x64xf32, #tpu.memory_space<vmem>> -> memref<26x64xf32, #tpu.memory_space<vmem>>
        %dma_start3A_924 = arith.constant 0 : i32
        %dma_start3A_925 = tpu.memref_slice %arg5[%add3A_918, %dma_start3A_924] : memref<512x26xi32, #tpu.memory_space<vmem>> -> memref<1x26xi32, #tpu.memory_space<vmem>>
        %dma_start3A_926 = tpu.memref_squeeze %dma_start3A_925 : memref<1x26xi32, #tpu.memory_space<vmem>> -> memref<26xi32, #tpu.memory_space<vmem>>
        %dma_start3A_927 = arith.constant 0 : i32
        %dma_start3A_928 = arith.constant 0 : i32
        %dma_start3A_929 = tpu.memref_slice %arg3[%dma_start3A_927, %dma_start3A_928] : memref<2000000x64xf32, #tpu.memory_space<hbm>> -> memref<2000000x64xf32, #tpu.memory_space<hbm>>
        tpu.enqueue_indirect_dma source(%dma_start3A_929 : memref<2000000x64xf32, #tpu.memory_space<hbm>>) target(%dma_start3A_923 : memref<26x64xf32, #tpu.memory_space<vmem>>) offsets(%dma_start3A_926 : memref<26xi32, #tpu.memory_space<vmem>>) semaphore(%arg7 : memref<!tpu.dma_semaphore, #tpu.memory_space<semaphore_mem>>)
        %mul3A_930 = arith.constant 32 : i32
        %mul3A_931 = arith.muli %add3A_853, %mul3A_930 : i32
        %add3A_932 = arith.constant 5 : i32
        %add3A_933 = arith.addi %mul3A_931, %add3A_932 : i32
        %dma_start3A_934 = arith.constant 5 : i32
        %dma_start3A_935 = arith.constant 0 : i32
        %dma_start3A_936 = arith.constant 0 : i32
        %dma_start3A_937 = tpu.memref_slice %arg6[%sub3A_854, %dma_start3A_934, %dma_start3A_935, %dma_start3A_936] : memref<2x32x26x64xf32, #tpu.memory_space<vmem>> -> memref<1x1x26x64xf32, #tpu.memory_space<vmem>>
        %dma_start3A_938 = tpu.memref_squeeze %dma_start3A_937 : memref<1x1x26x64xf32, #tpu.memory_space<vmem>> -> memref<26x64xf32, #tpu.memory_space<vmem>>
        %dma_start3A_939 = arith.constant 0 : i32
        %dma_start3A_940 = tpu.memref_slice %arg5[%add3A_933, %dma_start3A_939] : memref<512x26xi32, #tpu.memory_space<vmem>> -> memref<1x26xi32, #tpu.memory_space<vmem>>
        %dma_start3A_941 = tpu.memref_squeeze %dma_start3A_940 : memref<1x26xi32, #tpu.memory_space<vmem>> -> memref<26xi32, #tpu.memory_space<vmem>>
        %dma_start3A_942 = arith.constant 0 : i32
        %dma_start3A_943 = arith.constant 0 : i32
        %dma_start3A_944 = tpu.memref_slice %arg3[%dma_start3A_942, %dma_start3A_943] : memref<2000000x64xf32, #tpu.memory_space<hbm>> -> memref<2000000x64xf32, #tpu.memory_space<hbm>>
        tpu.enqueue_indirect_dma source(%dma_start3A_944 : memref<2000000x64xf32, #tpu.memory_space<hbm>>) target(%dma_start3A_938 : memref<26x64xf32, #tpu.memory_space<vmem>>) offsets(%dma_start3A_941 : memref<26xi32, #tpu.memory_space<vmem>>) semaphore(%arg7 : memref<!tpu.dma_semaphore, #tpu.memory_space<semaphore_mem>>)
        %mul3A_945 = arith.constant 32 : i32
        %mul3A_946 = arith.muli %add3A_853, %mul3A_945 : i32
        %add3A_947 = arith.constant 6 : i32
        %add3A_948 = arith.addi %mul3A_946, %add3A_947 : i32
        %dma_start3A_949 = arith.constant 6 : i32
        %dma_start3A_950 = arith.constant 0 : i32
        %dma_start3A_951 = arith.constant 0 : i32
        %dma_start3A_952 = tpu.memref_slice %arg6[%sub3A_854, %dma_start3A_949, %dma_start3A_950, %dma_start3A_951] : memref<2x32x26x64xf32, #tpu.memory_space<vmem>> -> memref<1x1x26x64xf32, #tpu.memory_space<vmem>>
        %dma_start3A_953 = tpu.memref_squeeze %dma_start3A_952 : memref<1x1x26x64xf32, #tpu.memory_space<vmem>> -> memref<26x64xf32, #tpu.memory_space<vmem>>
        %dma_start3A_954 = arith.constant 0 : i32
        %dma_start3A_955 = tpu.memref_slice %arg5[%add3A_948, %dma_start3A_954] : memref<512x26xi32, #tpu.memory_space<vmem>> -> memref<1x26xi32, #tpu.memory_space<vmem>>
        %dma_start3A_956 = tpu.memref_squeeze %dma_start3A_955 : memref<1x26xi32, #tpu.memory_space<vmem>> -> memref<26xi32, #tpu.memory_space<vmem>>
        %dma_start3A_957 = arith.constant 0 : i32
        %dma_start3A_958 = arith.constant 0 : i32
        %dma_start3A_959 = tpu.memref_slice %arg3[%dma_start3A_957, %dma_start3A_958] : memref<2000000x64xf32, #tpu.memory_space<hbm>> -> memref<2000000x64xf32, #tpu.memory_space<hbm>>
        tpu.enqueue_indirect_dma source(%dma_start3A_959 : memref<2000000x64xf32, #tpu.memory_space<hbm>>) target(%dma_start3A_953 : memref<26x64xf32, #tpu.memory_space<vmem>>) offsets(%dma_start3A_956 : memref<26xi32, #tpu.memory_space<vmem>>) semaphore(%arg7 : memref<!tpu.dma_semaphore, #tpu.memory_space<semaphore_mem>>)
        %mul3A_960 = arith.constant 32 : i32
        %mul3A_961 = arith.muli %add3A_853, %mul3A_960 : i32
        %add3A_962 = arith.constant 7 : i32
        %add3A_963 = arith.addi %mul3A_961, %add3A_962 : i32
        %dma_start3A_964 = arith.constant 7 : i32
        %dma_start3A_965 = arith.constant 0 : i32
        %dma_start3A_966 = arith.constant 0 : i32
        %dma_start3A_967 = tpu.memref_slice %arg6[%sub3A_854, %dma_start3A_964, %dma_start3A_965, %dma_start3A_966] : memref<2x32x26x64xf32, #tpu.memory_space<vmem>> -> memref<1x1x26x64xf32, #tpu.memory_space<vmem>>
        %dma_start3A_968 = tpu.memref_squeeze %dma_start3A_967 : memref<1x1x26x64xf32, #tpu.memory_space<vmem>> -> memref<26x64xf32, #tpu.memory_space<vmem>>
        %dma_start3A_969 = arith.constant 0 : i32
        %dma_start3A_970 = tpu.memref_slice %arg5[%add3A_963, %dma_start3A_969] : memref<512x26xi32, #tpu.memory_space<vmem>> -> memref<1x26xi32, #tpu.memory_space<vmem>>
        %dma_start3A_971 = tpu.memref_squeeze %dma_start3A_970 : memref<1x26xi32, #tpu.memory_space<vmem>> -> memref<26xi32, #tpu.memory_space<vmem>>
        %dma_start3A_972 = arith.constant 0 : i32
        %dma_start3A_973 = arith.constant 0 : i32
        %dma_start3A_974 = tpu.memref_slice %arg3[%dma_start3A_972, %dma_start3A_973] : memref<2000000x64xf32, #tpu.memory_space<hbm>> -> memref<2000000x64xf32, #tpu.memory_space<hbm>>
        tpu.enqueue_indirect_dma source(%dma_start3A_974 : memref<2000000x64xf32, #tpu.memory_space<hbm>>) target(%dma_start3A_968 : memref<26x64xf32, #tpu.memory_space<vmem>>) offsets(%dma_start3A_971 : memref<26xi32, #tpu.memory_space<vmem>>) semaphore(%arg7 : memref<!tpu.dma_semaphore, #tpu.memory_space<semaphore_mem>>)
        %mul3A_975 = arith.constant 32 : i32
        %mul3A_976 = arith.muli %add3A_853, %mul3A_975 : i32
        %add3A_977 = arith.constant 8 : i32
        %add3A_978 = arith.addi %mul3A_976, %add3A_977 : i32
        %dma_start3A_979 = arith.constant 8 : i32
        %dma_start3A_980 = arith.constant 0 : i32
        %dma_start3A_981 = arith.constant 0 : i32
        %dma_start3A_982 = tpu.memref_slice %arg6[%sub3A_854, %dma_start3A_979, %dma_start3A_980, %dma_start3A_981] : memref<2x32x26x64xf32, #tpu.memory_space<vmem>> -> memref<1x1x26x64xf32, #tpu.memory_space<vmem>>
        %dma_start3A_983 = tpu.memref_squeeze %dma_start3A_982 : memref<1x1x26x64xf32, #tpu.memory_space<vmem>> -> memref<26x64xf32, #tpu.memory_space<vmem>>
        %dma_start3A_984 = arith.constant 0 : i32
        %dma_start3A_985 = tpu.memref_slice %arg5[%add3A_978, %dma_start3A_984] : memref<512x26xi32, #tpu.memory_space<vmem>> -> memref<1x26xi32, #tpu.memory_space<vmem>>
        %dma_start3A_986 = tpu.memref_squeeze %dma_start3A_985 : memref<1x26xi32, #tpu.memory_space<vmem>> -> memref<26xi32, #tpu.memory_space<vmem>>
        %dma_start3A_987 = arith.constant 0 : i32
        %dma_start3A_988 = arith.constant 0 : i32
        %dma_start3A_989 = tpu.memref_slice %arg3[%dma_start3A_987, %dma_start3A_988] : memref<2000000x64xf32, #tpu.memory_space<hbm>> -> memref<2000000x64xf32, #tpu.memory_space<hbm>>
        tpu.enqueue_indirect_dma source(%dma_start3A_989 : memref<2000000x64xf32, #tpu.memory_space<hbm>>) target(%dma_start3A_983 : memref<26x64xf32, #tpu.memory_space<vmem>>) offsets(%dma_start3A_986 : memref<26xi32, #tpu.memory_space<vmem>>) semaphore(%arg7 : memref<!tpu.dma_semaphore, #tpu.memory_space<semaphore_mem>>)
        %mul3A_990 = arith.constant 32 : i32
        %mul3A_991 = arith.muli %add3A_853, %mul3A_990 : i32
        %add3A_992 = arith.constant 9 : i32
        %add3A_993 = arith.addi %mul3A_991, %add3A_992 : i32
        %dma_start3A_994 = arith.constant 9 : i32
        %dma_start3A_995 = arith.constant 0 : i32
        %dma_start3A_996 = arith.constant 0 : i32
        %dma_start3A_997 = tpu.memref_slice %arg6[%sub3A_854, %dma_start3A_994, %dma_start3A_995, %dma_start3A_996] : memref<2x32x26x64xf32, #tpu.memory_space<vmem>> -> memref<1x1x26x64xf32, #tpu.memory_space<vmem>>
        %dma_start3A_998 = tpu.memref_squeeze %dma_start3A_997 : memref<1x1x26x64xf32, #tpu.memory_space<vmem>> -> memref<26x64xf32, #tpu.memory_space<vmem>>
        %dma_start3A_999 = arith.constant 0 : i32
        %dma_start3A_1000 = tpu.memref_slice %arg5[%add3A_993, %dma_start3A_999] : memref<512x26xi32, #tpu.memory_space<vmem>> -> memref<1x26xi32, #tpu.memory_space<vmem>>
        %dma_start3A_1001 = tpu.memref_squeeze %dma_start3A_1000 : memref<1x26xi32, #tpu.memory_space<vmem>> -> memref<26xi32, #tpu.memory_space<vmem>>
        %dma_start3A_1002 = arith.constant 0 : i32
        %dma_start3A_1003 = arith.constant 0 : i32
        %dma_start3A_1004 = tpu.memref_slice %arg3[%dma_start3A_1002, %dma_start3A_1003] : memref<2000000x64xf32, #tpu.memory_space<hbm>> -> memref<2000000x64xf32, #tpu.memory_space<hbm>>
        tpu.enqueue_indirect_dma source(%dma_start3A_1004 : memref<2000000x64xf32, #tpu.memory_space<hbm>>) target(%dma_start3A_998 : memref<26x64xf32, #tpu.memory_space<vmem>>) offsets(%dma_start3A_1001 : memref<26xi32, #tpu.memory_space<vmem>>) semaphore(%arg7 : memref<!tpu.dma_semaphore, #tpu.memory_space<semaphore_mem>>)
        %mul3A_1005 = arith.constant 32 : i32
        %mul3A_1006 = arith.muli %add3A_853, %mul3A_1005 : i32
        %add3A_1007 = arith.constant 10 : i32
        %add3A_1008 = arith.addi %mul3A_1006, %add3A_1007 : i32
        %dma_start3A_1009 = arith.constant 10 : i32
        %dma_start3A_1010 = arith.constant 0 : i32
        %dma_start3A_1011 = arith.constant 0 : i32
        %dma_start3A_1012 = tpu.memref_slice %arg6[%sub3A_854, %dma_start3A_1009, %dma_start3A_1010, %dma_start3A_1011] : memref<2x32x26x64xf32, #tpu.memory_space<vmem>> -> memref<1x1x26x64xf32, #tpu.memory_space<vmem>>
        %dma_start3A_1013 = tpu.memref_squeeze %dma_start3A_1012 : memref<1x1x26x64xf32, #tpu.memory_space<vmem>> -> memref<26x64xf32, #tpu.memory_space<vmem>>
        %dma_start3A_1014 = arith.constant 0 : i32
        %dma_start3A_1015 = tpu.memref_slice %arg5[%add3A_1008, %dma_start3A_1014] : memref<512x26xi32, #tpu.memory_space<vmem>> -> memref<1x26xi32, #tpu.memory_space<vmem>>
        %dma_start3A_1016 = tpu.memref_squeeze %dma_start3A_1015 : memref<1x26xi32, #tpu.memory_space<vmem>> -> memref<26xi32, #tpu.memory_space<vmem>>
        %dma_start3A_1017 = arith.constant 0 : i32
        %dma_start3A_1018 = arith.constant 0 : i32
        %dma_start3A_1019 = tpu.memref_slice %arg3[%dma_start3A_1017, %dma_start3A_1018] : memref<2000000x64xf32, #tpu.memory_space<hbm>> -> memref<2000000x64xf32, #tpu.memory_space<hbm>>
        tpu.enqueue_indirect_dma source(%dma_start3A_1019 : memref<2000000x64xf32, #tpu.memory_space<hbm>>) target(%dma_start3A_1013 : memref<26x64xf32, #tpu.memory_space<vmem>>) offsets(%dma_start3A_1016 : memref<26xi32, #tpu.memory_space<vmem>>) semaphore(%arg7 : memref<!tpu.dma_semaphore, #tpu.memory_space<semaphore_mem>>)
        %mul3A_1020 = arith.constant 32 : i32
        %mul3A_1021 = arith.muli %add3A_853, %mul3A_1020 : i32
        %add3A_1022 = arith.constant 11 : i32
        %add3A_1023 = arith.addi %mul3A_1021, %add3A_1022 : i32
        %dma_start3A_1024 = arith.constant 11 : i32
        %dma_start3A_1025 = arith.constant 0 : i32
        %dma_start3A_1026 = arith.constant 0 : i32
        %dma_start3A_1027 = tpu.memref_slice %arg6[%sub3A_854, %dma_start3A_1024, %dma_start3A_1025, %dma_start3A_1026] : memref<2x32x26x64xf32, #tpu.memory_space<vmem>> -> memref<1x1x26x64xf32, #tpu.memory_space<vmem>>
        %dma_start3A_1028 = tpu.memref_squeeze %dma_start3A_1027 : memref<1x1x26x64xf32, #tpu.memory_space<vmem>> -> memref<26x64xf32, #tpu.memory_space<vmem>>
        %dma_start3A_1029 = arith.constant 0 : i32
        %dma_start3A_1030 = tpu.memref_slice %arg5[%add3A_1023, %dma_start3A_1029] : memref<512x26xi32, #tpu.memory_space<vmem>> -> memref<1x26xi32, #tpu.memory_space<vmem>>
        %dma_start3A_1031 = tpu.memref_squeeze %dma_start3A_1030 : memref<1x26xi32, #tpu.memory_space<vmem>> -> memref<26xi32, #tpu.memory_space<vmem>>
        %dma_start3A_1032 = arith.constant 0 : i32
        %dma_start3A_1033 = arith.constant 0 : i32
        %dma_start3A_1034 = tpu.memref_slice %arg3[%dma_start3A_1032, %dma_start3A_1033] : memref<2000000x64xf32, #tpu.memory_space<hbm>> -> memref<2000000x64xf32, #tpu.memory_space<hbm>>
        tpu.enqueue_indirect_dma source(%dma_start3A_1034 : memref<2000000x64xf32, #tpu.memory_space<hbm>>) target(%dma_start3A_1028 : memref<26x64xf32, #tpu.memory_space<vmem>>) offsets(%dma_start3A_1031 : memref<26xi32, #tpu.memory_space<vmem>>) semaphore(%arg7 : memref<!tpu.dma_semaphore, #tpu.memory_space<semaphore_mem>>)
        %mul3A_1035 = arith.constant 32 : i32
        %mul3A_1036 = arith.muli %add3A_853, %mul3A_1035 : i32
        %add3A_1037 = arith.constant 12 : i32
        %add3A_1038 = arith.addi %mul3A_1036, %add3A_1037 : i32
        %dma_start3A_1039 = arith.constant 12 : i32
        %dma_start3A_1040 = arith.constant 0 : i32
        %dma_start3A_1041 = arith.constant 0 : i32
        %dma_start3A_1042 = tpu.memref_slice %arg6[%sub3A_854, %dma_start3A_1039, %dma_start3A_1040, %dma_start3A_1041] : memref<2x32x26x64xf32, #tpu.memory_space<vmem>> -> memref<1x1x26x64xf32, #tpu.memory_space<vmem>>
        %dma_start3A_1043 = tpu.memref_squeeze %dma_start3A_1042 : memref<1x1x26x64xf32, #tpu.memory_space<vmem>> -> memref<26x64xf32, #tpu.memory_space<vmem>>
        %dma_start3A_1044 = arith.constant 0 : i32
        %dma_start3A_1045 = tpu.memref_slice %arg5[%add3A_1038, %dma_start3A_1044] : memref<512x26xi32, #tpu.memory_space<vmem>> -> memref<1x26xi32, #tpu.memory_space<vmem>>
        %dma_start3A_1046 = tpu.memref_squeeze %dma_start3A_1045 : memref<1x26xi32, #tpu.memory_space<vmem>> -> memref<26xi32, #tpu.memory_space<vmem>>
        %dma_start3A_1047 = arith.constant 0 : i32
        %dma_start3A_1048 = arith.constant 0 : i32
        %dma_start3A_1049 = tpu.memref_slice %arg3[%dma_start3A_1047, %dma_start3A_1048] : memref<2000000x64xf32, #tpu.memory_space<hbm>> -> memref<2000000x64xf32, #tpu.memory_space<hbm>>
        tpu.enqueue_indirect_dma source(%dma_start3A_1049 : memref<2000000x64xf32, #tpu.memory_space<hbm>>) target(%dma_start3A_1043 : memref<26x64xf32, #tpu.memory_space<vmem>>) offsets(%dma_start3A_1046 : memref<26xi32, #tpu.memory_space<vmem>>) semaphore(%arg7 : memref<!tpu.dma_semaphore, #tpu.memory_space<semaphore_mem>>)
        %mul3A_1050 = arith.constant 32 : i32
        %mul3A_1051 = arith.muli %add3A_853, %mul3A_1050 : i32
        %add3A_1052 = arith.constant 13 : i32
        %add3A_1053 = arith.addi %mul3A_1051, %add3A_1052 : i32
        %dma_start3A_1054 = arith.constant 13 : i32
        %dma_start3A_1055 = arith.constant 0 : i32
        %dma_start3A_1056 = arith.constant 0 : i32
        %dma_start3A_1057 = tpu.memref_slice %arg6[%sub3A_854, %dma_start3A_1054, %dma_start3A_1055, %dma_start3A_1056] : memref<2x32x26x64xf32, #tpu.memory_space<vmem>> -> memref<1x1x26x64xf32, #tpu.memory_space<vmem>>
        %dma_start3A_1058 = tpu.memref_squeeze %dma_start3A_1057 : memref<1x1x26x64xf32, #tpu.memory_space<vmem>> -> memref<26x64xf32, #tpu.memory_space<vmem>>
        %dma_start3A_1059 = arith.constant 0 : i32
        %dma_start3A_1060 = tpu.memref_slice %arg5[%add3A_1053, %dma_start3A_1059] : memref<512x26xi32, #tpu.memory_space<vmem>> -> memref<1x26xi32, #tpu.memory_space<vmem>>
        %dma_start3A_1061 = tpu.memref_squeeze %dma_start3A_1060 : memref<1x26xi32, #tpu.memory_space<vmem>> -> memref<26xi32, #tpu.memory_space<vmem>>
        %dma_start3A_1062 = arith.constant 0 : i32
        %dma_start3A_1063 = arith.constant 0 : i32
        %dma_start3A_1064 = tpu.memref_slice %arg3[%dma_start3A_1062, %dma_start3A_1063] : memref<2000000x64xf32, #tpu.memory_space<hbm>> -> memref<2000000x64xf32, #tpu.memory_space<hbm>>
        tpu.enqueue_indirect_dma source(%dma_start3A_1064 : memref<2000000x64xf32, #tpu.memory_space<hbm>>) target(%dma_start3A_1058 : memref<26x64xf32, #tpu.memory_space<vmem>>) offsets(%dma_start3A_1061 : memref<26xi32, #tpu.memory_space<vmem>>) semaphore(%arg7 : memref<!tpu.dma_semaphore, #tpu.memory_space<semaphore_mem>>)
        %mul3A_1065 = arith.constant 32 : i32
        %mul3A_1066 = arith.muli %add3A_853, %mul3A_1065 : i32
        %add3A_1067 = arith.constant 14 : i32
        %add3A_1068 = arith.addi %mul3A_1066, %add3A_1067 : i32
        %dma_start3A_1069 = arith.constant 14 : i32
        %dma_start3A_1070 = arith.constant 0 : i32
        %dma_start3A_1071 = arith.constant 0 : i32
        %dma_start3A_1072 = tpu.memref_slice %arg6[%sub3A_854, %dma_start3A_1069, %dma_start3A_1070, %dma_start3A_1071] : memref<2x32x26x64xf32, #tpu.memory_space<vmem>> -> memref<1x1x26x64xf32, #tpu.memory_space<vmem>>
        %dma_start3A_1073 = tpu.memref_squeeze %dma_start3A_1072 : memref<1x1x26x64xf32, #tpu.memory_space<vmem>> -> memref<26x64xf32, #tpu.memory_space<vmem>>
        %dma_start3A_1074 = arith.constant 0 : i32
        %dma_start3A_1075 = tpu.memref_slice %arg5[%add3A_1068, %dma_start3A_1074] : memref<512x26xi32, #tpu.memory_space<vmem>> -> memref<1x26xi32, #tpu.memory_space<vmem>>
        %dma_start3A_1076 = tpu.memref_squeeze %dma_start3A_1075 : memref<1x26xi32, #tpu.memory_space<vmem>> -> memref<26xi32, #tpu.memory_space<vmem>>
        %dma_start3A_1077 = arith.constant 0 : i32
        %dma_start3A_1078 = arith.constant 0 : i32
        %dma_start3A_1079 = tpu.memref_slice %arg3[%dma_start3A_1077, %dma_start3A_1078] : memref<2000000x64xf32, #tpu.memory_space<hbm>> -> memref<2000000x64xf32, #tpu.memory_space<hbm>>
        tpu.enqueue_indirect_dma source(%dma_start3A_1079 : memref<2000000x64xf32, #tpu.memory_space<hbm>>) target(%dma_start3A_1073 : memref<26x64xf32, #tpu.memory_space<vmem>>) offsets(%dma_start3A_1076 : memref<26xi32, #tpu.memory_space<vmem>>) semaphore(%arg7 : memref<!tpu.dma_semaphore, #tpu.memory_space<semaphore_mem>>)
        %mul3A_1080 = arith.constant 32 : i32
        %mul3A_1081 = arith.muli %add3A_853, %mul3A_1080 : i32
        %add3A_1082 = arith.constant 15 : i32
        %add3A_1083 = arith.addi %mul3A_1081, %add3A_1082 : i32
        %dma_start3A_1084 = arith.constant 15 : i32
        %dma_start3A_1085 = arith.constant 0 : i32
        %dma_start3A_1086 = arith.constant 0 : i32
        %dma_start3A_1087 = tpu.memref_slice %arg6[%sub3A_854, %dma_start3A_1084, %dma_start3A_1085, %dma_start3A_1086] : memref<2x32x26x64xf32, #tpu.memory_space<vmem>> -> memref<1x1x26x64xf32, #tpu.memory_space<vmem>>
        %dma_start3A_1088 = tpu.memref_squeeze %dma_start3A_1087 : memref<1x1x26x64xf32, #tpu.memory_space<vmem>> -> memref<26x64xf32, #tpu.memory_space<vmem>>
        %dma_start3A_1089 = arith.constant 0 : i32
        %dma_start3A_1090 = tpu.memref_slice %arg5[%add3A_1083, %dma_start3A_1089] : memref<512x26xi32, #tpu.memory_space<vmem>> -> memref<1x26xi32, #tpu.memory_space<vmem>>
        %dma_start3A_1091 = tpu.memref_squeeze %dma_start3A_1090 : memref<1x26xi32, #tpu.memory_space<vmem>> -> memref<26xi32, #tpu.memory_space<vmem>>
        %dma_start3A_1092 = arith.constant 0 : i32
        %dma_start3A_1093 = arith.constant 0 : i32
        %dma_start3A_1094 = tpu.memref_slice %arg3[%dma_start3A_1092, %dma_start3A_1093] : memref<2000000x64xf32, #tpu.memory_space<hbm>> -> memref<2000000x64xf32, #tpu.memory_space<hbm>>
        tpu.enqueue_indirect_dma source(%dma_start3A_1094 : memref<2000000x64xf32, #tpu.memory_space<hbm>>) target(%dma_start3A_1088 : memref<26x64xf32, #tpu.memory_space<vmem>>) offsets(%dma_start3A_1091 : memref<26xi32, #tpu.memory_space<vmem>>) semaphore(%arg7 : memref<!tpu.dma_semaphore, #tpu.memory_space<semaphore_mem>>)
        %mul3A_1095 = arith.constant 32 : i32
        %mul3A_1096 = arith.muli %add3A_853, %mul3A_1095 : i32
        %add3A_1097 = arith.constant 16 : i32
        %add3A_1098 = arith.addi %mul3A_1096, %add3A_1097 : i32
        %dma_start3A_1099 = arith.constant 16 : i32
        %dma_start3A_1100 = arith.constant 0 : i32
        %dma_start3A_1101 = arith.constant 0 : i32
        %dma_start3A_1102 = tpu.memref_slice %arg6[%sub3A_854, %dma_start3A_1099, %dma_start3A_1100, %dma_start3A_1101] : memref<2x32x26x64xf32, #tpu.memory_space<vmem>> -> memref<1x1x26x64xf32, #tpu.memory_space<vmem>>
        %dma_start3A_1103 = tpu.memref_squeeze %dma_start3A_1102 : memref<1x1x26x64xf32, #tpu.memory_space<vmem>> -> memref<26x64xf32, #tpu.memory_space<vmem>>
        %dma_start3A_1104 = arith.constant 0 : i32
        %dma_start3A_1105 = tpu.memref_slice %arg5[%add3A_1098, %dma_start3A_1104] : memref<512x26xi32, #tpu.memory_space<vmem>> -> memref<1x26xi32, #tpu.memory_space<vmem>>
        %dma_start3A_1106 = tpu.memref_squeeze %dma_start3A_1105 : memref<1x26xi32, #tpu.memory_space<vmem>> -> memref<26xi32, #tpu.memory_space<vmem>>
        %dma_start3A_1107 = arith.constant 0 : i32
        %dma_start3A_1108 = arith.constant 0 : i32
        %dma_start3A_1109 = tpu.memref_slice %arg3[%dma_start3A_1107, %dma_start3A_1108] : memref<2000000x64xf32, #tpu.memory_space<hbm>> -> memref<2000000x64xf32, #tpu.memory_space<hbm>>
        tpu.enqueue_indirect_dma source(%dma_start3A_1109 : memref<2000000x64xf32, #tpu.memory_space<hbm>>) target(%dma_start3A_1103 : memref<26x64xf32, #tpu.memory_space<vmem>>) offsets(%dma_start3A_1106 : memref<26xi32, #tpu.memory_space<vmem>>) semaphore(%arg7 : memref<!tpu.dma_semaphore, #tpu.memory_space<semaphore_mem>>)
        %mul3A_1110 = arith.constant 32 : i32
        %mul3A_1111 = arith.muli %add3A_853, %mul3A_1110 : i32
        %add3A_1112 = arith.constant 17 : i32
        %add3A_1113 = arith.addi %mul3A_1111, %add3A_1112 : i32
        %dma_start3A_1114 = arith.constant 17 : i32
        %dma_start3A_1115 = arith.constant 0 : i32
        %dma_start3A_1116 = arith.constant 0 : i32
        %dma_start3A_1117 = tpu.memref_slice %arg6[%sub3A_854, %dma_start3A_1114, %dma_start3A_1115, %dma_start3A_1116] : memref<2x32x26x64xf32, #tpu.memory_space<vmem>> -> memref<1x1x26x64xf32, #tpu.memory_space<vmem>>
        %dma_start3A_1118 = tpu.memref_squeeze %dma_start3A_1117 : memref<1x1x26x64xf32, #tpu.memory_space<vmem>> -> memref<26x64xf32, #tpu.memory_space<vmem>>
        %dma_start3A_1119 = arith.constant 0 : i32
        %dma_start3A_1120 = tpu.memref_slice %arg5[%add3A_1113, %dma_start3A_1119] : memref<512x26xi32, #tpu.memory_space<vmem>> -> memref<1x26xi32, #tpu.memory_space<vmem>>
        %dma_start3A_1121 = tpu.memref_squeeze %dma_start3A_1120 : memref<1x26xi32, #tpu.memory_space<vmem>> -> memref<26xi32, #tpu.memory_space<vmem>>
        %dma_start3A_1122 = arith.constant 0 : i32
        %dma_start3A_1123 = arith.constant 0 : i32
        %dma_start3A_1124 = tpu.memref_slice %arg3[%dma_start3A_1122, %dma_start3A_1123] : memref<2000000x64xf32, #tpu.memory_space<hbm>> -> memref<2000000x64xf32, #tpu.memory_space<hbm>>
        tpu.enqueue_indirect_dma source(%dma_start3A_1124 : memref<2000000x64xf32, #tpu.memory_space<hbm>>) target(%dma_start3A_1118 : memref<26x64xf32, #tpu.memory_space<vmem>>) offsets(%dma_start3A_1121 : memref<26xi32, #tpu.memory_space<vmem>>) semaphore(%arg7 : memref<!tpu.dma_semaphore, #tpu.memory_space<semaphore_mem>>)
        %mul3A_1125 = arith.constant 32 : i32
        %mul3A_1126 = arith.muli %add3A_853, %mul3A_1125 : i32
        %add3A_1127 = arith.constant 18 : i32
        %add3A_1128 = arith.addi %mul3A_1126, %add3A_1127 : i32
        %dma_start3A_1129 = arith.constant 18 : i32
        %dma_start3A_1130 = arith.constant 0 : i32
        %dma_start3A_1131 = arith.constant 0 : i32
        %dma_start3A_1132 = tpu.memref_slice %arg6[%sub3A_854, %dma_start3A_1129, %dma_start3A_1130, %dma_start3A_1131] : memref<2x32x26x64xf32, #tpu.memory_space<vmem>> -> memref<1x1x26x64xf32, #tpu.memory_space<vmem>>
        %dma_start3A_1133 = tpu.memref_squeeze %dma_start3A_1132 : memref<1x1x26x64xf32, #tpu.memory_space<vmem>> -> memref<26x64xf32, #tpu.memory_space<vmem>>
        %dma_start3A_1134 = arith.constant 0 : i32
        %dma_start3A_1135 = tpu.memref_slice %arg5[%add3A_1128, %dma_start3A_1134] : memref<512x26xi32, #tpu.memory_space<vmem>> -> memref<1x26xi32, #tpu.memory_space<vmem>>
        %dma_start3A_1136 = tpu.memref_squeeze %dma_start3A_1135 : memref<1x26xi32, #tpu.memory_space<vmem>> -> memref<26xi32, #tpu.memory_space<vmem>>
        %dma_start3A_1137 = arith.constant 0 : i32
        %dma_start3A_1138 = arith.constant 0 : i32
        %dma_start3A_1139 = tpu.memref_slice %arg3[%dma_start3A_1137, %dma_start3A_1138] : memref<2000000x64xf32, #tpu.memory_space<hbm>> -> memref<2000000x64xf32, #tpu.memory_space<hbm>>
        tpu.enqueue_indirect_dma source(%dma_start3A_1139 : memref<2000000x64xf32, #tpu.memory_space<hbm>>) target(%dma_start3A_1133 : memref<26x64xf32, #tpu.memory_space<vmem>>) offsets(%dma_start3A_1136 : memref<26xi32, #tpu.memory_space<vmem>>) semaphore(%arg7 : memref<!tpu.dma_semaphore, #tpu.memory_space<semaphore_mem>>)
        %mul3A_1140 = arith.constant 32 : i32
        %mul3A_1141 = arith.muli %add3A_853, %mul3A_1140 : i32
        %add3A_1142 = arith.constant 19 : i32
        %add3A_1143 = arith.addi %mul3A_1141, %add3A_1142 : i32
        %dma_start3A_1144 = arith.constant 19 : i32
        %dma_start3A_1145 = arith.constant 0 : i32
        %dma_start3A_1146 = arith.constant 0 : i32
        %dma_start3A_1147 = tpu.memref_slice %arg6[%sub3A_854, %dma_start3A_1144, %dma_start3A_1145, %dma_start3A_1146] : memref<2x32x26x64xf32, #tpu.memory_space<vmem>> -> memref<1x1x26x64xf32, #tpu.memory_space<vmem>>
        %dma_start3A_1148 = tpu.memref_squeeze %dma_start3A_1147 : memref<1x1x26x64xf32, #tpu.memory_space<vmem>> -> memref<26x64xf32, #tpu.memory_space<vmem>>
        %dma_start3A_1149 = arith.constant 0 : i32
        %dma_start3A_1150 = tpu.memref_slice %arg5[%add3A_1143, %dma_start3A_1149] : memref<512x26xi32, #tpu.memory_space<vmem>> -> memref<1x26xi32, #tpu.memory_space<vmem>>
        %dma_start3A_1151 = tpu.memref_squeeze %dma_start3A_1150 : memref<1x26xi32, #tpu.memory_space<vmem>> -> memref<26xi32, #tpu.memory_space<vmem>>
        %dma_start3A_1152 = arith.constant 0 : i32
        %dma_start3A_1153 = arith.constant 0 : i32
        %dma_start3A_1154 = tpu.memref_slice %arg3[%dma_start3A_1152, %dma_start3A_1153] : memref<2000000x64xf32, #tpu.memory_space<hbm>> -> memref<2000000x64xf32, #tpu.memory_space<hbm>>
        tpu.enqueue_indirect_dma source(%dma_start3A_1154 : memref<2000000x64xf32, #tpu.memory_space<hbm>>) target(%dma_start3A_1148 : memref<26x64xf32, #tpu.memory_space<vmem>>) offsets(%dma_start3A_1151 : memref<26xi32, #tpu.memory_space<vmem>>) semaphore(%arg7 : memref<!tpu.dma_semaphore, #tpu.memory_space<semaphore_mem>>)
        %mul3A_1155 = arith.constant 32 : i32
        %mul3A_1156 = arith.muli %add3A_853, %mul3A_1155 : i32
        %add3A_1157 = arith.constant 20 : i32
        %add3A_1158 = arith.addi %mul3A_1156, %add3A_1157 : i32
        %dma_start3A_1159 = arith.constant 20 : i32
        %dma_start3A_1160 = arith.constant 0 : i32
        %dma_start3A_1161 = arith.constant 0 : i32
        %dma_start3A_1162 = tpu.memref_slice %arg6[%sub3A_854, %dma_start3A_1159, %dma_start3A_1160, %dma_start3A_1161] : memref<2x32x26x64xf32, #tpu.memory_space<vmem>> -> memref<1x1x26x64xf32, #tpu.memory_space<vmem>>
        %dma_start3A_1163 = tpu.memref_squeeze %dma_start3A_1162 : memref<1x1x26x64xf32, #tpu.memory_space<vmem>> -> memref<26x64xf32, #tpu.memory_space<vmem>>
        %dma_start3A_1164 = arith.constant 0 : i32
        %dma_start3A_1165 = tpu.memref_slice %arg5[%add3A_1158, %dma_start3A_1164] : memref<512x26xi32, #tpu.memory_space<vmem>> -> memref<1x26xi32, #tpu.memory_space<vmem>>
        %dma_start3A_1166 = tpu.memref_squeeze %dma_start3A_1165 : memref<1x26xi32, #tpu.memory_space<vmem>> -> memref<26xi32, #tpu.memory_space<vmem>>
        %dma_start3A_1167 = arith.constant 0 : i32
        %dma_start3A_1168 = arith.constant 0 : i32
        %dma_start3A_1169 = tpu.memref_slice %arg3[%dma_start3A_1167, %dma_start3A_1168] : memref<2000000x64xf32, #tpu.memory_space<hbm>> -> memref<2000000x64xf32, #tpu.memory_space<hbm>>
        tpu.enqueue_indirect_dma source(%dma_start3A_1169 : memref<2000000x64xf32, #tpu.memory_space<hbm>>) target(%dma_start3A_1163 : memref<26x64xf32, #tpu.memory_space<vmem>>) offsets(%dma_start3A_1166 : memref<26xi32, #tpu.memory_space<vmem>>) semaphore(%arg7 : memref<!tpu.dma_semaphore, #tpu.memory_space<semaphore_mem>>)
        %mul3A_1170 = arith.constant 32 : i32
        %mul3A_1171 = arith.muli %add3A_853, %mul3A_1170 : i32
        %add3A_1172 = arith.constant 21 : i32
        %add3A_1173 = arith.addi %mul3A_1171, %add3A_1172 : i32
        %dma_start3A_1174 = arith.constant 21 : i32
        %dma_start3A_1175 = arith.constant 0 : i32
        %dma_start3A_1176 = arith.constant 0 : i32
        %dma_start3A_1177 = tpu.memref_slice %arg6[%sub3A_854, %dma_start3A_1174, %dma_start3A_1175, %dma_start3A_1176] : memref<2x32x26x64xf32, #tpu.memory_space<vmem>> -> memref<1x1x26x64xf32, #tpu.memory_space<vmem>>
        %dma_start3A_1178 = tpu.memref_squeeze %dma_start3A_1177 : memref<1x1x26x64xf32, #tpu.memory_space<vmem>> -> memref<26x64xf32, #tpu.memory_space<vmem>>
        %dma_start3A_1179 = arith.constant 0 : i32
        %dma_start3A_1180 = tpu.memref_slice %arg5[%add3A_1173, %dma_start3A_1179] : memref<512x26xi32, #tpu.memory_space<vmem>> -> memref<1x26xi32, #tpu.memory_space<vmem>>
        %dma_start3A_1181 = tpu.memref_squeeze %dma_start3A_1180 : memref<1x26xi32, #tpu.memory_space<vmem>> -> memref<26xi32, #tpu.memory_space<vmem>>
        %dma_start3A_1182 = arith.constant 0 : i32
        %dma_start3A_1183 = arith.constant 0 : i32
        %dma_start3A_1184 = tpu.memref_slice %arg3[%dma_start3A_1182, %dma_start3A_1183] : memref<2000000x64xf32, #tpu.memory_space<hbm>> -> memref<2000000x64xf32, #tpu.memory_space<hbm>>
        tpu.enqueue_indirect_dma source(%dma_start3A_1184 : memref<2000000x64xf32, #tpu.memory_space<hbm>>) target(%dma_start3A_1178 : memref<26x64xf32, #tpu.memory_space<vmem>>) offsets(%dma_start3A_1181 : memref<26xi32, #tpu.memory_space<vmem>>) semaphore(%arg7 : memref<!tpu.dma_semaphore, #tpu.memory_space<semaphore_mem>>)
        %mul3A_1185 = arith.constant 32 : i32
        %mul3A_1186 = arith.muli %add3A_853, %mul3A_1185 : i32
        %add3A_1187 = arith.constant 22 : i32
        %add3A_1188 = arith.addi %mul3A_1186, %add3A_1187 : i32
        %dma_start3A_1189 = arith.constant 22 : i32
        %dma_start3A_1190 = arith.constant 0 : i32
        %dma_start3A_1191 = arith.constant 0 : i32
        %dma_start3A_1192 = tpu.memref_slice %arg6[%sub3A_854, %dma_start3A_1189, %dma_start3A_1190, %dma_start3A_1191] : memref<2x32x26x64xf32, #tpu.memory_space<vmem>> -> memref<1x1x26x64xf32, #tpu.memory_space<vmem>>
        %dma_start3A_1193 = tpu.memref_squeeze %dma_start3A_1192 : memref<1x1x26x64xf32, #tpu.memory_space<vmem>> -> memref<26x64xf32, #tpu.memory_space<vmem>>
        %dma_start3A_1194 = arith.constant 0 : i32
        %dma_start3A_1195 = tpu.memref_slice %arg5[%add3A_1188, %dma_start3A_1194] : memref<512x26xi32, #tpu.memory_space<vmem>> -> memref<1x26xi32, #tpu.memory_space<vmem>>
        %dma_start3A_1196 = tpu.memref_squeeze %dma_start3A_1195 : memref<1x26xi32, #tpu.memory_space<vmem>> -> memref<26xi32, #tpu.memory_space<vmem>>
        %dma_start3A_1197 = arith.constant 0 : i32
        %dma_start3A_1198 = arith.constant 0 : i32
        %dma_start3A_1199 = tpu.memref_slice %arg3[%dma_start3A_1197, %dma_start3A_1198] : memref<2000000x64xf32, #tpu.memory_space<hbm>> -> memref<2000000x64xf32, #tpu.memory_space<hbm>>
        tpu.enqueue_indirect_dma source(%dma_start3A_1199 : memref<2000000x64xf32, #tpu.memory_space<hbm>>) target(%dma_start3A_1193 : memref<26x64xf32, #tpu.memory_space<vmem>>) offsets(%dma_start3A_1196 : memref<26xi32, #tpu.memory_space<vmem>>) semaphore(%arg7 : memref<!tpu.dma_semaphore, #tpu.memory_space<semaphore_mem>>)
        %mul3A_1200 = arith.constant 32 : i32
        %mul3A_1201 = arith.muli %add3A_853, %mul3A_1200 : i32
        %add3A_1202 = arith.constant 23 : i32
        %add3A_1203 = arith.addi %mul3A_1201, %add3A_1202 : i32
        %dma_start3A_1204 = arith.constant 23 : i32
        %dma_start3A_1205 = arith.constant 0 : i32
        %dma_start3A_1206 = arith.constant 0 : i32
        %dma_start3A_1207 = tpu.memref_slice %arg6[%sub3A_854, %dma_start3A_1204, %dma_start3A_1205, %dma_start3A_1206] : memref<2x32x26x64xf32, #tpu.memory_space<vmem>> -> memref<1x1x26x64xf32, #tpu.memory_space<vmem>>
        %dma_start3A_1208 = tpu.memref_squeeze %dma_start3A_1207 : memref<1x1x26x64xf32, #tpu.memory_space<vmem>> -> memref<26x64xf32, #tpu.memory_space<vmem>>
        %dma_start3A_1209 = arith.constant 0 : i32
        %dma_start3A_1210 = tpu.memref_slice %arg5[%add3A_1203, %dma_start3A_1209] : memref<512x26xi32, #tpu.memory_space<vmem>> -> memref<1x26xi32, #tpu.memory_space<vmem>>
        %dma_start3A_1211 = tpu.memref_squeeze %dma_start3A_1210 : memref<1x26xi32, #tpu.memory_space<vmem>> -> memref<26xi32, #tpu.memory_space<vmem>>
        %dma_start3A_1212 = arith.constant 0 : i32
        %dma_start3A_1213 = arith.constant 0 : i32
        %dma_start3A_1214 = tpu.memref_slice %arg3[%dma_start3A_1212, %dma_start3A_1213] : memref<2000000x64xf32, #tpu.memory_space<hbm>> -> memref<2000000x64xf32, #tpu.memory_space<hbm>>
        tpu.enqueue_indirect_dma source(%dma_start3A_1214 : memref<2000000x64xf32, #tpu.memory_space<hbm>>) target(%dma_start3A_1208 : memref<26x64xf32, #tpu.memory_space<vmem>>) offsets(%dma_start3A_1211 : memref<26xi32, #tpu.memory_space<vmem>>) semaphore(%arg7 : memref<!tpu.dma_semaphore, #tpu.memory_space<semaphore_mem>>)
        %mul3A_1215 = arith.constant 32 : i32
        %mul3A_1216 = arith.muli %add3A_853, %mul3A_1215 : i32
        %add3A_1217 = arith.constant 24 : i32
        %add3A_1218 = arith.addi %mul3A_1216, %add3A_1217 : i32
        %dma_start3A_1219 = arith.constant 24 : i32
        %dma_start3A_1220 = arith.constant 0 : i32
        %dma_start3A_1221 = arith.constant 0 : i32
        %dma_start3A_1222 = tpu.memref_slice %arg6[%sub3A_854, %dma_start3A_1219, %dma_start3A_1220, %dma_start3A_1221] : memref<2x32x26x64xf32, #tpu.memory_space<vmem>> -> memref<1x1x26x64xf32, #tpu.memory_space<vmem>>
        %dma_start3A_1223 = tpu.memref_squeeze %dma_start3A_1222 : memref<1x1x26x64xf32, #tpu.memory_space<vmem>> -> memref<26x64xf32, #tpu.memory_space<vmem>>
        %dma_start3A_1224 = arith.constant 0 : i32
        %dma_start3A_1225 = tpu.memref_slice %arg5[%add3A_1218, %dma_start3A_1224] : memref<512x26xi32, #tpu.memory_space<vmem>> -> memref<1x26xi32, #tpu.memory_space<vmem>>
        %dma_start3A_1226 = tpu.memref_squeeze %dma_start3A_1225 : memref<1x26xi32, #tpu.memory_space<vmem>> -> memref<26xi32, #tpu.memory_space<vmem>>
        %dma_start3A_1227 = arith.constant 0 : i32
        %dma_start3A_1228 = arith.constant 0 : i32
        %dma_start3A_1229 = tpu.memref_slice %arg3[%dma_start3A_1227, %dma_start3A_1228] : memref<2000000x64xf32, #tpu.memory_space<hbm>> -> memref<2000000x64xf32, #tpu.memory_space<hbm>>
        tpu.enqueue_indirect_dma source(%dma_start3A_1229 : memref<2000000x64xf32, #tpu.memory_space<hbm>>) target(%dma_start3A_1223 : memref<26x64xf32, #tpu.memory_space<vmem>>) offsets(%dma_start3A_1226 : memref<26xi32, #tpu.memory_space<vmem>>) semaphore(%arg7 : memref<!tpu.dma_semaphore, #tpu.memory_space<semaphore_mem>>)
        %mul3A_1230 = arith.constant 32 : i32
        %mul3A_1231 = arith.muli %add3A_853, %mul3A_1230 : i32
        %add3A_1232 = arith.constant 25 : i32
        %add3A_1233 = arith.addi %mul3A_1231, %add3A_1232 : i32
        %dma_start3A_1234 = arith.constant 25 : i32
        %dma_start3A_1235 = arith.constant 0 : i32
        %dma_start3A_1236 = arith.constant 0 : i32
        %dma_start3A_1237 = tpu.memref_slice %arg6[%sub3A_854, %dma_start3A_1234, %dma_start3A_1235, %dma_start3A_1236] : memref<2x32x26x64xf32, #tpu.memory_space<vmem>> -> memref<1x1x26x64xf32, #tpu.memory_space<vmem>>
        %dma_start3A_1238 = tpu.memref_squeeze %dma_start3A_1237 : memref<1x1x26x64xf32, #tpu.memory_space<vmem>> -> memref<26x64xf32, #tpu.memory_space<vmem>>
        %dma_start3A_1239 = arith.constant 0 : i32
        %dma_start3A_1240 = tpu.memref_slice %arg5[%add3A_1233, %dma_start3A_1239] : memref<512x26xi32, #tpu.memory_space<vmem>> -> memref<1x26xi32, #tpu.memory_space<vmem>>
        %dma_start3A_1241 = tpu.memref_squeeze %dma_start3A_1240 : memref<1x26xi32, #tpu.memory_space<vmem>> -> memref<26xi32, #tpu.memory_space<vmem>>
        %dma_start3A_1242 = arith.constant 0 : i32
        %dma_start3A_1243 = arith.constant 0 : i32
        %dma_start3A_1244 = tpu.memref_slice %arg3[%dma_start3A_1242, %dma_start3A_1243] : memref<2000000x64xf32, #tpu.memory_space<hbm>> -> memref<2000000x64xf32, #tpu.memory_space<hbm>>
        tpu.enqueue_indirect_dma source(%dma_start3A_1244 : memref<2000000x64xf32, #tpu.memory_space<hbm>>) target(%dma_start3A_1238 : memref<26x64xf32, #tpu.memory_space<vmem>>) offsets(%dma_start3A_1241 : memref<26xi32, #tpu.memory_space<vmem>>) semaphore(%arg7 : memref<!tpu.dma_semaphore, #tpu.memory_space<semaphore_mem>>)
        %mul3A_1245 = arith.constant 32 : i32
        %mul3A_1246 = arith.muli %add3A_853, %mul3A_1245 : i32
        %add3A_1247 = arith.constant 26 : i32
        %add3A_1248 = arith.addi %mul3A_1246, %add3A_1247 : i32
        %dma_start3A_1249 = arith.constant 26 : i32
        %dma_start3A_1250 = arith.constant 0 : i32
        %dma_start3A_1251 = arith.constant 0 : i32
        %dma_start3A_1252 = tpu.memref_slice %arg6[%sub3A_854, %dma_start3A_1249, %dma_start3A_1250, %dma_start3A_1251] : memref<2x32x26x64xf32, #tpu.memory_space<vmem>> -> memref<1x1x26x64xf32, #tpu.memory_space<vmem>>
        %dma_start3A_1253 = tpu.memref_squeeze %dma_start3A_1252 : memref<1x1x26x64xf32, #tpu.memory_space<vmem>> -> memref<26x64xf32, #tpu.memory_space<vmem>>
        %dma_start3A_1254 = arith.constant 0 : i32
        %dma_start3A_1255 = tpu.memref_slice %arg5[%add3A_1248, %dma_start3A_1254] : memref<512x26xi32, #tpu.memory_space<vmem>> -> memref<1x26xi32, #tpu.memory_space<vmem>>
        %dma_start3A_1256 = tpu.memref_squeeze %dma_start3A_1255 : memref<1x26xi32, #tpu.memory_space<vmem>> -> memref<26xi32, #tpu.memory_space<vmem>>
        %dma_start3A_1257 = arith.constant 0 : i32
        %dma_start3A_1258 = arith.constant 0 : i32
        %dma_start3A_1259 = tpu.memref_slice %arg3[%dma_start3A_1257, %dma_start3A_1258] : memref<2000000x64xf32, #tpu.memory_space<hbm>> -> memref<2000000x64xf32, #tpu.memory_space<hbm>>
        tpu.enqueue_indirect_dma source(%dma_start3A_1259 : memref<2000000x64xf32, #tpu.memory_space<hbm>>) target(%dma_start3A_1253 : memref<26x64xf32, #tpu.memory_space<vmem>>) offsets(%dma_start3A_1256 : memref<26xi32, #tpu.memory_space<vmem>>) semaphore(%arg7 : memref<!tpu.dma_semaphore, #tpu.memory_space<semaphore_mem>>)
        %mul3A_1260 = arith.constant 32 : i32
        %mul3A_1261 = arith.muli %add3A_853, %mul3A_1260 : i32
        %add3A_1262 = arith.constant 27 : i32
        %add3A_1263 = arith.addi %mul3A_1261, %add3A_1262 : i32
        %dma_start3A_1264 = arith.constant 27 : i32
        %dma_start3A_1265 = arith.constant 0 : i32
        %dma_start3A_1266 = arith.constant 0 : i32
        %dma_start3A_1267 = tpu.memref_slice %arg6[%sub3A_854, %dma_start3A_1264, %dma_start3A_1265, %dma_start3A_1266] : memref<2x32x26x64xf32, #tpu.memory_space<vmem>> -> memref<1x1x26x64xf32, #tpu.memory_space<vmem>>
        %dma_start3A_1268 = tpu.memref_squeeze %dma_start3A_1267 : memref<1x1x26x64xf32, #tpu.memory_space<vmem>> -> memref<26x64xf32, #tpu.memory_space<vmem>>
        %dma_start3A_1269 = arith.constant 0 : i32
        %dma_start3A_1270 = tpu.memref_slice %arg5[%add3A_1263, %dma_start3A_1269] : memref<512x26xi32, #tpu.memory_space<vmem>> -> memref<1x26xi32, #tpu.memory_space<vmem>>
        %dma_start3A_1271 = tpu.memref_squeeze %dma_start3A_1270 : memref<1x26xi32, #tpu.memory_space<vmem>> -> memref<26xi32, #tpu.memory_space<vmem>>
        %dma_start3A_1272 = arith.constant 0 : i32
        %dma_start3A_1273 = arith.constant 0 : i32
        %dma_start3A_1274 = tpu.memref_slice %arg3[%dma_start3A_1272, %dma_start3A_1273] : memref<2000000x64xf32, #tpu.memory_space<hbm>> -> memref<2000000x64xf32, #tpu.memory_space<hbm>>
        tpu.enqueue_indirect_dma source(%dma_start3A_1274 : memref<2000000x64xf32, #tpu.memory_space<hbm>>) target(%dma_start3A_1268 : memref<26x64xf32, #tpu.memory_space<vmem>>) offsets(%dma_start3A_1271 : memref<26xi32, #tpu.memory_space<vmem>>) semaphore(%arg7 : memref<!tpu.dma_semaphore, #tpu.memory_space<semaphore_mem>>)
        %mul3A_1275 = arith.constant 32 : i32
        %mul3A_1276 = arith.muli %add3A_853, %mul3A_1275 : i32
        %add3A_1277 = arith.constant 28 : i32
        %add3A_1278 = arith.addi %mul3A_1276, %add3A_1277 : i32
        %dma_start3A_1279 = arith.constant 28 : i32
        %dma_start3A_1280 = arith.constant 0 : i32
        %dma_start3A_1281 = arith.constant 0 : i32
        %dma_start3A_1282 = tpu.memref_slice %arg6[%sub3A_854, %dma_start3A_1279, %dma_start3A_1280, %dma_start3A_1281] : memref<2x32x26x64xf32, #tpu.memory_space<vmem>> -> memref<1x1x26x64xf32, #tpu.memory_space<vmem>>
        %dma_start3A_1283 = tpu.memref_squeeze %dma_start3A_1282 : memref<1x1x26x64xf32, #tpu.memory_space<vmem>> -> memref<26x64xf32, #tpu.memory_space<vmem>>
        %dma_start3A_1284 = arith.constant 0 : i32
        %dma_start3A_1285 = tpu.memref_slice %arg5[%add3A_1278, %dma_start3A_1284] : memref<512x26xi32, #tpu.memory_space<vmem>> -> memref<1x26xi32, #tpu.memory_space<vmem>>
        %dma_start3A_1286 = tpu.memref_squeeze %dma_start3A_1285 : memref<1x26xi32, #tpu.memory_space<vmem>> -> memref<26xi32, #tpu.memory_space<vmem>>
        %dma_start3A_1287 = arith.constant 0 : i32
        %dma_start3A_1288 = arith.constant 0 : i32
        %dma_start3A_1289 = tpu.memref_slice %arg3[%dma_start3A_1287, %dma_start3A_1288] : memref<2000000x64xf32, #tpu.memory_space<hbm>> -> memref<2000000x64xf32, #tpu.memory_space<hbm>>
        tpu.enqueue_indirect_dma source(%dma_start3A_1289 : memref<2000000x64xf32, #tpu.memory_space<hbm>>) target(%dma_start3A_1283 : memref<26x64xf32, #tpu.memory_space<vmem>>) offsets(%dma_start3A_1286 : memref<26xi32, #tpu.memory_space<vmem>>) semaphore(%arg7 : memref<!tpu.dma_semaphore, #tpu.memory_space<semaphore_mem>>)
        %mul3A_1290 = arith.constant 32 : i32
        %mul3A_1291 = arith.muli %add3A_853, %mul3A_1290 : i32
        %add3A_1292 = arith.constant 29 : i32
        %add3A_1293 = arith.addi %mul3A_1291, %add3A_1292 : i32
        %dma_start3A_1294 = arith.constant 29 : i32
        %dma_start3A_1295 = arith.constant 0 : i32
        %dma_start3A_1296 = arith.constant 0 : i32
        %dma_start3A_1297 = tpu.memref_slice %arg6[%sub3A_854, %dma_start3A_1294, %dma_start3A_1295, %dma_start3A_1296] : memref<2x32x26x64xf32, #tpu.memory_space<vmem>> -> memref<1x1x26x64xf32, #tpu.memory_space<vmem>>
        %dma_start3A_1298 = tpu.memref_squeeze %dma_start3A_1297 : memref<1x1x26x64xf32, #tpu.memory_space<vmem>> -> memref<26x64xf32, #tpu.memory_space<vmem>>
        %dma_start3A_1299 = arith.constant 0 : i32
        %dma_start3A_1300 = tpu.memref_slice %arg5[%add3A_1293, %dma_start3A_1299] : memref<512x26xi32, #tpu.memory_space<vmem>> -> memref<1x26xi32, #tpu.memory_space<vmem>>
        %dma_start3A_1301 = tpu.memref_squeeze %dma_start3A_1300 : memref<1x26xi32, #tpu.memory_space<vmem>> -> memref<26xi32, #tpu.memory_space<vmem>>
        %dma_start3A_1302 = arith.constant 0 : i32
        %dma_start3A_1303 = arith.constant 0 : i32
        %dma_start3A_1304 = tpu.memref_slice %arg3[%dma_start3A_1302, %dma_start3A_1303] : memref<2000000x64xf32, #tpu.memory_space<hbm>> -> memref<2000000x64xf32, #tpu.memory_space<hbm>>
        tpu.enqueue_indirect_dma source(%dma_start3A_1304 : memref<2000000x64xf32, #tpu.memory_space<hbm>>) target(%dma_start3A_1298 : memref<26x64xf32, #tpu.memory_space<vmem>>) offsets(%dma_start3A_1301 : memref<26xi32, #tpu.memory_space<vmem>>) semaphore(%arg7 : memref<!tpu.dma_semaphore, #tpu.memory_space<semaphore_mem>>)
        %mul3A_1305 = arith.constant 32 : i32
        %mul3A_1306 = arith.muli %add3A_853, %mul3A_1305 : i32
        %add3A_1307 = arith.constant 30 : i32
        %add3A_1308 = arith.addi %mul3A_1306, %add3A_1307 : i32
        %dma_start3A_1309 = arith.constant 30 : i32
        %dma_start3A_1310 = arith.constant 0 : i32
        %dma_start3A_1311 = arith.constant 0 : i32
        %dma_start3A_1312 = tpu.memref_slice %arg6[%sub3A_854, %dma_start3A_1309, %dma_start3A_1310, %dma_start3A_1311] : memref<2x32x26x64xf32, #tpu.memory_space<vmem>> -> memref<1x1x26x64xf32, #tpu.memory_space<vmem>>
        %dma_start3A_1313 = tpu.memref_squeeze %dma_start3A_1312 : memref<1x1x26x64xf32, #tpu.memory_space<vmem>> -> memref<26x64xf32, #tpu.memory_space<vmem>>
        %dma_start3A_1314 = arith.constant 0 : i32
        %dma_start3A_1315 = tpu.memref_slice %arg5[%add3A_1308, %dma_start3A_1314] : memref<512x26xi32, #tpu.memory_space<vmem>> -> memref<1x26xi32, #tpu.memory_space<vmem>>
        %dma_start3A_1316 = tpu.memref_squeeze %dma_start3A_1315 : memref<1x26xi32, #tpu.memory_space<vmem>> -> memref<26xi32, #tpu.memory_space<vmem>>
        %dma_start3A_1317 = arith.constant 0 : i32
        %dma_start3A_1318 = arith.constant 0 : i32
        %dma_start3A_1319 = tpu.memref_slice %arg3[%dma_start3A_1317, %dma_start3A_1318] : memref<2000000x64xf32, #tpu.memory_space<hbm>> -> memref<2000000x64xf32, #tpu.memory_space<hbm>>
        tpu.enqueue_indirect_dma source(%dma_start3A_1319 : memref<2000000x64xf32, #tpu.memory_space<hbm>>) target(%dma_start3A_1313 : memref<26x64xf32, #tpu.memory_space<vmem>>) offsets(%dma_start3A_1316 : memref<26xi32, #tpu.memory_space<vmem>>) semaphore(%arg7 : memref<!tpu.dma_semaphore, #tpu.memory_space<semaphore_mem>>)
        %mul3A_1320 = arith.constant 32 : i32
        %mul3A_1321 = arith.muli %add3A_853, %mul3A_1320 : i32
        %add3A_1322 = arith.constant 31 : i32
        %add3A_1323 = arith.addi %mul3A_1321, %add3A_1322 : i32
        %dma_start3A_1324 = arith.constant 31 : i32
        %dma_start3A_1325 = arith.constant 0 : i32
        %dma_start3A_1326 = arith.constant 0 : i32
        %dma_start3A_1327 = tpu.memref_slice %arg6[%sub3A_854, %dma_start3A_1324, %dma_start3A_1325, %dma_start3A_1326] : memref<2x32x26x64xf32, #tpu.memory_space<vmem>> -> memref<1x1x26x64xf32, #tpu.memory_space<vmem>>
        %dma_start3A_1328 = tpu.memref_squeeze %dma_start3A_1327 : memref<1x1x26x64xf32, #tpu.memory_space<vmem>> -> memref<26x64xf32, #tpu.memory_space<vmem>>
        %dma_start3A_1329 = arith.constant 0 : i32
        %dma_start3A_1330 = tpu.memref_slice %arg5[%add3A_1323, %dma_start3A_1329] : memref<512x26xi32, #tpu.memory_space<vmem>> -> memref<1x26xi32, #tpu.memory_space<vmem>>
        %dma_start3A_1331 = tpu.memref_squeeze %dma_start3A_1330 : memref<1x26xi32, #tpu.memory_space<vmem>> -> memref<26xi32, #tpu.memory_space<vmem>>
        %dma_start3A_1332 = arith.constant 0 : i32
        %dma_start3A_1333 = arith.constant 0 : i32
        %dma_start3A_1334 = tpu.memref_slice %arg3[%dma_start3A_1332, %dma_start3A_1333] : memref<2000000x64xf32, #tpu.memory_space<hbm>> -> memref<2000000x64xf32, #tpu.memory_space<hbm>>
        tpu.enqueue_indirect_dma source(%dma_start3A_1334 : memref<2000000x64xf32, #tpu.memory_space<hbm>>) target(%dma_start3A_1328 : memref<26x64xf32, #tpu.memory_space<vmem>>) offsets(%dma_start3A_1331 : memref<26xi32, #tpu.memory_space<vmem>>) semaphore(%arg7 : memref<!tpu.dma_semaphore, #tpu.memory_space<semaphore_mem>>)
      } else {
      }
      %mul3A_833 = arith.constant 32 : i32
      %mul3A_834 = arith.muli %scan3A_439, %mul3A_833 : i32
      %add3A_835 = arith.addi %mul3A_2, %mul3A_834 : i32
      %dma_start3A_836 = arith.constant 0 : i32
      %dma_start3A_837 = arith.constant 0 : i32
      %dma_start3A_838 = arith.constant 0 : i32
      %dma_start3A_839 = tpu.memref_slice %arg6[%rem3A_440, %dma_start3A_836, %dma_start3A_837, %dma_start3A_838] : memref<2x32x26x64xf32, #tpu.memory_space<vmem>> -> memref<1x32x26x64xf32, #tpu.memory_space<vmem>>
      %dma_start3A_840 = tpu.memref_squeeze %dma_start3A_839 : memref<1x32x26x64xf32, #tpu.memory_space<vmem>> -> memref<32x26x64xf32, #tpu.memory_space<vmem>>
      %dma_start3A_841 = arith.constant 0 : i32
      %dma_start3A_842 = arith.constant 0 : i32
      %dma_start3A_843 = tpu.memref_slice %arg4[%add3A_835, %dma_start3A_841, %dma_start3A_842] : memref<16384x26x64xf32, #tpu.memory_space<hbm>> -> memref<32x26x64xf32, #tpu.memory_space<hbm>>
      %dma_start3A_844 = arith.constant 0 : i32
      %dma_start3A_845 = arith.constant 0 : i32
      %dma_start3A_846 = tpu.memref_slice %arg4[%add3A_835, %dma_start3A_844, %dma_start3A_845] : memref<16384x26x64xf32, #tpu.memory_space<hbm>> -> memref<32x26x64xf32, #tpu.memory_space<hbm>>
      %dma_start3A_847 = arith.constant 0 : i32
      %dma_start3A_848 = arith.constant 0 : i32
      %dma_start3A_849 = arith.constant 0 : i32
      %dma_start3A_850 = tpu.memref_slice %arg6[%rem3A_440, %dma_start3A_847, %dma_start3A_848, %dma_start3A_849] : memref<2x32x26x64xf32, #tpu.memory_space<vmem>> -> memref<1x32x26x64xf32, #tpu.memory_space<vmem>>
      %dma_start3A_851 = tpu.memref_squeeze %dma_start3A_850 : memref<1x32x26x64xf32, #tpu.memory_space<vmem>> -> memref<32x26x64xf32, #tpu.memory_space<vmem>>
      tpu.enqueue_dma source(%dma_start3A_851 : memref<32x26x64xf32, #tpu.memory_space<vmem>>) target(%dma_start3A_846 : memref<32x26x64xf32, #tpu.memory_space<hbm>>) target_semaphore(%arg8 : memref<!tpu.dma_semaphore, #tpu.memory_space<semaphore_mem>>)
    }
    %scan3A_422 = arith.constant 16 : i32
    %dma_wait3A = arith.constant 1 : i32
    %dma_wait3A_423 = arith.constant 0 : i32
    %dma_wait3A_424 = arith.constant 0 : i32
    %dma_wait3A_425 = arith.constant 0 : i32
    %dma_wait3A_426 = tpu.memref_slice %arg6[%dma_wait3A, %dma_wait3A_423, %dma_wait3A_424, %dma_wait3A_425] : memref<2x32x26x64xf32, #tpu.memory_space<vmem>> -> memref<1x32x26x64xf32, #tpu.memory_space<vmem>>
    %dma_wait3A_427 = tpu.memref_squeeze %dma_wait3A_426 : memref<1x32x26x64xf32, #tpu.memory_space<vmem>> -> memref<32x26x64xf32, #tpu.memory_space<vmem>>
    %dma_wait3A_428 = arith.constant 0 : i32
    %dma_wait3A_429 = arith.constant 0 : i32
    %dma_wait3A_430 = tpu.memref_slice %arg4[%mul3A_2, %dma_wait3A_428, %dma_wait3A_429] : memref<16384x26x64xf32, #tpu.memory_space<hbm>> -> memref<32x26x64xf32, #tpu.memory_space<hbm>>
    %dma_wait3A_431 = arith.constant 0 : i32
    %dma_wait3A_432 = arith.constant 0 : i32
    %dma_wait3A_433 = tpu.memref_slice %arg4[%mul3A_2, %dma_wait3A_431, %dma_wait3A_432] : memref<16384x26x64xf32, #tpu.memory_space<hbm>> -> memref<32x26x64xf32, #tpu.memory_space<hbm>>
    %dma_wait3A_434 = arith.constant 0 : i32
    %dma_wait3A_435 = arith.constant 0 : i32
    %dma_wait3A_436 = arith.constant 0 : i32
    %dma_wait3A_437 = tpu.memref_slice %arg6[%dma_wait3A, %dma_wait3A_434, %dma_wait3A_435, %dma_wait3A_436] : memref<2x32x26x64xf32, #tpu.memory_space<vmem>> -> memref<1x32x26x64xf32, #tpu.memory_space<vmem>>
    %dma_wait3A_438 = tpu.memref_squeeze %dma_wait3A_437 : memref<1x32x26x64xf32, #tpu.memory_space<vmem>> -> memref<32x26x64xf32, #tpu.memory_space<vmem>>
    tpu.wait_dma2 semaphore(%arg8 : memref<!tpu.dma_semaphore, #tpu.memory_space<semaphore_mem>>) src(%dma_wait3A_438 : memref<32x26x64xf32, #tpu.memory_space<vmem>>) dst(%dma_wait3A_433 : memref<32x26x64xf32, #tpu.memory_space<hbm>>)
    return
  }
}

</mosaic_0001>

<sc_bundles>
// kernel: kernel.3.cloned.1.call-start
scs
__scs_entry_jumppad:
0x0: {  	(pc) =	sbr.rel $0x88, $3  }
0x1: {  	(tag) =	ssettag $0x0;
	lr =	simm.s32 $0x1  }
0x2: {  	[smem:$0x3F9F] =	sst lr;
	_ =	strace $0xD0000000  }
0x3: {  	_ = 	snop  }
0x4: {  	_ = 	snop  }
0x5: {  	_ = 	snop  }
0x6: {  	_ = 	snop  }
0x7: {  	_ = 	snop  }
__scs_overlays_trampoline_lowered:
0x8: {  	[smem:$0x3FAE] =	sst s0  }
0x9: {  	[smem:$0x3FAF] =	sst s1  }
0xa: {  	[smem:$0x3FB0] =	sst s2  }
0xb: {  	[smem:$0x3FB1] =	sst s3  }
0xc: {  	[smem:$0x3FB2] =	sst s4  }
0xd: {  	[smem:$0x3FB3] =	sst s5  }
0xe: {  	[smem:$0x3FB4] =	sst s6  }
0xf: {  	[smem:$0x3FB5] =	sst s7  }
0x10: {  	[smem:$0x3FB6] =	sst s8  }
0x11: {  	[smem:$0x3FB7] =	sst s9;
	s0 =	simm.s32 @!p0 $0x0  }
0x12: {  	s1 =	sld [smem:$0x3F9D];
	s0 =	simm.s32 @p0 $0x1  }
0x13: {  	[smem:$0x3FB8] =	sst s0;
	s0 =	simm.s32 @!p1 $0x0  }
0x14: {  	s2 =	sld [smem:$0x3F9C];
	s0 =	simm.s32 @p1 $0x1  }
0x15: {  	[smem:$0x3FB9] =	sst s0;
	s0 =	simm.s32 @!p2 $0x0  }
0x16: {  	s3 =	sld [smem:$0x3FDB];
	s0 =	simm.s32 @p2 $0x1  }
0x17: {  	s4 =	simm.s32 $0x1BF5;
	[smem:$0x3FBB] =	sst s0  }
0x18: {  	s0 =	sld [smem:$0x3F9E];
	_ =	swait.ge [sflag:s4], $0x0  }
0x19: {  	s7 =	sld [smem:$0x3F9F]  }
0x1a: {  	s8 =	sadd.s32 $0xFFFFE003, lr  }
0x1b: {  	s9 =	sadd.s32 $0xFFFFFEF7, lr;
	s5 =	simm.s32 $0xFFFFFFFF;
	p2 =	slt.u32 s8, $0xFFFFF086  }
0x1c: {  	p1 =	slt.u32 s9, $0xF7A;
	s5 =	simm.s32 @!p2 $0x0  }
0x1d: {  	s5 =	simm.s32 @p1 $0x1;
	p0 =	seq.s32 s7, s2  }
0x1e: {  	s7 =	smul.u32 @!p0 $0xF7A, s2;
	p2 =	seq.s32 @!p0 s5, $0x0  }
0x1f: {  	s9 =	smul.u32 $0xF7A, s1;
	s8 =	simm.s32 @!p0 $0x1BF5;
	p2 =	por !p2, p0  }
0x20: {  	[sflag:s8] =	ssyncset.s32 @!p0 $0xFFFFF086;
	s6 =	sadd.s32 @!p0 s3, s7;
	s7 =	simm.s32 @!p0 $0x108  }
0x21: {  	s3 =	sadd.s32 s3, s9;
	s6 =	sadd.s32 @!p0 $0x88, s6;
	s7 =	simm.s32 @p2 $0x1082  }
0x22: {  	[simem:s7], [sflag:s8] =	dma.local @!p0 [hbm:s6], $0xF7A  }
0x23: {  	s9 =	sor.u32 $0xD0000000, s2;
	s6 =	simm.s32 $0x108;
	_ =	swait.ge @!p0 [sflag:s8], $0x0  }
0x24: {  	s3 =	sadd.s32 $0x88, s3;
	s6 =	simm.s32 @!p1 $0x1082;
	[sflag:s4] =	ssyncset.s32 $0xFFFFF086  }
0x25: {  	[simem:s6], [sflag:s4] =	dma.local [hbm:s3], $0xF7A  }
0x26: {  	[smem:$0x3F9F] =	sst s1;
	(tag) =	ssettag s2;
	_ =	strace s9  }
0x27: {  	s1 =	sld [smem:$0x3FAF]  }
0x28: {  	s2 =	sld [smem:$0x3FB0]  }
0x29: {  	s4 =	sld [smem:$0x3FB2]  }
0x2a: {  	p0 =	seq.s32 s5, $0x0;
	s5 =	sld [smem:$0x3FB3]  }
0x2b: {  	s6 =	sld [smem:$0x3FB4]  }
0x2c: {  	s7 =	sld [smem:$0x3FB5]  }
0x2d: {  	s3 =	simm.s32 $0x108;
	s8 =	sld [smem:$0x3FB6]  }
0x2e: {  	s3 =	simm.s32 @!p0 $0x1082;
	s9 =	sld [smem:$0x3FB7]  }
0x2f: {  	lr =	sadd.s32 s0, s3;
	s0 =	sld [smem:$0x3FAE]  }
0x30: {  	s3 =	sld [smem:$0x3FB1]  }
0x31: {  	[smem:$0x3FBA] =	sst s10  }
0x32: {  	s10 =	sld [smem:$0x3FB8];
	_ =	sdelay $0x3  }
0x33: {  	p0 =	seq.s32 s10, $0x1;
	s10 =	sld [smem:$0x3FBA];
	_ =	sdelay $0x3  }
0x34: {  	[smem:$0x3FBA] =	sst s10  }
0x35: {  	s10 =	sld [smem:$0x3FB9];
	_ =	sdelay $0x3  }
0x36: {  	p1 =	seq.s32 s10, $0x1;
	s10 =	sld [smem:$0x3FBA];
	_ =	sdelay $0x3  }
0x37: {  	[smem:$0x3FBA] =	sst s10  }
0x38: {  	s10 =	sld [smem:$0x3FBB]  }
0x39: {  	_ = 	snop;
	(pc) =	sbr.ind lr, $3  }
0x3a: {  	_ = 	snop  }
0x3b: {  	_ = 	snop  }
0x3c: {  	p2 =	seq.s32 s10, $0x1;
	s10 =	sld [smem:$0x3FBA]  }
0x3d: {  	_ =	shalt  }
0x3e: {  	_ =	shalt  }
0x3f: {  	_ =	shalt  }
0x40: {  	_ =	shalt  }
0x41: {  	_ =	shalt  }
0x42: {  	_ =	shalt  }
0x43: {  	_ =	shalt  }
0x44: {  	_ =	shalt  }
0x45: {  	_ =	shalt  }
0x46: {  	_ =	shalt  }
0x47: {  	_ =	shalt  }
0x48: {  	_ =	shalt  }
0x49: {  	_ =	shalt  }
0x4a: {  	_ =	shalt  }
0x4b: {  	_ =	shalt  }
0x4c: {  	_ =	shalt  }
0x4d: {  	_ =	shalt  }
0x4e: {  	_ =	shalt  }
0x4f: {  	_ =	shalt  }
0x50: {  	_ =	shalt  }
0x51: {  	_ =	shalt  }
0x52: {  	_ =	shalt  }
0x53: {  	_ =	shalt  }
0x54: {  	_ =	shalt  }
0x55: {  	_ =	shalt  }
0x56: {  	_ =	shalt  }
0x57: {  	_ =	shalt  }
0x58: {  	_ =	shalt  }
0x59: {  	_ =	shalt  }
0x5a: {  	_ =	shalt  }
0x5b: {  	_ =	shalt  }
0x5c: {  	_ =	shalt  }
0x5d: {  	_ =	shalt  }
0x5e: {  	_ =	shalt  }
0x5f: {  	_ =	shalt  }
0x60: {  	_ =	shalt  }
0x61: {  	_ =	shalt  }
0x62: {  	_ =	shalt  }
0x63: {  	_ =	shalt  }
0x64: {  	_ =	shalt  }
0x65: {  	_ =	shalt  }
0x66: {  	_ =	shalt  }
0x67: {  	_ =	shalt  }
0x68: {  	_ =	shalt  }
0x69: {  	_ =	shalt  }
0x6a: {  	_ =	shalt  }
0x6b: {  	_ =	shalt  }
0x6c: {  	_ =	shalt  }
0x6d: {  	_ =	shalt  }
0x6e: {  	_ =	shalt  }
0x6f: {  	_ =	shalt  }
0x70: {  	_ =	shalt  }
0x71: {  	_ =	shalt  }
0x72: {  	_ =	shalt  }
0x73: {  	_ =	shalt  }
0x74: {  	_ =	shalt  }
0x75: {  	_ =	shalt  }
0x76: {  	_ =	shalt  }
0x77: {  	_ =	shalt  }
0x78: {  	_ =	shalt  }
0x79: {  	_ =	shalt  }
0x7a: {  	_ =	shalt  }
0x7b: {  	_ =	shalt  }
0x7c: {  	_ =	shalt  }
0x7d: {  	_ =	shalt  }
0x7e: {  	_ =	shalt  }
0x7f: {  	_ =	shalt  }
0x80: {  	_ =	shalt  }
0x81: {  	_ =	shalt  }
0x82: {  	_ =	shalt  }
0x83: {  	_ =	shalt  }
0x84: {  	_ =	shalt  }
0x85: {  	_ =	shalt  }
0x86: {  	_ =	shalt  }
0x87: {  	_ =	shalt  }
.Lfunc_end0:
.L_simem_size_0:
called_computation.2_lowered:
.L_overlay_start_0:
0x88: {  	s2 =	sld [smem:$0x3FD9]  }
0x89: {  	s3 =	sld [smem:$0x3FFE];
	_ =	sdelay $0x1  }
0x8a: {  	s1 =	srdreg.scid  }
0x8b: {  	s0 =	sand.u32 $0x1, s1  }
0x8c: {  	s17 =	sshll.u32 s0, $0xA;
	s2 =	sadd.s32 s3, s2  }
0x8d: {  	s2 =	sadd.s32 s2, s17  }
0x8e: {  	[smem:$0x3FC6] =	sst s2  }
0x8f: {  	_ = 	snop  }
0x90: {  	s2 =	sld [smem:$0x3FD0];
	(tm) =	ssettm $0x1  }
0x91: {  	s18 =	sld [smem:$0x3FFB];
	_ =	sdelay $0x3  }
0x92: {  	_ =	strace s18  }
0x93: {  	s3 =	sld [smem:$0x3FFC];
	_ =	sdelay $0x3  }
0x94: {  	_ =	strace s3  }
0x95: {  	s3 =	sld [smem:$0x3FFD];
	_ =	sdelay $0x3  }
0x96: {  	_ =	strace s3  }
0x97: {  	_ =	strace $0x8FFFFFFF  }
0x98: {  	s19 =	sld [smem:$0x3FDB];
	_ =	sdelay $0x1  }
0x99: {  	s4 =	simm.s32 $_scs_section_size  }
0x9a: {  	s5 =	simm.s32 $_size__tile_overlayer_lowered;
	s6 =	simm.s32 $_tile_overlayer_lowered  }
0x9b: {  	s22 =	simm.s32 $0x1BFF;
	s21 =	sshll.u32 s6, $0x1;
	s3 =	sadd.s32 s4, s19  }
0x9c: {  	s7 =	simm.s32 $0x0;
	s20 =	sshll.u32 s5, $0x1;
	s5 =	sadd.s32 s21, s3  }
0x9d: {  	[timem:s7], [sflag:s22] =	dma.local [hbm:s5], s20  }
0x9e: {  	_ =	swait.ge [sflag:s22], s20  }
0x9f: {  	s4 =	ssub.s32 $0x0, s20;
	[sflag:s22] =	ssyncset.done $0x0  }
0xa0: {  	[sflag:s22] =	ssyncadd.s32 s4;
	_ =	sdelay $0x1  }
0xa1: {  	s23 =	simm.s32 $0x1B8B  }
0xa2: {  	_ =	swait.ge [sflag:s23], $0x1  }
0xa3: {  	[sflag:s23] =	ssyncset.done $0x0  }
0xa4: {  	s25 =	simm.s32 $0x1B8E;
	s24 =	sld [smem:$0x3FFE];
	[sflag:s23] =	ssyncadd.s32 $0xFFFFFFFF  }
0xa5: {  	s26 =	simm.s32 $execute0_lowered;
	[smem:$0x3FD2] =	sst s25  }
0xa6: {  	s5 =	sshll.u32 s26, $0x1;
	_ =	strace $0x80000049;
	[dreg:$0x1] =	wrdreg $0xFFFFFFFF  }
0xa7: {  	s28 =	simm.s32 $_size_execute0_lowered;
	s3 =	sadd.s32 s3, s5;
	[dreg:$0x0] =	wrdreg $0x0  }
0xa8: {  	s5 =	sshll.u32 s28, $0x1;
	[dreg:$0x2] =	wrdreg s3  }
0xa9: {  	[dreg:$0x3] =	wrdreg s5  }
0xaa: {  	[dreg:$0x4] =	wrdreg $0xC0  }
0xab: {  	_ =	task [dreg:s7], $0x5FFFF  }
0xac: {  	[dreg:$0x1] =	wrdreg $0xFFFFFFFF  }
0xad: {  	[dreg:$0x0] =	wrdreg $0x60  }
0xae: {  	[dreg:$0x2] =	wrdreg s24  }
0xaf: {  	[dreg:$0x3] =	wrdreg s2  }
0xb0: {  	[dreg:$0x4] =	wrdreg $0x9  }
0xb1: {  	_ =	task.clear_ibuf [dreg:s7], $0x5FFFF;
	_ =	strace $0x90000049  }
0xb2: {  	s29 =	simm.s32 $0x9;
	_ =	strace $0x8000004B  }
0xb3: {  	_ =	swait.ge [sflag:s29], $0x1  }
0xb4: {  	[sflag:s29] =	ssyncadd.s32 $0xFFFFFFFF  }
0xb5: {  	_ =	strace $0x9000004B  }
0xb6: {  	_ =	sfence  }
0xb7: {  	s30 =	sld [smem:$0x0];
	_ =	sdelay $0x2  }
0xb8: {  	s31 =	sshll.u32 s1, $0xD;
	s1 =	sshrl.u32 s1, $0x2  }
0xb9: {  	s3 =	sand.u32 $0x4000, s31;
	s1 =	sadd.s32 s1, s30  }
0xba: {  	s0 =	sor.u32 s3, s0;
	s1 =	sshll.u32 s1, $0x11  }
0xbb: {  	s0 =	sor.u32 s1, s0  }
0xbc: {  	s0 =	sadd.s32 $0x8F2B, s0  }
0xbd: {  	[sflag:s0] =	ssyncadd.remote.s32 $0x1  }
0xbe: {  	_ =	sfence.sel $0xFFFF  }
0xbf: {  	[dreg:$0x0] =	wrdreg $0xFFFFFFFF;
	(pc) =	sbr.abs _section_cstart, $3  }
0xc0: {  	[dreg:$0x1] =	wrdreg $0xFFFFFFFF  }
0xc1: {  	_ =	task.clear_ibuf [dreg:s7], $0x2FFFF;
	_ =	strace $0x9FFFFFFF  }
0xc2: {  	(tm) =	ssettm $0x7FFFFFFF  }
0xc3: {  	_ =	shalt  }
tec
execute0_lowered:
.L_overlay_start_1:
0x0: {  	(tag) =	ssettag $0x1  }
0x1: {  	s0 =	srdreg.scid;
	s1 =	rddreg [dreg:$0x0]  }
0x2: {  	s3 =	stileid.u32;
	s2 =	rddreg [dreg:$0x1];
	s8 =	simm.s32 $0x3  }
0x3: {  	s9 =	simm.s32 $0x1A;
	s14 =	simm.s32 $0xE280;
	s15 =	simm.s32 $0x340  }
0x4: {  	s16 =	simm.s32 $0xE900;
	s17 =	simm.s32 $0x360;
	s18 =	simm.s32 $0xEF80  }
0x5: {  	s19 =	simm.s32 $0x380;
	s20 =	simm.s32 $0xF600;
	s21 =	simm.s32 $0x3A0  }
0x6: {  	s22 =	simm.s32 $0xFC80;
	s23 =	simm.s32 $0x3C0;
	s24 =	simm.s32 $0x10300  }
0x7: {  	s25 =	simm.s32 $0x3E0;
	s26 =	simm.s32 $0x10980;
	s28 =	simm.s32 $0x1  }
0x8: {  	s29 =	simm.s32 $0x2;
	s30 =	simm.s32 $0x0;
	s0 =	sand.u32 $0x1, s0  }
.Ltmp0:
0x9: {  	s4 =	sshll.u32 s3, $0xA;
	s5 =	sshll.u32 s0, $0x9;
	(pc) =	sbr.rel .LBB2_1-.Ltmp0, $4  }
0xa: {  	s3 =	simm.s32 $0x0;
	s0 =	ssub.s32 $0x2, s0;
	s4 =	sor.u32 s5, s4  }
0xb: {  	[smem:$0x7FF] =	sst s3;
	s7 =	sshrl.u32 s0, $0x1;
	s5 =	sshll.u32 s4, $0x2  }
0xc: {  	_ =	strace $0x8000004A;
	s0 =	ssub.s32 s0, s7;
	s6 =	sadd.s32 s5, s1  }
0xd: {  	s5 =	sadd.s32 $0xF53200, s1;
	s7 =	smax.u32 s0, $0x1;
	s6 =	sadd.s32 $0xF43200, s6  }
.LBB2_5:
0xe: {  	s30 =	sadd.s32 $0x1, s30  }
0xf: {  	p0 =	sne.s32 s30, s7  }
.Ltmp1:
0x10: {  	_ = 	snop;
	(pc) =	sbr.rel @!p0 .LBB2_6-.Ltmp1, $4  }
0x11: {  	_ = 	snop  }
0x12: {  	_ =	swait.ge [sflag:s29], $0xD000  }
0x13: {  	[sflag:s29] =	ssyncset.done $0x0  }
0x14: {  	[sflag:s29] =	ssyncadd.s32 $0xFFFF3000  }
.LBB2_1:
0x15: {  	[tilespmem:s3], [sflag:$0x3] =	stream.linear.gather [hbm4b:s6+s3], $0x4000, $0x38;
	[tilespmem:$0x1E000] =	vst v63  }
0x16: {  	_ =	swait.ge [sflag:s8], $0x4000  }
0x17: {  	[sflag:s8] =	ssyncset.done $0x0  }
0x18: {  	s0 =	simm.s32 $0x4000;
	[sflag:s8] =	ssyncadd.s32 $0xFFFFC000  }
0x19: {  	[tilespmem:s0], [sflag:$0x1] =	stream.indirect.gather [hbm4b:s5+s9], $0x40, s3, s9, $0xb8;
	[tilespmem:$0x1E000] =	vst v63  }
0x1a: {  	s31 =	simm.s32 $0x20;
	s1 =	simm.s32 $0x4680  }
0x1b: {  	[tilespmem:s1], [sflag:$0x1] =	stream.indirect.gather [hbm4b:s5+s9], $0x40, s31, s9, $0xb8;
	[tilespmem:$0x1E000] =	vst v63  }
0x1c: {  	s10 =	simm.s32 $0x4D00;
	s1 =	simm.s32 $0x40  }
0x1d: {  	[tilespmem:s10], [sflag:$0x1] =	stream.indirect.gather [hbm4b:s5+s9], $0x40, s1, s9, $0xb8;
	[tilespmem:$0x1E000] =	vst v63  }
0x1e: {  	s11 =	simm.s32 $0x60;
	s12 =	simm.s32 $0x5380  }
0x1f: {  	[tilespmem:s12], [sflag:$0x1] =	stream.indirect.gather [hbm4b:s5+s9], $0x40, s11, s9, $0xb8;
	[tilespmem:$0x1E000] =	vst v63  }
0x20: {  	s13 =	simm.s32 $0x80;
	s31 =	simm.s32 $0x5A00  }
0x21: {  	[tilespmem:s31], [sflag:$0x1] =	stream.indirect.gather [hbm4b:s5+s9], $0x40, s13, s9, $0xb8;
	[tilespmem:$0x1E000] =	vst v63  }
0x22: {  	s1 =	simm.s32 $0xA0;
	s10 =	simm.s32 $0x6080  }
0x23: {  	[tilespmem:s10], [sflag:$0x1] =	stream.indirect.gather [hbm4b:s5+s9], $0x40, s1, s9, $0xb8;
	[tilespmem:$0x1E000] =	vst v63  }
0x24: {  	s11 =	simm.s32 $0xC0;
	s12 =	simm.s32 $0x6700  }
0x25: {  	[tilespmem:s12], [sflag:$0x1] =	stream.indirect.gather [hbm4b:s5+s9], $0x40, s11, s9, $0xb8;
	[tilespmem:$0x1E000] =	vst v63  }
0x26: {  	s13 =	simm.s32 $0xE0;
	s31 =	simm.s32 $0x6D80  }
0x27: {  	[tilespmem:s31], [sflag:$0x1] =	stream.indirect.gather [hbm4b:s5+s9], $0x40, s13, s9, $0xb8;
	[tilespmem:$0x1E000] =	vst v63  }
0x28: {  	s1 =	simm.s32 $0x100;
	s10 =	simm.s32 $0x7400  }
0x29: {  	[tilespmem:s10], [sflag:$0x1] =	stream.indirect.gather [hbm4b:s5+s9], $0x40, s1, s9, $0xb8;
	[tilespmem:$0x1E000] =	vst v63  }
0x2a: {  	s11 =	simm.s32 $0x120;
	s12 =	simm.s32 $0x7A80  }
0x2b: {  	[tilespmem:s12], [sflag:$0x1] =	stream.indirect.gather [hbm4b:s5+s9], $0x40, s11, s9, $0xb8;
	[tilespmem:$0x1E000] =	vst v63  }
0x2c: {  	s13 =	simm.s32 $0x140;
	s31 =	simm.s32 $0x8100  }
0x2d: {  	[tilespmem:s31], [sflag:$0x1] =	stream.indirect.gather [hbm4b:s5+s9], $0x40, s13, s9, $0xb8;
	[tilespmem:$0x1E000] =	vst v63  }
0x2e: {  	s1 =	simm.s32 $0x160;
	s10 =	simm.s32 $0x8780  }
0x2f: {  	[tilespmem:s10], [sflag:$0x1] =	stream.indirect.gather [hbm4b:s5+s9], $0x40, s1, s9, $0xb8;
	[tilespmem:$0x1E000] =	vst v63  }
0x30: {  	s11 =	simm.s32 $0x180;
	s12 =	simm.s32 $0x8E00  }
0x31: {  	[tilespmem:s12], [sflag:$0x1] =	stream.indirect.gather [hbm4b:s5+s9], $0x40, s11, s9, $0xb8;
	[tilespmem:$0x1E000] =	vst v63  }
0x32: {  	s13 =	simm.s32 $0x1A0;
	s31 =	simm.s32 $0x9480  }
0x33: {  	[tilespmem:s31], [sflag:$0x1] =	stream.indirect.gather [hbm4b:s5+s9], $0x40, s13, s9, $0xb8;
	[tilespmem:$0x1E000] =	vst v63  }
0x34: {  	s1 =	simm.s32 $0x1C0;
	s10 =	simm.s32 $0x9B00  }
0x35: {  	[tilespmem:s10], [sflag:$0x1] =	stream.indirect.gather [hbm4b:s5+s9], $0x40, s1, s9, $0xb8;
	[tilespmem:$0x1E000] =	vst v63  }
0x36: {  	s11 =	simm.s32 $0x1E0;
	s12 =	simm.s32 $0xA180  }
0x37: {  	[tilespmem:s12], [sflag:$0x1] =	stream.indirect.gather [hbm4b:s5+s9], $0x40, s11, s9, $0xb8;
	[tilespmem:$0x1E000] =	vst v63  }
0x38: {  	s13 =	simm.s32 $0x200;
	s31 =	simm.s32 $0xA800  }
0x39: {  	[tilespmem:s31], [sflag:$0x1] =	stream.indirect.gather [hbm4b:s5+s9], $0x40, s13, s9, $0xb8;
	[tilespmem:$0x1E000] =	vst v63  }
0x3a: {  	s1 =	simm.s32 $0x220;
	s10 =	simm.s32 $0xAE80  }
0x3b: {  	[tilespmem:s10], [sflag:$0x1] =	stream.indirect.gather [hbm4b:s5+s9], $0x40, s1, s9, $0xb8;
	[tilespmem:$0x1E000] =	vst v63  }
0x3c: {  	s11 =	simm.s32 $0x240;
	s12 =	simm.s32 $0xB500  }
0x3d: {  	[tilespmem:s12], [sflag:$0x1] =	stream.indirect.gather [hbm4b:s5+s9], $0x40, s11, s9, $0xb8;
	[tilespmem:$0x1E000] =	vst v63  }
0x3e: {  	s13 =	simm.s32 $0x260;
	s31 =	simm.s32 $0xBB80  }
0x3f: {  	[tilespmem:s31], [sflag:$0x1] =	stream.indirect.gather [hbm4b:s5+s9], $0x40, s13, s9, $0xb8;
	[tilespmem:$0x1E000] =	vst v63  }
0x40: {  	s1 =	simm.s32 $0x280;
	s10 =	simm.s32 $0xC200  }
0x41: {  	[tilespmem:s10], [sflag:$0x1] =	stream.indirect.gather [hbm4b:s5+s9], $0x40, s1, s9, $0xb8;
	[tilespmem:$0x1E000] =	vst v63  }
0x42: {  	s11 =	simm.s32 $0x2A0;
	s12 =	simm.s32 $0xC880  }
0x43: {  	[tilespmem:s12], [sflag:$0x1] =	stream.indirect.gather [hbm4b:s5+s9], $0x40, s11, s9, $0xb8;
	[tilespmem:$0x1E000] =	vst v63  }
0x44: {  	s13 =	simm.s32 $0x2C0;
	s31 =	simm.s32 $0xCF00  }
0x45: {  	[tilespmem:s31], [sflag:$0x1] =	stream.indirect.gather [hbm4b:s5+s9], $0x40, s13, s9, $0xb8;
	[tilespmem:$0x1E000] =	vst v63  }
0x46: {  	s10 =	simm.s32 $0x2E0;
	s11 =	simm.s32 $0xD580  }
0x47: {  	[tilespmem:s11], [sflag:$0x1] =	stream.indirect.gather [hbm4b:s5+s9], $0x40, s10, s9, $0xb8;
	[tilespmem:$0x1E000] =	vst v63  }
0x48: {  	s12 =	simm.s32 $0x300;
	s13 =	simm.s32 $0xDC00  }
0x49: {  	[tilespmem:s13], [sflag:$0x1] =	stream.indirect.gather [hbm4b:s5+s9], $0x40, s12, s9, $0xb8;
	[tilespmem:$0x1E000] =	vst v63  }
0x4a: {  	s31 =	simm.s32 $0x320  }
0x4b: {  	[tilespmem:s14], [sflag:$0x1] =	stream.indirect.gather [hbm4b:s5+s9], $0x40, s31, s9, $0xb8;
	[tilespmem:$0x1E000] =	vst v63  }
0x4c: {  	_ = 	snop  }
0x4d: {  	[tilespmem:s16], [sflag:$0x1] =	stream.indirect.gather [hbm4b:s5+s9], $0x40, s15, s9, $0xb8;
	[tilespmem:$0x1E000] =	vst v63  }
0x4e: {  	_ = 	snop  }
0x4f: {  	[tilespmem:s18], [sflag:$0x1] =	stream.indirect.gather [hbm4b:s5+s9], $0x40, s17, s9, $0xb8;
	[tilespmem:$0x1E000] =	vst v63  }
0x50: {  	_ = 	snop  }
0x51: {  	[tilespmem:s20], [sflag:$0x1] =	stream.indirect.gather [hbm4b:s5+s9], $0x40, s19, s9, $0xb8;
	[tilespmem:$0x1E000] =	vst v63  }
0x52: {  	_ = 	snop  }
0x53: {  	[tilespmem:s22], [sflag:$0x1] =	stream.indirect.gather [hbm4b:s5+s9], $0x40, s21, s9, $0xb8;
	[tilespmem:$0x1E000] =	vst v63  }
.Ltmp2:
0x54: {  	_ = 	snop;
	(pc) =	sbr.rel .LBB2_2-.Ltmp2, $4  }
0x55: {  	_ = 	snop  }
0x56: {  	[tilespmem:s24], [sflag:$0x1] =	stream.indirect.gather [hbm4b:s5+s9], $0x40, s23, s9, $0xb8;
	[tilespmem:$0x1E000] =	vst v63  }
0x57: {  	s1 =	simm.s32 $0x0  }
0x58: {  	[tilespmem:s26], [sflag:$0x1] =	stream.indirect.gather [hbm4b:s5+s9], $0x40, s25, s9, $0xb8;
	[tilespmem:$0x1E000] =	vst v63  }
.LBB2_4:
0x59: {  	s1 =	sshll.u32 s1, $0x5  }
0x5a: {  	s0 =	smul.u32 $0x34000, s0;
	s1 =	sor.u32 s4, s1  }
0x5b: {  	p0 =	slt.u32 s31, $0x10;
	s1 =	smul.u32 $0xD0, s1  }
.Ltmp3:
0x5c: {  	_ = 	snop;
	(pc) =	sbr.rel @!p0 .LBB2_5-.Ltmp3, $4  }
0x5d: {  	s0 =	sshrl.u32 s0, $0x2  }
0x5e: {  	s0 =	sadd.s32 $0x4000, s0;
	s1 =	sadd.s32 s2, s1  }
0x5f: {  	[hbm4b:s1+s3] =	stream.linear.scatter [tilespmem:s0], [sflag:$0x2], $0xD000, $0x38;
	[tilespmem:$0x1E000] =	vst v63  }
0x60: {  	s1 =	smov.u32 s31  }
.LBB2_2:
0x61: {  	_ =	swait.ge [sflag:s28], $0x680  }
0x62: {  	[sflag:s28] =	ssyncset.done $0x0  }
0x63: {  	[sflag:s28] =	ssyncadd.s32 $0xFFFFF980  }
0x64: {  	_ =	swait.ge [sflag:s28], $0x680  }
0x65: {  	[sflag:s28] =	ssyncset.done $0x0  }
0x66: {  	[sflag:s28] =	ssyncadd.s32 $0xFFFFF980  }
0x67: {  	_ =	swait.ge [sflag:s28], $0x680  }
0x68: {  	[sflag:s28] =	ssyncset.done $0x0  }
0x69: {  	[sflag:s28] =	ssyncadd.s32 $0xFFFFF980  }
0x6a: {  	_ =	swait.ge [sflag:s28], $0x680  }
0x6b: {  	[sflag:s28] =	ssyncset.done $0x0  }
0x6c: {  	[sflag:s28] =	ssyncadd.s32 $0xFFFFF980  }
0x6d: {  	_ =	swait.ge [sflag:s28], $0x680  }
0x6e: {  	[sflag:s28] =	ssyncset.done $0x0  }
0x6f: {  	[sflag:s28] =	ssyncadd.s32 $0xFFFFF980  }
0x70: {  	_ =	swait.ge [sflag:s28], $0x680  }
0x71: {  	[sflag:s28] =	ssyncset.done $0x0  }
0x72: {  	[sflag:s28] =	ssyncadd.s32 $0xFFFFF980  }
0x73: {  	_ =	swait.ge [sflag:s28], $0x680  }
0x74: {  	[sflag:s28] =	ssyncset.done $0x0  }
0x75: {  	[sflag:s28] =	ssyncadd.s32 $0xFFFFF980  }
0x76: {  	_ =	swait.ge [sflag:s28], $0x680  }
0x77: {  	[sflag:s28] =	ssyncset.done $0x0  }
0x78: {  	[sflag:s28] =	ssyncadd.s32 $0xFFFFF980  }
0x79: {  	_ =	swait.ge [sflag:s28], $0x680  }
0x7a: {  	[sflag:s28] =	ssyncset.done $0x0  }
0x7b: {  	[sflag:s28] =	ssyncadd.s32 $0xFFFFF980  }
0x7c: {  	_ =	swait.ge [sflag:s28], $0x680  }
0x7d: {  	[sflag:s28] =	ssyncset.done $0x0  }
0x7e: {  	[sflag:s28] =	ssyncadd.s32 $0xFFFFF980  }
0x7f: {  	_ =	swait.ge [sflag:s28], $0x680  }
0x80: {  	[sflag:s28] =	ssyncset.done $0x0  }
0x81: {  	[sflag:s28] =	ssyncadd.s32 $0xFFFFF980  }
0x82: {  	_ =	swait.ge [sflag:s28], $0x680  }
0x83: {  	[sflag:s28] =	ssyncset.done $0x0  }
0x84: {  	[sflag:s28] =	ssyncadd.s32 $0xFFFFF980  }
0x85: {  	_ =	swait.ge [sflag:s28], $0x680  }
0x86: {  	[sflag:s28] =	ssyncset.done $0x0  }
0x87: {  	[sflag:s28] =	ssyncadd.s32 $0xFFFFF980  }
0x88: {  	_ =	swait.ge [sflag:s28], $0x680  }
0x89: {  	[sflag:s28] =	ssyncset.done $0x0  }
0x8a: {  	[sflag:s28] =	ssyncadd.s32 $0xFFFFF980  }
0x8b: {  	_ =	swait.ge [sflag:s28], $0x680  }
0x8c: {  	[sflag:s28] =	ssyncset.done $0x0  }
0x8d: {  	[sflag:s28] =	ssyncadd.s32 $0xFFFFF980  }
0x8e: {  	_ =	swait.ge [sflag:s28], $0x680  }
0x8f: {  	[sflag:s28] =	ssyncset.done $0x0  }
0x90: {  	[sflag:s28] =	ssyncadd.s32 $0xFFFFF980  }
0x91: {  	_ =	swait.ge [sflag:s28], $0x680  }
0x92: {  	[sflag:s28] =	ssyncset.done $0x0  }
0x93: {  	[sflag:s28] =	ssyncadd.s32 $0xFFFFF980  }
0x94: {  	_ =	swait.ge [sflag:s28], $0x680  }
0x95: {  	[sflag:s28] =	ssyncset.done $0x0  }
0x96: {  	[sflag:s28] =	ssyncadd.s32 $0xFFFFF980  }
0x97: {  	_ =	swait.ge [sflag:s28], $0x680  }
0x98: {  	[sflag:s28] =	ssyncset.done $0x0  }
0x99: {  	[sflag:s28] =	ssyncadd.s32 $0xFFFFF980  }
0x9a: {  	_ =	swait.ge [sflag:s28], $0x680  }
0x9b: {  	[sflag:s28] =	ssyncset.done $0x0  }
0x9c: {  	[sflag:s28] =	ssyncadd.s32 $0xFFFFF980  }
0x9d: {  	_ =	swait.ge [sflag:s28], $0x680  }
0x9e: {  	[sflag:s28] =	ssyncset.done $0x0  }
0x9f: {  	[sflag:s28] =	ssyncadd.s32 $0xFFFFF980  }
0xa0: {  	_ =	swait.ge [sflag:s28], $0x680  }
0xa1: {  	[sflag:s28] =	ssyncset.done $0x0  }
0xa2: {  	[sflag:s28] =	ssyncadd.s32 $0xFFFFF980  }
0xa3: {  	_ =	swait.ge [sflag:s28], $0x680  }
0xa4: {  	[sflag:s28] =	ssyncset.done $0x0  }
0xa5: {  	[sflag:s28] =	ssyncadd.s32 $0xFFFFF980  }
0xa6: {  	_ =	swait.ge [sflag:s28], $0x680  }
0xa7: {  	[sflag:s28] =	ssyncset.done $0x0  }
0xa8: {  	[sflag:s28] =	ssyncadd.s32 $0xFFFFF980  }
0xa9: {  	_ =	swait.ge [sflag:s28], $0x680  }
0xaa: {  	[sflag:s28] =	ssyncset.done $0x0  }
0xab: {  	[sflag:s28] =	ssyncadd.s32 $0xFFFFF980  }
0xac: {  	_ =	swait.ge [sflag:s28], $0x680  }
0xad: {  	[sflag:s28] =	ssyncset.done $0x0  }
0xae: {  	[sflag:s28] =	ssyncadd.s32 $0xFFFFF980  }
0xaf: {  	_ =	swait.ge [sflag:s28], $0x680  }
0xb0: {  	[sflag:s28] =	ssyncset.done $0x0  }
0xb1: {  	[sflag:s28] =	ssyncadd.s32 $0xFFFFF980  }
0xb2: {  	_ =	swait.ge [sflag:s28], $0x680  }
0xb3: {  	[sflag:s28] =	ssyncset.done $0x0  }
0xb4: {  	[sflag:s28] =	ssyncadd.s32 $0xFFFFF980  }
0xb5: {  	_ =	swait.ge [sflag:s28], $0x680  }
0xb6: {  	[sflag:s28] =	ssyncset.done $0x0  }
0xb7: {  	[sflag:s28] =	ssyncadd.s32 $0xFFFFF980  }
0xb8: {  	_ =	swait.ge [sflag:s28], $0x680  }
0xb9: {  	[sflag:s28] =	ssyncset.done $0x0  }
0xba: {  	[sflag:s28] =	ssyncadd.s32 $0xFFFFF980  }
0xbb: {  	_ =	swait.ge [sflag:s28], $0x680  }
0xbc: {  	p0 =	seq.s32 s1, $0x0;
	[sflag:s28] =	ssyncset.done $0x0  }
0xbd: {  	p1 =	seq.s32 @!p0 s1, $0xF;
	[sflag:s28] =	ssyncadd.s32 $0xFFFFF980  }
0xbe: {  	p1 =	por p0, !p1;
	_ =	swait.ge [sflag:s28], $0x680  }
.Ltmp4:
0xbf: {  	[sflag:s28] =	ssyncset.done $0x0;
	(pc) =	sbr.rel @!p1 .LBB2_4-.Ltmp4, $4  }
0xc0: {  	s10 =	simm.s32 @!p0 $0x2;
	[sflag:s28] =	ssyncadd.s32 $0xFFFFF980  }
0xc1: {  	_ =	swait.ge @!p0 [sflag:s10], $0xD000  }
0xc2: {  	[sflag:s10] =	ssyncset.done @!p0 $0x0  }
0xc3: {  	s0 =	sand.u32 $0x1, s1;
	s31 =	simm.s32 @!p0 $0x10;
	[sflag:s10] =	ssyncadd.s32 @!p0 $0xFFFF3000  }
0xc4: {  	s10 =	sxor.u32 $0x1, s0  }
0xc5: {  	s31 =	sadd.s32 @!p0 $0x1, s1;
	s10 =	smul.u32 $0x34000, s10  }
0xc6: {  	s31 =	simm.s32 @p0 $0x1  }
0xc7: {  	s11 =	sshll.u32 s31, $0xA;
	s10 =	sshrl.u32 s10, $0x2  }
0xc8: {  	s11 =	sand.u32 $0x3FFFFC00, s11;
	s12 =	sadd.s32 $0x4000, s10  }
0xc9: {  	[tilespmem:s12], [sflag:$0x1] =	stream.indirect.gather [hbm4b:s5+s9], $0x40, s11, s9, $0xb8;
	[tilespmem:$0x1E000] =	vst v63  }
0xca: {  	s13 =	sor.u32 $0x20, s11;
	s12 =	sadd.s32 $0x4680, s10  }
0xcb: {  	[tilespmem:s12], [sflag:$0x1] =	stream.indirect.gather [hbm4b:s5+s9], $0x40, s13, s9, $0xb8;
	[tilespmem:$0x1E000] =	vst v63  }
0xcc: {  	s12 =	sadd.s32 $0x4D00, s10;
	s13 =	sor.u32 $0x40, s11  }
0xcd: {  	[tilespmem:s12], [sflag:$0x1] =	stream.indirect.gather [hbm4b:s5+s9], $0x40, s13, s9, $0xb8;
	[tilespmem:$0x1E000] =	vst v63  }
0xce: {  	s12 =	sadd.s32 $0x5380, s10;
	s13 =	sor.u32 $0x60, s11  }
0xcf: {  	[tilespmem:s12], [sflag:$0x1] =	stream.indirect.gather [hbm4b:s5+s9], $0x40, s13, s9, $0xb8;
	[tilespmem:$0x1E000] =	vst v63  }
0xd0: {  	s12 =	sadd.s32 $0x5A00, s10;
	s13 =	sor.u32 $0x80, s11  }
0xd1: {  	[tilespmem:s12], [sflag:$0x1] =	stream.indirect.gather [hbm4b:s5+s9], $0x40, s13, s9, $0xb8;
	[tilespmem:$0x1E000] =	vst v63  }
0xd2: {  	s12 =	sadd.s32 $0x6080, s10;
	s13 =	sor.u32 $0xA0, s11  }
0xd3: {  	[tilespmem:s12], [sflag:$0x1] =	stream.indirect.gather [hbm4b:s5+s9], $0x40, s13, s9, $0xb8;
	[tilespmem:$0x1E000] =	vst v63  }
0xd4: {  	s12 =	sadd.s32 $0x6700, s10;
	s13 =	sor.u32 $0xC0, s11  }
0xd5: {  	[tilespmem:s12], [sflag:$0x1] =	stream.indirect.gather [hbm4b:s5+s9], $0x40, s13, s9, $0xb8;
	[tilespmem:$0x1E000] =	vst v63  }
0xd6: {  	s12 =	sadd.s32 $0x6D80, s10;
	s13 =	sor.u32 $0xE0, s11  }
0xd7: {  	[tilespmem:s12], [sflag:$0x1] =	stream.indirect.gather [hbm4b:s5+s9], $0x40, s13, s9, $0xb8;
	[tilespmem:$0x1E000] =	vst v63  }
0xd8: {  	s12 =	sadd.s32 $0x7400, s10;
	s13 =	sor.u32 $0x100, s11  }
0xd9: {  	[tilespmem:s12], [sflag:$0x1] =	stream.indirect.gather [hbm4b:s5+s9], $0x40, s13, s9, $0xb8;
	[tilespmem:$0x1E000] =	vst v63  }
0xda: {  	s12 =	sadd.s32 $0x7A80, s10;
	s13 =	sor.u32 $0x120, s11  }
0xdb: {  	[tilespmem:s12], [sflag:$0x1] =	stream.indirect.gather [hbm4b:s5+s9], $0x40, s13, s9, $0xb8;
	[tilespmem:$0x1E000] =	vst v63  }
0xdc: {  	s12 =	sadd.s32 $0x8100, s10;
	s13 =	sor.u32 $0x140, s11  }
0xdd: {  	[tilespmem:s12], [sflag:$0x1] =	stream.indirect.gather [hbm4b:s5+s9], $0x40, s13, s9, $0xb8;
	[tilespmem:$0x1E000] =	vst v63  }
0xde: {  	s12 =	sadd.s32 $0x8780, s10;
	s13 =	sor.u32 $0x160, s11  }
0xdf: {  	[tilespmem:s12], [sflag:$0x1] =	stream.indirect.gather [hbm4b:s5+s9], $0x40, s13, s9, $0xb8;
	[tilespmem:$0x1E000] =	vst v63  }
0xe0: {  	s12 =	sadd.s32 $0x8E00, s10;
	s13 =	sor.u32 $0x180, s11  }
0xe1: {  	[tilespmem:s12], [sflag:$0x1] =	stream.indirect.gather [hbm4b:s5+s9], $0x40, s13, s9, $0xb8;
	[tilespmem:$0x1E000] =	vst v63  }
0xe2: {  	s12 =	sadd.s32 $0x9480, s10;
	s13 =	sor.u32 $0x1A0, s11  }
0xe3: {  	[tilespmem:s12], [sflag:$0x1] =	stream.indirect.gather [hbm4b:s5+s9], $0x40, s13, s9, $0xb8;
	[tilespmem:$0x1E000] =	vst v63  }
0xe4: {  	s12 =	sadd.s32 $0x9B00, s10;
	s13 =	sor.u32 $0x1C0, s11  }
0xe5: {  	[tilespmem:s12], [sflag:$0x1] =	stream.indirect.gather [hbm4b:s5+s9], $0x40, s13, s9, $0xb8;
	[tilespmem:$0x1E000] =	vst v63  }
0xe6: {  	s12 =	sadd.s32 $0xA180, s10;
	s13 =	sor.u32 $0x1E0, s11  }
0xe7: {  	[tilespmem:s12], [sflag:$0x1] =	stream.indirect.gather [hbm4b:s5+s9], $0x40, s13, s9, $0xb8;
	[tilespmem:$0x1E000] =	vst v63  }
0xe8: {  	s12 =	sadd.s32 $0xA800, s10;
	s13 =	sor.u32 $0x200, s11  }
0xe9: {  	[tilespmem:s12], [sflag:$0x1] =	stream.indirect.gather [hbm4b:s5+s9], $0x40, s13, s9, $0xb8;
	[tilespmem:$0x1E000] =	vst v63  }
0xea: {  	s12 =	sadd.s32 $0xAE80, s10;
	s13 =	sor.u32 $0x220, s11  }
0xeb: {  	[tilespmem:s12], [sflag:$0x1] =	stream.indirect.gather [hbm4b:s5+s9], $0x40, s13, s9, $0xb8;
	[tilespmem:$0x1E000] =	vst v63  }
0xec: {  	s12 =	sadd.s32 $0xB500, s10;
	s13 =	sor.u32 $0x240, s11  }
0xed: {  	[tilespmem:s12], [sflag:$0x1] =	stream.indirect.gather [hbm4b:s5+s9], $0x40, s13, s9, $0xb8;
	[tilespmem:$0x1E000] =	vst v63  }
0xee: {  	s12 =	sadd.s32 $0xBB80, s10;
	s13 =	sor.u32 $0x260, s11  }
0xef: {  	[tilespmem:s12], [sflag:$0x1] =	stream.indirect.gather [hbm4b:s5+s9], $0x40, s13, s9, $0xb8;
	[tilespmem:$0x1E000] =	vst v63  }
0xf0: {  	s12 =	sadd.s32 $0xC200, s10;
	s13 =	sor.u32 $0x280, s11  }
0xf1: {  	[tilespmem:s12], [sflag:$0x1] =	stream.indirect.gather [hbm4b:s5+s9], $0x40, s13, s9, $0xb8;
	[tilespmem:$0x1E000] =	vst v63  }
0xf2: {  	s12 =	sadd.s32 $0xC880, s10;
	s13 =	sor.u32 $0x2A0, s11  }
0xf3: {  	[tilespmem:s12], [sflag:$0x1] =	stream.indirect.gather [hbm4b:s5+s9], $0x40, s13, s9, $0xb8;
	[tilespmem:$0x1E000] =	vst v63  }
0xf4: {  	s12 =	sadd.s32 $0xCF00, s10;
	s13 =	sor.u32 $0x2C0, s11  }
0xf5: {  	[tilespmem:s12], [sflag:$0x1] =	stream.indirect.gather [hbm4b:s5+s9], $0x40, s13, s9, $0xb8;
	[tilespmem:$0x1E000] =	vst v63  }
0xf6: {  	s12 =	sadd.s32 $0xD580, s10;
	s13 =	sor.u32 $0x2E0, s11  }
0xf7: {  	[tilespmem:s12], [sflag:$0x1] =	stream.indirect.gather [hbm4b:s5+s9], $0x40, s13, s9, $0xb8;
	[tilespmem:$0x1E000] =	vst v63  }
0xf8: {  	s12 =	sadd.s32 $0xDC00, s10;
	s13 =	sor.u32 $0x300, s11  }
0xf9: {  	[tilespmem:s12], [sflag:$0x1] =	stream.indirect.gather [hbm4b:s5+s9], $0x40, s13, s9, $0xb8;
	[tilespmem:$0x1E000] =	vst v63  }
0xfa: {  	s12 =	sadd.s32 $0xE280, s10;
	s13 =	sor.u32 $0x320, s11  }
0xfb: {  	[tilespmem:s12], [sflag:$0x1] =	stream.indirect.gather [hbm4b:s5+s9], $0x40, s13, s9, $0xb8;
	[tilespmem:$0x1E000] =	vst v63  }
0xfc: {  	s12 =	sadd.s32 $0xE900, s10;
	s13 =	sor.u32 $0x340, s11  }
0xfd: {  	[tilespmem:s12], [sflag:$0x1] =	stream.indirect.gather [hbm4b:s5+s9], $0x40, s13, s9, $0xb8;
	[tilespmem:$0x1E000] =	vst v63  }
0xfe: {  	s12 =	sadd.s32 $0xEF80, s10;
	s13 =	sor.u32 $0x360, s11  }
0xff: {  	[tilespmem:s12], [sflag:$0x1] =	stream.indirect.gather [hbm4b:s5+s9], $0x40, s13, s9, $0xb8;
	[tilespmem:$0x1E000] =	vst v63  }
0x100: {  	s12 =	sadd.s32 $0xF600, s10;
	s13 =	sor.u32 $0x380, s11  }
0x101: {  	[tilespmem:s12], [sflag:$0x1] =	stream.indirect.gather [hbm4b:s5+s9], $0x40, s13, s9, $0xb8;
	[tilespmem:$0x1E000] =	vst v63  }
0x102: {  	s12 =	sadd.s32 $0xFC80, s10;
	s13 =	sor.u32 $0x3A0, s11  }
0x103: {  	[tilespmem:s12], [sflag:$0x1] =	stream.indirect.gather [hbm4b:s5+s9], $0x40, s13, s9, $0xb8;
	[tilespmem:$0x1E000] =	vst v63  }
.Ltmp5:
0x104: {  	_ = 	snop;
	(pc) =	sbr.rel .LBB2_4-.Ltmp5, $4  }
0x105: {  	s12 =	sor.u32 $0x10300, s10;
	s13 =	sor.u32 $0x3C0, s11  }
0x106: {  	[tilespmem:s12], [sflag:$0x1] =	stream.indirect.gather [hbm4b:s5+s9], $0x40, s13, s9, $0xb8;
	[tilespmem:$0x1E000] =	vst v63  }
0x107: {  	s10 =	sor.u32 $0x10980, s10;
	s11 =	sor.u32 $0x3E0, s11  }
0x108: {  	[tilespmem:s10], [sflag:$0x1] =	stream.indirect.gather [hbm4b:s5+s9], $0x40, s11, s9, $0xb8;
	[tilespmem:$0x1E000] =	vst v63  }
.LBB2_6:
0x109: {  	_ =	sfence.sel $0x180000  }
0x10a: {  	[bflag:$0x0] =	sbarrier.arrive $0xFFFF  }
0x10b: {  	_ =	strace $0x9000004A  }
0x10c: {  	s0 =	stileid.u32;
	[bflag:$0x2] =	sbarrier.arrive $0xFFFF  }
0x10d: {  	p0 =	sne.s32 s0, $0x0;
	s0 =	rddreg [dreg:$0x2]  }
0x10e: {  	s0 =	sadd.s32 @!p0 $0x100000, s0  }
0x10f: {  	[sflag:s0] =	ssyncadd.tile.s32 @!p0 $0x1;
	_ =	shalt  }
.Lfunc_end2:
_tile_overlayer_lowered:
.L_overlay_start_2:
0x110: {  	(tag) =	ssettag $0x2  }
0x111: {  	s0 =	rddreg [dreg:$0x0];
	s2 =	stileid.u32  }
0x112: {  	s1 =	rddreg [dreg:$0x1];
	p0 =	sne.s32 s2, $0x0  }
0x113: {  	s3 =	rddreg [dreg:$0x2];
	[bflag:$0x3] =	sbarrier.arrive $0xFFFF;
	s2 =	simm.s32 @!p0 $0x1C03  }
0x114: {  	[timem:s3], [sflag:s2] =	dma.local @!p0 [hbm:s0], s1  }
0x115: {  	s0 =	simm.s32 @!p0 $0x3  }
0x116: {  	_ =	swait.ge @!p0 [sflag:s0], s1  }
0x117: {  	s1 =	ssub.s32 @!p0 $0x0, s1;
	[sflag:s0] =	ssyncset.done @!p0 $0x0  }
0x118: {  	[sflag:s0] =	ssyncadd.s32 @!p0 s1  }
0x119: {  	[bflag:$0x3] =	sbarrier.arrive $0xFFFF  }
0x11a: {  	_ =	shalt  }

// kernel: sparse-core-data-format-call.1.cloned.1.call-start
scs
called_computation.1_lowered:
.L_overlay_start_0:
0x0: {  	s2 =	sld [smem:$0x3FD9]  }
0x1: {  	s3 =	sld [smem:$0x3FFE];
	_ =	sdelay $0x1  }
0x2: {  	s1 =	srdreg.scid  }
0x3: {  	s0 =	sand.u32 $0x1, s1  }
0x4: {  	s18 =	sshll.u32 s0, $0xA;
	s2 =	sadd.s32 s3, s2  }
0x5: {  	s2 =	sadd.s32 s2, s18  }
0x6: {  	[smem:$0x3FC6] =	sst s2  }
0x7: {  	_ = 	snop  }
0x8: {  	s2 =	sld [smem:$0x3FC8];
	(tm) =	ssettm $0x1  }
0x9: {  	s19 =	sld [smem:$0x3FFB];
	_ =	sdelay $0x3  }
0xa: {  	_ =	strace s19  }
0xb: {  	s3 =	sld [smem:$0x3FFC];
	_ =	sdelay $0x3  }
0xc: {  	_ =	strace s3  }
0xd: {  	s3 =	sld [smem:$0x3FFD];
	_ =	sdelay $0x3  }
0xe: {  	_ =	strace s3  }
0xf: {  	_ =	strace $0x8FFFFFFF  }
0x10: {  	s20 =	sld [smem:$0x3FDB];
	_ =	sdelay $0x1  }
0x11: {  	s4 =	simm.s32 $_scs_section_size  }
0x12: {  	s5 =	simm.s32 $_size__tile_overlayer_lowered;
	s6 =	simm.s32 $_tile_overlayer_lowered  }
0x13: {  	s23 =	simm.s32 $0x1BFF;
	s22 =	sshll.u32 s6, $0x1;
	s3 =	sadd.s32 s4, s20  }
0x14: {  	s7 =	simm.s32 $0x0;
	s21 =	sshll.u32 s5, $0x1;
	s5 =	sadd.s32 s22, s3  }
0x15: {  	[timem:s7], [sflag:s23] =	dma.local [hbm:s5], s21  }
0x16: {  	_ =	swait.ge [sflag:s23], s21  }
0x17: {  	s4 =	ssub.s32 $0x0, s21;
	[sflag:s23] =	ssyncset.done $0x0  }
0x18: {  	[sflag:s23] =	ssyncadd.s32 s4;
	_ =	sdelay $0x1  }
0x19: {  	s24 =	simm.s32 $0x1B8B  }
0x1a: {  	_ =	swait.ge [sflag:s24], $0x1  }
0x1b: {  	[sflag:s24] =	ssyncset.done $0x0  }
0x1c: {  	s26 =	simm.s32 $0x1B8E;
	s25 =	sld [smem:$0x3FFE];
	[sflag:s24] =	ssyncadd.s32 $0xFFFFFFFF  }
0x1d: {  	s27 =	simm.s32 $execute0_lowered;
	[smem:$0x3FD2] =	sst s26  }
0x1e: {  	s5 =	sshll.u32 s27, $0x1;
	_ =	strace $0x80000046;
	[dreg:$0x1] =	wrdreg $0xFFFFFFFF  }
0x1f: {  	s28 =	simm.s32 $_size_execute0_lowered;
	s3 =	sadd.s32 s3, s5;
	[dreg:$0x0] =	wrdreg $0x0  }
0x20: {  	s5 =	sshll.u32 s28, $0x1;
	[dreg:$0x2] =	wrdreg s3  }
0x21: {  	[dreg:$0x3] =	wrdreg s5  }
0x22: {  	[dreg:$0x4] =	wrdreg $0xC0  }
0x23: {  	_ =	task [dreg:s7], $0x5FFFF  }
0x24: {  	[dreg:$0x1] =	wrdreg $0xFFFFFFFF  }
0x25: {  	[dreg:$0x0] =	wrdreg $0x60  }
0x26: {  	[dreg:$0x2] =	wrdreg s2  }
0x27: {  	[dreg:$0x3] =	wrdreg s25  }
0x28: {  	[dreg:$0x4] =	wrdreg $0x9  }
0x29: {  	_ =	task.clear_ibuf [dreg:s7], $0x5FFFF;
	_ =	strace $0x90000046  }
0x2a: {  	s29 =	simm.s32 $0x9;
	_ =	strace $0x80000048  }
0x2b: {  	_ =	swait.ge [sflag:s29], $0x1  }
0x2c: {  	[sflag:s29] =	ssyncadd.s32 $0xFFFFFFFF  }
0x2d: {  	_ =	strace $0x90000048  }
0x2e: {  	_ =	sfence  }
0x2f: {  	s30 =	sld [smem:$0x0];
	_ =	sdelay $0x2  }
0x30: {  	s31 =	sshll.u32 s1, $0xD;
	s1 =	sshrl.u32 s1, $0x2  }
0x31: {  	s3 =	sand.u32 $0x4000, s31;
	s1 =	sadd.s32 s1, s30  }
0x32: {  	s0 =	sor.u32 s3, s0;
	s1 =	sshll.u32 s1, $0x11  }
0x33: {  	s0 =	sor.u32 s1, s0  }
0x34: {  	s0 =	sadd.s32 $0x8F2B, s0  }
0x35: {  	[sflag:s0] =	ssyncadd.remote.s32 $0x1  }
0x36: {  	_ =	sfence.sel $0xFFFF  }
0x37: {  	[dreg:$0x0] =	wrdreg $0xFFFFFFFF;
	(pc) =	sbr.abs _section_cstart, $3  }
0x38: {  	[dreg:$0x1] =	wrdreg $0xFFFFFFFF  }
0x39: {  	_ =	task.clear_ibuf [dreg:s7], $0x2FFFF;
	_ =	strace $0x9FFFFFFF  }
0x3a: {  	(tm) =	ssettm $0x7FFFFFFF  }
0x3b: {  	_ =	shalt  }
tec
execute0_lowered:
.L_overlay_start_1:
0x0: {  	(tag) =	ssettag $0x1  }
0x1: {  	s0 =	srdreg.scid;
	s2 =	rddreg [dreg:$0x0]  }
0x2: {  	s5 =	rddreg [dreg:$0x1];
	s1 =	stileid.u32  }
0x3: {  	s4 =	simm.s32 $0x1;
	s6 =	simm.s32 $0x2;
	s15 =	simm.s32 $0x0  }
0x4: {  	p0 =	por $0x0, $0x0;
	s8 =	simm.s32 $0x80;
	s0 =	sshll.u32 s0, $0x4  }
0x5: {  	s14 =	simm.s32 $0x0;
	s9 =	simm.s32 $0x0;
	s3 =	sand.u32 $0x10, s0  }
.Ltmp0:
0x6: {  	s10 =	simm.s32 $0x0;
	s3 =	sor.u32 s1, s3;
	(pc) =	sbr.rel .LBB1_1-.Ltmp0, $4  }
0x7: {  	s0 =	rddreg [dreg:$0x2];
	_ =	strace $0x80000047;
	s3 =	sshll.u32 s3, $0x7  }
0x8: {  	s12 =	simm.s32 $0x0;
	[sflag:s4] =	ssyncpa.u1 $0x0;
	s7 =	ssub.s32 $0xF4200, s3  }
0x9: {  	s13 =	simm.s32 $0x0;
	[sflag:s6] =	ssyncpa.u1 $0x0;
	s6 =	sshrl.u32 s7, $0xC  }
0xa: {  	s5 =	sadd.s32 $0xE00, s5;
	s11 =	smov.u32 s3;
	s7 =	sadd.s32 $0x2, s6  }
.LBB1_5:
0xb: {  	p1 =	slt.u32 s13, $0x2  }
0xc: {  	s17 =	smov.u32 s15;
	p2 =	sgt.s32 @!p1 s15, $0xF41C0;
	s16 =	sshra.s32 @!p1 s15, $0x1F  }
0xd: {  	p3 =	sgt.s32 @!p1 s14, $0x40;
	s18 =	sshra.s32 @!p1 s14, $0x1F;
	p2 =	por !p2, p1  }
0xe: {  	s15 =	sand.u32 @!p1 s16, s15;
	p3 =	por !p3, p1;
	s16 =	smov.u32 s14  }
0xf: {  	s14 =	sand.u32 @!p1 s18, s14;
	s17 =	simm.s32 @p2 $0xF41C0;
	s16 =	simm.s32 @p3 $0x40  }
0x10: {  	s15 =	ssub.s32 @!p1 s17, s15;
	s14 =	ssub.s32 @!p1 s16, s14  }
0x11: {  	s18 =	smov.u32 s12;
	s16 =	sadd.s32 @!p1 $0xFFF0BE40, s15;
	s17 =	sadd.s32 @!p1 $0xFFFFFFC0, s14  }
0x12: {  	s15 =	ssub.s32 @!p1 $0xF4240, s15;
	p2 =	sgt.s32 @!p1 s16, $0x7F;
	p3 =	sgt.s32 @!p1 s17, $0x3F  }
0x13: {  	s14 =	ssub.s32 @!p1 $0x80, s14;
	p2 =	por !p2, p1;
	p3 =	por !p3, p1  }
0x14: {  	s16 =	sadd.s32 $0x1000, s11;
	s15 =	simm.s32 @!p2 $0x0;
	s14 =	simm.s32 @!p3 $0x0  }
0x15: {  	p2 =	sgt.s32 s16, $0xF423F;
	s14 =	smul.u32 @!p1 s14, s15;
	s15 =	sadd.s32 $0x40, s12  }
0x16: {  	s18 =	smov.u32 @p2 s15  }
0x17: {  	s16 =	smov.u32 @p2 s3;
	p2 =	sgt.s32 s18, $0x3F  }
0x18: {  	s18 =	simm.s32 @p2 $0x0;
	p2 =	sne.s32 s13, s7  }
.Ltmp1:
0x19: {  	p0 =	por !p0, !p0;
	s17 =	simm.s32 @!p1 $0x2;
	(pc) =	sbr.rel @!p2 .LBB1_6-.Ltmp1, $4  }
0x1a: {  	s15 =	smov.u32 s9;
	s9 =	smov.u32 s11;
	s14 =	sand.u32 @!p1 $0x3FFFFFFF, s14  }
0x1b: {  	s11 =	smov.u32 s16;
	_ =	swait.ge @!p1 [sflag:s17], s14;
	s19 =	ssub.s32 @!p1 $0x0, s14  }
0x1c: {  	s14 =	smov.u32 s10;
	s13 =	sadd.s32 $0x1, s13;
	[sflag:s17] =	ssyncset.done @!p1 $0x0  }
0x1d: {  	s10 =	smov.u32 s12;
	s12 =	smov.u32 s18;
	[sflag:s17] =	ssyncadd.s32 @!p1 s19  }
.LBB1_1:
0x1e: {  	p1 =	sgt.u32 s13, s6  }
0x1f: {  	s16 =	sshrl.u32 @!p1 s12, $0x3  }
0x20: {  	s17 =	sshll.u32 @!p1 s11, $0x3;
	s16 =	smul.u32 @!p1 $0x7A1400, s16  }
0x21: {  	s18 =	sshll.u32 @!p1 s12, $0x7;
	s17 =	sand.u32 @!p1 $0xFFFFFC00, s17  }
0x22: {  	s16 =	sadd.s32 @!p1 s16, s17;
	s17 =	sand.u32 @!p1 $0x380, s18  }
0x23: {  	s18 =	sand.u32 @!p1 $0x7F, s11;
	s16 =	sor.u32 @!p1 s17, s16  }
0x24: {  	s17 =	sor.u32 @!p1 s18, s16  }
0x25: {  	s18 =	smulhi.u32 @!p1 $0x218D6287, s17;
	_ =	sdelay $0x1  }
0x26: {  	s16 =	smulhi.u32 @!p1 $0x218D6287, s16;
	s18 =	sshrl.u32 @!p1 s18, $0x11  }
0x27: {  	s18 =	smul.u32 @!p1 $0xF4280, s18  }
0x28: {  	s19 =	sxor.u32 @!p1 $0xFFFFFFFF, s13;
	s16 =	sshrl.u32 @!p1 s16, $0x11  }
0x29: {  	s19 =	sshll.u32 @!p1 s19, $0xD;
	s16 =	sand.u32 @!p1 $0x3F, s16;
	s17 =	ssub.s32 @!p1 s17, s18  }
0x2a: {  	s16 =	smul.u32 @!p1 $0x1E850, s16;
	s18 =	sshrl.u32 @!p1 s17, $0x3;
	s17 =	sand.u32 @!p1 $0x7, s17  }
0x2b: {  	s19 =	sand.u32 @!p1 $0x2000, s19;
	s18 =	sadd.s32 @!p1 s2, s18;
	s17 =	sshll.u32 @!p1 s17, $0x12  }
0x2c: {  	s16 =	sadd.s32 @!p1 s16, s18;
	s17 =	sor.u32 @!p1 $0x400, s17;
	s18 =	simm.s32 @!p1 $0x7A1400  }
0x2d: {  	[tilespmem:s19], [sflag:$0x1] =	stream.strided.gather @!p1 [hbm4b:s16+s17], $0x2000, s18, s17, $0x38;
	[tilespmem:$0x8100] =	vst v63  }
0x2e: {  	p1 =	seq.s32 s13, $0x0  }
0x2f: {  	p2 =	sge.u32 @!p1 s13, s7  }
0x30: {  	p1 =	por p1, p2  }
.Ltmp2:
0x31: {  	_ = 	snop;
	(pc) =	sbr.rel @p1 .LBB1_5-.Ltmp2, $1  }
0x32: {  	_ =	sdelay $0x3  }
0x33: {  	s16 =	simm.s32 $0x1  }
0x34: {  	_ =	swait.ge [sflag:s4], $0x2000;
	s16 =	simm.s32 @!p0 $0x0  }
0x35: {  	[sflag:s4] =	ssyncset.done $0x0;
	s17 =	sshll.u32 s16, $0xD  }
0x36: {  	[sflag:s4] =	ssyncadd.s32 $0xFFFFE000;
	s17 =	sor.u32 $0x40, s17  }
0x37: {  	s16 =	smul.u32 $0x8200, s16;
	v0 =	vld [tilespmem:s17+$0x30]  }
0x38: {  	v1 =	vld [tilespmem:s17+$0xFFFFFFD0]  }
0x39: {  	s16 =	sshrl.u32 s16, $0x2;
	v5 =	vld [tilespmem:s17+$0xFFFFFFE0]  }
0x3a: {  	v6 =	vld [tilespmem:s17+$0xFFFFFFF0];
	s19 =	sor.u32 $0x4000, s16  }
0x3b: {  	s31 =	sand.u32 $0x1, s13;
	v4 =	vld [tilespmem:s17+$0x0];
	s18 =	sadd.s32 $0x0, s19  }
0x3c: {  	v3 =	vld [tilespmem:s17+$0x10];
	s16 =	smul.u32 $0x8200, s31;
	[tilespmem:s18+$0x1C70 ss:$0x41] =	vst.msk $0xffff, v0  }
0x3d: {  	v2 =	vld [tilespmem:s17+$0x20];
	[tilespmem:s18+$0x410 ss:$0x41] =	vst.msk $0xffff, v1  }
0x3e: {  	s16 =	sshrl.u32 s16, $0x2;
	v1 =	vld [tilespmem:s17+$0xFFFFFFC0];
	[tilespmem:s18+$0x820 ss:$0x41] =	vst.msk $0xffff, v5;
	s17 =	sadd.s32 $0x80, s17  }
0x3f: {  	s20 =	simm.s32 $0x4;
	s21 =	simm.s32 $0x8;
	s16 =	sor.u32 $0x4000, s16;
	[tilespmem:s18+$0xC30 ss:$0x41] =	vst.msk $0xffff, v6;
	v0 =	vld [tilespmem:s17+$0x30]  }
.LBB1_3:
0x40: {  	p1 =	sne.s32 s21, $0xFC;
	v5 =	vld [tilespmem:s17+$0xFFFFFFD0];
	[tilespmem:s18+$0x1040 ss:$0x41] =	vst.msk $0xffff, v4  }
0x41: {  	v6 =	vld [tilespmem:s17+$0xFFFFFFE0];
	[tilespmem:s18+$0x1450 ss:$0x41] =	vst.msk $0xffff, v3  }
0x42: {  	s22 =	sshra.s32 s20, $0x2;
	s20 =	smov.u32 s21;
	v7 =	vld [tilespmem:s17+$0xFFFFFFF0];
	[tilespmem:s18+$0x1860 ss:$0x41] =	vst.msk $0xffff, v2  }
.Ltmp3:
0x43: {  	v4 =	vld [tilespmem:s17+$0x0];
	[tilespmem:s18+$0x0 ss:$0x41] =	vst.msk $0xffff, v1;
	s18 =	sadd.s32 s22, s19;
	(pc) =	sbr.rel @p1 .LBB1_3-.Ltmp3, $4  }
0x44: {  	v3 =	vld [tilespmem:s17+$0x10];
	[tilespmem:s18+$0x1C70 ss:$0x41] =	vst.msk $0xffff, v0  }
0x45: {  	[tilespmem:s18+$0x410 ss:$0x41] =	vst.msk $0xffff, v5;
	v2 =	vld [tilespmem:s17+$0x20]  }
0x46: {  	v1 =	vld [tilespmem:s17+$0xFFFFFFC0];
	[tilespmem:s18+$0x820 ss:$0x41] =	vst.msk $0xffff, v6;
	s17 =	sadd.s32 $0x80, s17  }
0x47: {  	s21 =	sadd.s32 $0x4, s21;
	v0 =	vld [tilespmem:s17+$0x30];
	[tilespmem:s18+$0xC30 ss:$0x41] =	vst.msk $0xffff, v7  }
0x48: {  	s21 =	sshll.u32 s9, $0x7;
	s22 =	sshll.u32 s10, $0x3;
	s20 =	sshra.s32 s20, $0x2  }
0x49: {  	p1 =	sgt.s32 s9, $0xF41C0;
	s30 =	sshra.s32 s9, $0x1F;
	s25 =	sshra.s32 s10, $0x1F  }
0x4a: {  	v5 =	vld [tilespmem:s17+$0xFFFFFFD0];
	s28 =	sshrl.u32 s10, $0x3;
	s23 =	sand.u32 $0xFFFFFC00, s21;
	s22 =	sand.u32 $0xFFFFFC00, s22  }
0x4b: {  	[tilespmem:s18+$0x1040 ss:$0x41] =	vst.msk $0xffff, v4;
	v58 =	vld [tilespmem:s17+$0xFFFFFFE0];
	s21 =	sand.u32 $0x380, s21;
	s19 =	sadd.s32 s20, s19;
	s22 =	sadd.s32 s22, s23  }
0x4c: {  	v59 =	vld [tilespmem:s17+$0xFFFFFFF0];
	[tilespmem:s18+$0x1450 ss:$0x41] =	vst.msk $0xffff, v3;
	s29 =	sor.u32 s21, s22;
	s21 =	smov.u32 s9;
	s22 =	sand.u32 s30, s9  }
0x4d: {  	v60 =	vld [tilespmem:s17+$0x0];
	[tilespmem:s18+$0x1860 ss:$0x41] =	vst.msk $0xffff, v2;
	s30 =	sand.u32 $0x7, s10;
	s20 =	sshrl.u32 s29, $0x7;
	s21 =	simm.s32 @!p1 $0xF41C0  }
0x4e: {  	v61 =	vld [tilespmem:s17+$0x10];
	[tilespmem:s18+$0x0 ss:$0x41] =	vst.msk $0xffff, v1;
	p1 =	sgt.s32 s10, $0x40;
	s24 =	ssub.s32 s21, s22;
	s21 =	smov.u32 s10  }
0x4f: {  	v62 =	vld [tilespmem:s17+$0x20];
	[tilespmem:s19+$0x1C70 ss:$0x41] =	vst.msk $0xffff, v0;
	s31 =	smulhi.u32 $0x218DEF5, s20;
	s22 =	sand.u32 s25, s10;
	s21 =	simm.s32 @!p1 $0x40  }
0x50: {  	v63 =	vld [tilespmem:s17+$0xFFFFFFC0];
	[tilespmem:s19+$0x410 ss:$0x41] =	vst.msk $0xffff, v5;
	s26 =	sadd.s32 $0xFFF0BE40, s24;
	s17 =	ssub.s32 $0xF4240, s24;
	s21 =	ssub.s32 s21, s22  }
0x51: {  	[tilespmem:s19+$0x820 ss:$0x41] =	vst.msk $0xffff, v58;
	s23 =	sshrl.u32 s31, $0xD;
	p1 =	sgt.s32 s26, $0x7F;
	s27 =	sadd.s32 $0xFFFFFFC0, s21  }
0x52: {  	[tilespmem:s19+$0xC30 ss:$0x41] =	vst.msk $0xffff, v59;
	s23 =	smul.u32 $0xF4240, s23;
	s18 =	ssub.s32 $0x80, s21;
	p2 =	sgt.s32 s27, $0x3F  }
.Ltmp4:
0x53: {  	[tilespmem:s19+$0x1040 ss:$0x41] =	vst.msk $0xffff, v60;
	s17 =	simm.s32 @p1 $0x0;
	s18 =	simm.s32 @p2 $0x0;
	(pc) =	sbr.rel .LBB1_5-.Ltmp4, $4  }
0x54: {  	s29 =	sand.u32 $0xF, s28;
	[tilespmem:s19+$0x1450 ss:$0x41] =	vst.msk $0xffff, v61;
	s20 =	ssub.s32 s20, s23;
	s17 =	smul.u32 s18, s17  }
0x55: {  	[tilespmem:s19+$0x1860 ss:$0x41] =	vst.msk $0xffff, v62;
	s21 =	sshll.u32 s30, $0x12;
	s20 =	sshll.u32 s20, $0x4;
	s18 =	sadd.s32 s5, s29  }
0x56: {  	[tilespmem:s19+$0x0 ss:$0x41] =	vst.msk $0xffff, v63;
	s31 =	sor.u32 $0x40, s21;
	s18 =	sadd.s32 s20, s18;
	s17 =	sand.u32 $0x3FFFFFFF, s17  }
0x57: {  	[hbm4b:s18+s31] =	stream.strided.scatter [tilespmem:s16], [sflag:$0x2], s17, s8, s31, $0x18;
	[tilespmem:$0x8100] =	vst v63  }
.LBB1_6:
0x58: {  	_ =	sfence.sel $0x180000  }
0x59: {  	s2 =	simm.s32 $0x1;
	[bflag:$0x0] =	sbarrier.arrive $0xFFFF  }
0x5a: {  	s31 =	simm.s32 $0x2;
	[sflag:s2] =	ssyncpa.u1 $0x1  }
0x5b: {  	[sflag:s31] =	ssyncpa.u1 $0x1  }
0x5c: {  	p0 =	sne.s32 s1, $0x0;
	_ =	strace $0x90000047  }
0x5d: {  	s0 =	sadd.s32 @!p0 $0x100000, s0;
	[bflag:$0x2] =	sbarrier.arrive $0xFFFF  }
0x5e: {  	[sflag:s0] =	ssyncadd.tile.s32 @!p0 $0x1;
	_ =	shalt  }
.Lfunc_end1:
_tile_overlayer_lowered:
.L_overlay_start_2:
0x5f: {  	(tag) =	ssettag $0x2  }
0x60: {  	s0 =	rddreg [dreg:$0x0];
	s2 =	stileid.u32  }
0x61: {  	s1 =	rddreg [dreg:$0x1];
	p0 =	sne.s32 s2, $0x0  }
0x62: {  	s3 =	rddreg [dreg:$0x2];
	[bflag:$0x3] =	sbarrier.arrive $0xFFFF;
	s2 =	simm.s32 @!p0 $0x1C01  }
0x63: {  	[timem:s3], [sflag:s2] =	dma.local @!p0 [hbm:s0], s1  }
0x64: {  	s0 =	simm.s32 @!p0 $0x1  }
0x65: {  	_ =	swait.ge @!p0 [sflag:s0], s1  }
0x66: {  	s1 =	ssub.s32 @!p0 $0x0, s1;
	[sflag:s0] =	ssyncset.done @!p0 $0x0  }
0x67: {  	[sflag:s0] =	ssyncadd.s32 @!p0 s1  }
0x68: {  	[bflag:$0x3] =	sbarrier.arrive $0xFFFF  }
0x69: {  	_ =	shalt  }

// kernel: sparse-core-data-format-call.cloned.1.call-start
scs
called_computation_lowered:
.L_overlay_start_0:
0x0: {  	s2 =	sld [smem:$0x3FD9]  }
0x1: {  	s3 =	sld [smem:$0x3FFE];
	_ =	sdelay $0x1  }
0x2: {  	s1 =	srdreg.scid  }
0x3: {  	s0 =	sand.u32 $0x1, s1  }
0x4: {  	s18 =	sshll.u32 s0, $0xA;
	s2 =	sadd.s32 s3, s2  }
0x5: {  	s2 =	sadd.s32 s2, s18  }
0x6: {  	[smem:$0x3FC6] =	sst s2  }
0x7: {  	_ = 	snop  }
0x8: {  	s2 =	sld [smem:$0x3FD0];
	(tm) =	ssettm $0x1  }
0x9: {  	s19 =	sld [smem:$0x3FFB];
	_ =	sdelay $0x3  }
0xa: {  	_ =	strace s19  }
0xb: {  	s3 =	sld [smem:$0x3FFC];
	_ =	sdelay $0x3  }
0xc: {  	_ =	strace s3  }
0xd: {  	s3 =	sld [smem:$0x3FFD];
	_ =	sdelay $0x3  }
0xe: {  	_ =	strace s3  }
0xf: {  	_ =	strace $0x8FFFFFFF  }
0x10: {  	s20 =	sld [smem:$0x3FDB];
	_ =	sdelay $0x1  }
0x11: {  	s4 =	simm.s32 $_scs_section_size  }
0x12: {  	s5 =	simm.s32 $_size__tile_overlayer_lowered;
	s6 =	simm.s32 $_tile_overlayer_lowered  }
0x13: {  	s23 =	simm.s32 $0x1BFF;
	s22 =	sshll.u32 s6, $0x1;
	s3 =	sadd.s32 s4, s20  }
0x14: {  	s7 =	simm.s32 $0x0;
	s21 =	sshll.u32 s5, $0x1;
	s5 =	sadd.s32 s22, s3  }
0x15: {  	[timem:s7], [sflag:s23] =	dma.local [hbm:s5], s21  }
0x16: {  	_ =	swait.ge [sflag:s23], s21  }
0x17: {  	s4 =	ssub.s32 $0x0, s21;
	[sflag:s23] =	ssyncset.done $0x0  }
0x18: {  	[sflag:s23] =	ssyncadd.s32 s4;
	_ =	sdelay $0x1  }
0x19: {  	s24 =	simm.s32 $0x1B8B  }
0x1a: {  	_ =	swait.ge [sflag:s24], $0x1  }
0x1b: {  	[sflag:s24] =	ssyncset.done $0x0  }
0x1c: {  	s26 =	simm.s32 $0x1B8E;
	s25 =	sld [smem:$0x3FFE];
	[sflag:s24] =	ssyncadd.s32 $0xFFFFFFFF  }
0x1d: {  	s27 =	simm.s32 $execute0_lowered;
	[smem:$0x3FD2] =	sst s26  }
0x1e: {  	s5 =	sshll.u32 s27, $0x1;
	_ =	strace $0x8000004C;
	[dreg:$0x1] =	wrdreg $0xFFFFFFFF  }
0x1f: {  	s28 =	simm.s32 $_size_execute0_lowered;
	s3 =	sadd.s32 s3, s5;
	[dreg:$0x0] =	wrdreg $0x0  }
0x20: {  	s5 =	sshll.u32 s28, $0x1;
	[dreg:$0x2] =	wrdreg s3  }
0x21: {  	[dreg:$0x3] =	wrdreg s5  }
0x22: {  	[dreg:$0x4] =	wrdreg $0xC0  }
0x23: {  	_ =	task [dreg:s7], $0x5FFFF  }
0x24: {  	[dreg:$0x1] =	wrdreg $0xFFFFFFFF  }
0x25: {  	[dreg:$0x0] =	wrdreg $0x60  }
0x26: {  	[dreg:$0x2] =	wrdreg s25  }
0x27: {  	[dreg:$0x3] =	wrdreg s2  }
0x28: {  	[dreg:$0x4] =	wrdreg $0x9  }
0x29: {  	_ =	task.clear_ibuf [dreg:s7], $0x5FFFF;
	_ =	strace $0x9000004C  }
0x2a: {  	s29 =	simm.s32 $0x9;
	_ =	strace $0x8000004E  }
0x2b: {  	_ =	swait.ge [sflag:s29], $0x1  }
0x2c: {  	[sflag:s29] =	ssyncadd.s32 $0xFFFFFFFF  }
0x2d: {  	_ =	strace $0x9000004E  }
0x2e: {  	_ =	sfence  }
0x2f: {  	s30 =	sld [smem:$0x0];
	_ =	sdelay $0x2  }
0x30: {  	s31 =	sshll.u32 s1, $0xD;
	s1 =	sshrl.u32 s1, $0x2  }
0x31: {  	s3 =	sand.u32 $0x4000, s31;
	s1 =	sadd.s32 s1, s30  }
0x32: {  	s0 =	sor.u32 s3, s0;
	s1 =	sshll.u32 s1, $0x11  }
0x33: {  	s0 =	sor.u32 s1, s0  }
0x34: {  	s0 =	sadd.s32 $0x8F2B, s0  }
0x35: {  	[sflag:s0] =	ssyncadd.remote.s32 $0x1  }
0x36: {  	_ =	sfence.sel $0xFFFF  }
0x37: {  	[dreg:$0x0] =	wrdreg $0xFFFFFFFF;
	(pc) =	sbr.abs _section_cstart, $3  }
0x38: {  	[dreg:$0x1] =	wrdreg $0xFFFFFFFF  }
0x39: {  	_ =	task.clear_ibuf [dreg:s7], $0x2FFFF;
	_ =	strace $0x9FFFFFFF  }
0x3a: {  	(tm) =	ssettm $0x7FFFFFFF  }
0x3b: {  	_ =	shalt  }
tec
execute0_lowered:
.L_overlay_start_1:
0x0: {  	(tag) =	ssettag $0x1  }
0x1: {  	s0 =	srdreg.scid  }
0x2: {  	s1 =	sshll.u32 s0, $0x4  }
0x3: {  	s0 =	stileid.u32;
	s1 =	sand.u32 $0x10, s1  }
0x4: {  	s1 =	sor.u32 s0, s1  }
0x5: {  	s6 =	rddreg [dreg:$0x0];
	s4 =	simm.s32 $0x1;
	s2 =	sshll.u32 s1, $0x7  }
0x6: {  	s7 =	simm.s32 $0x2;
	s12 =	simm.s32 $0x0;
	s1 =	ssub.s32 $0x4000, s2  }
0x7: {  	s8 =	simm.s32 $0x20000;
	s13 =	simm.s32 $0x0;
	s3 =	sand.u32 $0xF80, s1  }
0x8: {  	s9 =	simm.s32 $0x0;
	s5 =	sshrl.u32 s1, $0xC;
	p0 =	sne.s32 s3, $0x0  }
.Ltmp0:
0x9: {  	s1 =	rddreg [dreg:$0x2];
	s4 =	simm.s32 @!p0 $0x0;
	(pc) =	sbr.rel .LBB1_1-.Ltmp0, $4  }
0xa: {  	s11 =	simm.s32 $0x0;
	s3 =	rddreg [dreg:$0x1];
	s5 =	sadd.s32 s4, s5  }
0xb: {  	_ =	strace $0x8000004D;
	s4 =	simm.s32 $0x1;
	s5 =	smul.u32 $0x1A, s5  }
0xc: {  	s6 =	sadd.s32 $0xE00, s6;
	s10 =	smov.u32 s2;
	[sflag:s4] =	ssyncpa.u1 $0x0  }
0xd: {  	p0 =	por $0x0, $0x0;
	[sflag:s7] =	ssyncpa.u1 $0x0;
	s7 =	sor.u32 $0x1, s5  }
.LBB1_4:
0xe: {  	s16 =	sshll.u32 s13, $0x3;
	s17 =	sand.u32 $0x78, s13  }
0xf: {  	s30 =	sand.u32 $0x1F800, s13;
	s12 =	sshll.u32 s12, $0x11;
	s16 =	sand.u32 $0x3C00, s16  }
0x10: {  	[tilespmem:s15+$0x810 ss:$0x81] =	vst.msk $0xffff, v2;
	s31 =	sand.u32 $0x7, s13;
	s16 =	sor.u32 s17, s16;
	s17 =	sadd.s32 s3, s30  }
0x11: {  	[tilespmem:s15+$0x1020 ss:$0x81] =	vst.msk $0xffff, v0;
	s13 =	sshll.u32 s31, $0x12;
	s12 =	sadd.s32 s12, s17;
	s16 =	sshrl.u32 s16, $0x3  }
0x12: {  	[tilespmem:s15+$0x0 ss:$0x81] =	vst.msk $0xffff, v1;
	s13 =	sor.u32 $0x400, s13;
	s12 =	sadd.s32 s16, s12  }
0x13: {  	[hbm4b:s12+s13] =	stream.strided.scatter [tilespmem:s14], [sflag:$0x2], $0x2000, s8, s13, $0x20;
	[tilespmem:$0x8080] =	vst v63  }
.LBB1_5:
0x14: {  	s14 =	sadd.s32 $0x1, s9  }
0x15: {  	s12 =	sadd.s32 $0x1000, s10;
	s16 =	smov.u32 s10;
	p2 =	sgt.s32 s14, $0x19  }
0x16: {  	s16 =	smov.u32 @p2 s12  }
0x17: {  	s14 =	simm.s32 @p2 $0x0;
	p2 =	sgt.s32 s16, $0x3FFF  }
0x18: {  	s16 =	smov.u32 @p2 s2;
	p2 =	sne.s32 s11, s7  }
.Ltmp1:
0x19: {  	p1 =	slt.u32 s11, $0x2;
	(pc) =	sbr.rel @!p2 .LBB1_6-.Ltmp1, $4  }
0x1a: {  	s15 =	simm.s32 @!p1 $0x2  }
0x1b: {  	s13 =	smov.u32 s10;
	p0 =	por !p0, !p0;
	_ =	swait.ge @!p1 [sflag:s15], $0x2000  }
0x1c: {  	s12 =	smov.u32 s9;
	[sflag:s15] =	ssyncset.done @!p1 $0x0;
	s9 =	smov.u32 s14  }
0x1d: {  	s11 =	sadd.s32 $0x1, s11;
	[sflag:s15] =	ssyncadd.s32 @!p1 $0xFFFFE000;
	s10 =	smov.u32 s16  }
.LBB1_1:
0x1e: {  	p1 =	sge.u32 s11, s5  }
0x1f: {  	s31 =	sadd.s32 $0xFFFFFFFF, s11;
	s14 =	sxor.u32 @!p1 $0xFFFFFFFF, s11  }
0x20: {  	s15 =	sshll.u32 @!p1 s10, $0x9;
	s16 =	sshll.u32 @!p1 s9, $0x4;
	s17 =	simm.s32 @!p1 $0x1000  }
0x21: {  	s14 =	sshll.u32 @!p1 s14, $0xD;
	s16 =	sand.u32 @!p1 $0x1F0, s16;
	s15 =	sadd.s32 @!p1 s6, s15  }
0x22: {  	s14 =	sand.u32 @!p1 $0x2000, s14;
	s15 =	sadd.s32 @!p1 s16, s15;
	s16 =	simm.s32 @!p1 $0x40  }
0x23: {  	[tilespmem:s14], [sflag:$0x1] =	stream.strided.gather @!p1 [hbm4b:s15+s16], $0x2000, s17, s16, $0x38;
	[tilespmem:$0x8080] =	vst v63  }
0x24: {  	p1 =	sge.u32 s31, s5  }
.Ltmp2:
0x25: {  	_ = 	snop;
	(pc) =	sbr.rel @p1 .LBB1_5-.Ltmp2, $1  }
0x26: {  	_ =	sdelay $0x3  }
0x27: {  	s14 =	simm.s32 $0x1  }
0x28: {  	_ =	swait.ge [sflag:s4], $0x2000;
	s14 =	simm.s32 @!p0 $0x0  }
0x29: {  	[sflag:s4] =	ssyncset.done $0x0;
	s15 =	sshll.u32 s14, $0xD  }
0x2a: {  	[sflag:s4] =	ssyncadd.s32 $0xFFFFE000;
	s18 =	sor.u32 $0x20, s15  }
0x2b: {  	s14 =	smul.u32 $0x8100, s14;
	v3 =	vld [tilespmem:s18+$0x10]  }
0x2c: {  	s30 =	sand.u32 $0x1, s11;
	v2 =	vld [tilespmem:s18+$0xFFFFFFF0]  }
0x2d: {  	s15 =	smul.u32 $0x8100, s30;
	s14 =	sshrl.u32 s14, $0x2;
	v0 =	vld [tilespmem:s18+$0x0]  }
0x2e: {  	v1 =	vld [tilespmem:s18+$0xFFFFFFE0];
	s16 =	sor.u32 $0x4000, s14  }
0x2f: {  	s31 =	sshrl.u32 s15, $0x2;
	s15 =	sadd.s32 $0x0, s16  }
0x30: {  	s17 =	simm.s32 $0x4;
	s18 =	sadd.s32 $0x40, s18;
	s14 =	sor.u32 $0x4000, s31;
	[tilespmem:s15+$0x1830 ss:$0x81] =	vst.msk $0xffff, v3  }
.LBB1_3:
0x31: {  	v3 =	vld [tilespmem:s18+$0x10];
	p1 =	sne.s32 s17, $0x1FC;
	[tilespmem:s15+$0x810 ss:$0x81] =	vst.msk $0xffff, v2;
	s19 =	smov.u32 s17;
	s17 =	sadd.s32 $0x4, s17  }
.Ltmp3:
0x32: {  	v2 =	vld [tilespmem:s18+$0xFFFFFFF0];
	[tilespmem:s15+$0x1020 ss:$0x81] =	vst.msk $0xffff, v0;
	(pc) =	sbr.rel @p1 .LBB1_3-.Ltmp3, $4  }
0x33: {  	v0 =	vld [tilespmem:s18+$0x0];
	[tilespmem:s15+$0x0 ss:$0x81] =	vst.msk $0xffff, v1  }
0x34: {  	s15 =	sshra.s32 s19, $0x2;
	v1 =	vld [tilespmem:s18+$0xFFFFFFE0]  }
0x35: {  	s15 =	sadd.s32 s15, s16  }
0x36: {  	s18 =	sadd.s32 $0x40, s18;
	[tilespmem:s15+$0x1830 ss:$0x81] =	vst.msk $0xffff, v3  }
.Ltmp4:
0x37: {  	_ = 	snop;
	(pc) =	sbr.rel .LBB1_4-.Ltmp4, $1  }
0x38: {  	_ =	sdelay $0x3  }
.LBB1_6:
0x39: {  	_ =	sfence.sel $0x180000  }
0x3a: {  	s2 =	simm.s32 $0x1;
	[bflag:$0x0] =	sbarrier.arrive $0xFFFF  }
0x3b: {  	s31 =	simm.s32 $0x2;
	[sflag:s2] =	ssyncpa.u1 $0x1  }
0x3c: {  	[sflag:s31] =	ssyncpa.u1 $0x1  }
0x3d: {  	p0 =	sne.s32 s0, $0x0;
	_ =	strace $0x9000004D  }
0x3e: {  	s0 =	sadd.s32 @!p0 $0x100000, s1;
	[bflag:$0x2] =	sbarrier.arrive $0xFFFF  }
0x3f: {  	[sflag:s0] =	ssyncadd.tile.s32 @!p0 $0x1;
	_ =	shalt  }
.Lfunc_end1:
_tile_overlayer_lowered:
.L_overlay_start_2:
0x40: {  	(tag) =	ssettag $0x2  }
0x41: {  	s0 =	rddreg [dreg:$0x0];
	s2 =	stileid.u32  }
0x42: {  	s1 =	rddreg [dreg:$0x1];
	p0 =	sne.s32 s2, $0x0  }
0x43: {  	s3 =	rddreg [dreg:$0x2];
	[bflag:$0x3] =	sbarrier.arrive $0xFFFF;
	s2 =	simm.s32 @!p0 $0x1C01  }
0x44: {  	[timem:s3], [sflag:s2] =	dma.local @!p0 [hbm:s0], s1  }
0x45: {  	s0 =	simm.s32 @!p0 $0x1  }
0x46: {  	_ =	swait.ge @!p0 [sflag:s0], s1  }
0x47: {  	s1 =	ssub.s32 @!p0 $0x0, s1;
	[sflag:s0] =	ssyncset.done @!p0 $0x0  }
0x48: {  	[sflag:s0] =	ssyncadd.s32 @!p0 s1  }
0x49: {  	[bflag:$0x3] =	sbarrier.arrive $0xFFFF  }
0x4a: {  	_ =	shalt  }

</sc_bundles>
